<compile_context>
chip_gen: v7x
topology: tpu7x:2x2x1
jax: 0.10.2.dev20260603
libtpu: 0.0.44.dev20260713+nightly
codegen_flags: <defaults>
</compile_context>

<pallas_src>
import functools

import jax
import jax.numpy as jnp
from jax import lax
from jax.experimental import pallas as pl
from jax.experimental.pallas import tpu as pltpu
from jax.experimental.pallas import tpu_sc as plsc

_VOCAB = 1000
_VPAD = 1024
_EMB = 8
_BATCH = 1024
_SEQ = 50
_SEQ_PAD = 56
_HALF_A = 24
_HALF_B = _SEQ - _HALF_A

_NC = 2
_NS = 16
_NW = _NC * _NS
_NSPLIT = 1
_CHUNK_B = _BATCH // _NSPLIT


def _table_body(embed_ref, w_ref, b_ref, out_ref):
    t = lax.dot_general(
        embed_ref[...], w_ref[...],
        (((1,), (1,)), ((), ())),
        preferred_element_type=jnp.float32,
    ) + b_ref[...]
    out_ref[...] = t.reshape(_VOCAB, 8, 128)


def _make_table3(embed, w_pad, b_pad):
    return pl.pallas_call(
        _table_body,
        out_shape=jax.ShapeDtypeStruct((_VOCAB, 8, 128), jnp.float32),
    )(embed, w_pad, b_pad.reshape(1, _VPAD))


_sc_mesh = plsc.VectorSubcoreMesh(core_axis_name="c", subcore_axis_name="s")

_BATCH_PER_W = _CHUNK_B // _NW
_IDS_PER_W = _BATCH_PER_W * _SEQ_PAD

_SC_SCRATCH = [
    pltpu.VMEM((_IDS_PER_W,), jnp.int32),
    pltpu.VMEM((_HALF_A, 8, 128), jnp.float32),
    pltpu.VMEM((_HALF_B, 8, 128), jnp.float32),
    pltpu.VMEM((_SEQ, _VOCAB), jnp.float32),
    pltpu.SemaphoreType.DMA,
    pltpu.SemaphoreType.DMA,
    pltpu.SemaphoreType.DMA,
]


def _sc_gather_body(t3_hbm, ids_hbm, out_hbm,
                    idx_v, b3a, b3b, buf, sa, sb, sw):
    wid = lax.axis_index("s") * _NC + lax.axis_index("c")
    batch0 = wid * _BATCH_PER_W
    pltpu.sync_copy(ids_hbm.at[pl.ds(wid * _IDS_PER_W, _IDS_PER_W)], idx_v)

    def idx_at(g, local_off, n):
        off = pl.multiple_of(g * _SEQ_PAD + local_off, 8)
        return idx_v.at[pl.ds(off, n)]

    def start_a(g):
        pltpu.async_copy(t3_hbm.at[idx_at(g, 0, _HALF_A)], b3a, sa)

    def start_b(g):
        pltpu.async_copy(t3_hbm.at[idx_at(g, _HALF_A, _HALF_B)], b3b, sb)

    def wait_half(b3, sem):
        pltpu.make_async_copy(t3_hbm.at[idx_at(0, 0, b3.shape[0])], b3, sem).wait()

    def vec_half(b3, row0, nrows):
        @plsc.parallel_loop(0, nrows, 1, unroll=2)
        def _(rr):
            r = row0 + rr
            for i in range(7):
                vals = [b3[rr, i, pl.ds(16 * j, 16)] for j in range(8)]
                for j in range(8):
                    buf[r, pl.ds(128 * i + 16 * j, 16)] = vals[j]
            vtail = b3[rr, 7, pl.ds(88, 16)]
            vals = [b3[rr, 7, pl.ds(16 * j, 16)] for j in range(6)]
            buf[r, pl.ds(_VOCAB - 16, 16)] = vtail
            for j in range(6):
                buf[r, pl.ds(896 + 16 * j, 16)] = vals[j]

    def wait_write():
        pltpu.make_async_copy(buf, out_hbm.at[batch0], sw).wait()

    start_a(0)
    start_b(0)

    def body(g, carry):
        wait_half(b3a, sa)

        @pl.when(g > 0)
        def _():
            wait_write()

        vec_half(b3a, 0, _HALF_A)

        @pl.when(g + 1 < _BATCH_PER_W)
        def _():
            start_a(g + 1)

        wait_half(b3b, sb)
        vec_half(b3b, _HALF_A, _HALF_B)

        @pl.when(g + 1 < _BATCH_PER_W)
        def _():
            start_b(g + 1)

        pltpu.async_copy(buf, out_hbm.at[batch0 + g], sw)
        return carry

    lax.fori_loop(0, _BATCH_PER_W, body, 0)
    wait_write()


_sc_gather = pl.kernel(
    _sc_gather_body,
    out_type=jax.ShapeDtypeStruct((_CHUNK_B, _SEQ, _VOCAB), jnp.float32),
    mesh=_sc_mesh,
    scratch_types=_SC_SCRATCH,
)


def kernel(input_ids, embed, W, b):
    w_pad = jnp.pad(W, ((0, _VPAD - _VOCAB), (0, 0)))
    b_pad = jnp.pad(b, (0, _VPAD - _VOCAB))
    t3 = _make_table3(embed, w_pad, b_pad)
    ids_pad = jnp.pad(
        input_ids.astype(jnp.int32), ((0, 0), (0, _SEQ_PAD - _SEQ))
    ).reshape(_BATCH * _SEQ_PAD)
    return _sc_gather(t3, ids_pad)

# --- scband reference (transcript-rebuilt; emitter-appended) ---
"""Pipeline reference for scband-fake-lm-1632087573112 (READ-ONLY COPY).

The authoritative reference and input builder live on the scoring server;
editing this copy changes nothing except your own understanding.
"""

import jax, jax.numpy as jnp
import numpy as np

VOCAB = 1000
EMBED_DIM = 8
BATCH = 1024
SEQ = 50


def setup_inputs(seed: int = 0) -> dict:
    key = jax.random.key(seed)
    k1, k2, k3, k4 = jax.random.split(key, 4)
    input_ids = jax.random.randint(k1, (BATCH, SEQ), 0, VOCAB, dtype=jnp.int64 if jax.config.jax_enable_x64 else jnp.int32)
    # nn.Embedding default init: N(0, 1)
    embed = jax.random.normal(k2, (VOCAB, EMBED_DIM), dtype=jnp.float32)
    # nn.Linear default init: U(-1/sqrt(in), 1/sqrt(in)); weight shape [out, in]
    bound = 1.0 / np.sqrt(EMBED_DIM)
    W = jax.random.uniform(k3, (VOCAB, EMBED_DIM), dtype=jnp.float32, minval=-bound, maxval=bound)
    b = jax.random.uniform(k4, (VOCAB,), dtype=jnp.float32, minval=-bound, maxval=bound)
    return {"input_ids": input_ids, "embed": embed, "W": W, "b": b}


def reference(input_ids, embed, W, b):
    # h = self.embed(input_ids)  -> gather rows of embedding table
    h = jnp.take(embed, input_ids, axis=0)  # [B, S, 8]
    # logits = self.head(h)  -> h @ W.T + b
    logits = jnp.einsum('bsd,vd->bsv', h, W) + b  # [B, S, VOCAB]
    return logits

if __name__ == "__main__":
    import jax
    _d = setup_inputs()
    print(jax.jit(kernel)(*tuple(_d.values())))

</pallas_src>

<mosaic_0001>
#map = affine_map<(d0, d1) -> (0, 0, 0)>
#map1 = affine_map<(d0, d1) -> (0)>
module attributes {stable_mosaic.version = 14 : i64} {
  func.func @_sc_gather_body(%arg0: i32, %arg1: i32, %arg2: memref<1000x8x128xf32, #tpu.memory_space<hbm>>, %arg3: memref<57344xi32, #tpu.memory_space<hbm>>, %arg4: memref<1024x50x1000xf32, #tpu.memory_space<hbm>>, %arg5: memref<1792xi32, #tpu.memory_space<vmem>>, %arg6: memref<24x8x128xf32, #tpu.memory_space<vmem>>, %arg7: memref<26x8x128xf32, #tpu.memory_space<vmem>>, %arg8: memref<50x1000xf32, #tpu.memory_space<vmem>>, %arg9: memref<!tpu.dma_semaphore, #tpu.memory_space<semaphore_mem>>, %arg10: memref<!tpu.dma_semaphore, #tpu.memory_space<semaphore_mem>>, %arg11: memref<!tpu.dma_semaphore, #tpu.memory_space<semaphore_mem>>) attributes {dimension_semantics = [#tpu.dimension_semantics<core_parallel>, #tpu.dimension_semantics<subcore_parallel>], iteration_bounds = array<i64: 2, 16>, scalar_prefetch = 0 : i64, scratch_operands = 7 : i64, tpu.core_type = #tpu.core_type<sc_vector_subcore>, window_params = [{transform_indices = #map}, {transform_indices = #map1}, {transform_indices = #map}]} {
    %mul3A = arith.constant 2 : i32
    %mul3A_0 = arith.muli %arg1, %mul3A : i32
    %add3A = arith.addi %mul3A_0, %arg0 : i32
    %mul3A_1 = arith.constant 32 : i32
    %mul3A_2 = arith.muli %add3A, %mul3A_1 : i32
    %mul3A_3 = arith.constant 1792 : i32
    %mul3A_4 = arith.muli %add3A, %mul3A_3 : i32
    "tpu.region"() ({
      %run_scoped3A = tpu.sem_alloc : memref<!tpu.dma_semaphore, #tpu.memory_space<semaphore_mem>>
      %dma_start3A_29 = tpu.memref_slice %arg3[%mul3A_4] : memref<57344xi32, #tpu.memory_space<hbm>> -> memref<1792xi32, #tpu.memory_space<hbm>>
      %dma_start3A_30 = tpu.memref_slice %arg3[%mul3A_4] : memref<57344xi32, #tpu.memory_space<hbm>> -> memref<1792xi32, #tpu.memory_space<hbm>>
      tpu.enqueue_dma source(%dma_start3A_30 : memref<1792xi32, #tpu.memory_space<hbm>>) target(%arg5 : memref<1792xi32, #tpu.memory_space<vmem>>) target_semaphore(%run_scoped3A : memref<!tpu.dma_semaphore, #tpu.memory_space<semaphore_mem>>)
      %dma_wait3A_31 = tpu.memref_slice %arg3[%mul3A_4] : memref<57344xi32, #tpu.memory_space<hbm>> -> memref<1792xi32, #tpu.memory_space<hbm>>
      %dma_wait3A_32 = tpu.memref_slice %arg3[%mul3A_4] : memref<57344xi32, #tpu.memory_space<hbm>> -> memref<1792xi32, #tpu.memory_space<hbm>>
      tpu.wait_dma2 semaphore(%run_scoped3A : memref<!tpu.dma_semaphore, #tpu.memory_space<semaphore_mem>>) src(%dma_wait3A_32 : memref<1792xi32, #tpu.memory_space<hbm>>) dst(%arg5 : memref<1792xi32, #tpu.memory_space<vmem>>)
      tpu.yield
    }) : () -> ()
    %multiple_of3A = arith.constant 0 : i32
    %multiple_of3A_5 = tpu.assume_multiple %multiple_of3A, 8 : i32
    %dma_start3A = tpu.memref_slice %arg5[%multiple_of3A_5] : memref<1792xi32, #tpu.memory_space<vmem>> -> memref<24xi32, #tpu.memory_space<vmem>>
    %dma_start3A_6 = arith.constant 0 : i32
    %dma_start3A_7 = arith.constant 0 : i32
    %dma_start3A_8 = arith.constant 0 : i32
    %dma_start3A_9 = tpu.memref_slice %arg2[%dma_start3A_6, %dma_start3A_7, %dma_start3A_8] : memref<1000x8x128xf32, #tpu.memory_space<hbm>> -> memref<1000x8x128xf32, #tpu.memory_space<hbm>>
    tpu.enqueue_indirect_dma source(%dma_start3A_9 : memref<1000x8x128xf32, #tpu.memory_space<hbm>>) target(%arg6 : memref<24x8x128xf32, #tpu.memory_space<vmem>>) offsets(%dma_start3A : memref<24xi32, #tpu.memory_space<vmem>>) semaphore(%arg9 : memref<!tpu.dma_semaphore, #tpu.memory_space<semaphore_mem>>)
    %multiple_of3A_10 = arith.constant 24 : i32
    %multiple_of3A_11 = tpu.assume_multiple %multiple_of3A_10, 8 : i32
    %dma_start3A_12 = tpu.memref_slice %arg5[%multiple_of3A_11] : memref<1792xi32, #tpu.memory_space<vmem>> -> memref<26xi32, #tpu.memory_space<vmem>>
    %dma_start3A_13 = arith.constant 0 : i32
    %dma_start3A_14 = arith.constant 0 : i32
    %dma_start3A_15 = arith.constant 0 : i32
    %dma_start3A_16 = tpu.memref_slice %arg2[%dma_start3A_13, %dma_start3A_14, %dma_start3A_15] : memref<1000x8x128xf32, #tpu.memory_space<hbm>> -> memref<1000x8x128xf32, #tpu.memory_space<hbm>>
    tpu.enqueue_indirect_dma source(%dma_start3A_16 : memref<1000x8x128xf32, #tpu.memory_space<hbm>>) target(%arg7 : memref<26x8x128xf32, #tpu.memory_space<vmem>>) offsets(%dma_start3A_12 : memref<26xi32, #tpu.memory_space<vmem>>) semaphore(%arg10 : memref<!tpu.dma_semaphore, #tpu.memory_space<semaphore_mem>>)
    %scan3A = arith.constant 0 : i32
    %scan3A_17 = arith.constant 0 : i32
    %scan3A_18 = arith.constant 32 : i32
    %scan3A_19 = arith.addi %scan3A_17, %scan3A_18 : i32
    %scan3A_20 = arith.constant 1 : i32
    scf.for %scan3A_29 = %scan3A_17 to %scan3A_19 step %scan3A_20  : i32 {
      %multiple_of3A_30 = arith.constant 0 : i32
      %multiple_of3A_31 = tpu.assume_multiple %multiple_of3A_30, 8 : i32
      %dma_wait3A_32 = tpu.memref_slice %arg5[%multiple_of3A_31] : memref<1792xi32, #tpu.memory_space<vmem>> -> memref<24xi32, #tpu.memory_space<vmem>>
      %dma_wait3A_33 = arith.constant 0 : i32
      %dma_wait3A_34 = arith.constant 0 : i32
      %dma_wait3A_35 = arith.constant 0 : i32
      %dma_wait3A_36 = tpu.memref_slice %arg2[%dma_wait3A_33, %dma_wait3A_34, %dma_wait3A_35] : memref<1000x8x128xf32, #tpu.memory_space<hbm>> -> memref<1000x8x128xf32, #tpu.memory_space<hbm>>
      tpu.wait_indirect_dma semaphore(%arg9 : memref<!tpu.dma_semaphore, #tpu.memory_space<semaphore_mem>>) src(%dma_wait3A_36 : memref<1000x8x128xf32, #tpu.memory_space<hbm>>) dst(%arg6 : memref<24x8x128xf32, #tpu.memory_space<vmem>>)
      %gt3A = arith.constant 0 : i32
      %gt3A_37 = arith.cmpi sgt, %scan3A_29, %gt3A : i32
      %convert_element_type3A = arith.extui %gt3A_37 : i1 to i32
      %cond3A = arith.constant 0 : i32
      %cond3A_38 = arith.cmpi ne, %convert_element_type3A, %cond3A : i32
      scf.if %cond3A_38 {
        %dma_wait3A_73 = arith.constant 0 : i32
        %dma_wait3A_74 = arith.constant 0 : i32
        %dma_wait3A_75 = tpu.memref_slice %arg4[%mul3A_2, %dma_wait3A_73, %dma_wait3A_74] : memref<1024x50x1000xf32, #tpu.memory_space<hbm>> -> memref<1x50x1000xf32, #tpu.memory_space<hbm>>
        %dma_wait3A_76 = tpu.memref_squeeze %dma_wait3A_75 : memref<1x50x1000xf32, #tpu.memory_space<hbm>> -> memref<50x1000xf32, #tpu.memory_space<hbm>>
        %dma_wait3A_77 = arith.constant 0 : i32
        %dma_wait3A_78 = arith.constant 0 : i32
        %dma_wait3A_79 = tpu.memref_slice %arg4[%mul3A_2, %dma_wait3A_77, %dma_wait3A_78] : memref<1024x50x1000xf32, #tpu.memory_space<hbm>> -> memref<1x50x1000xf32, #tpu.memory_space<hbm>>
        %dma_wait3A_80 = tpu.memref_squeeze %dma_wait3A_79 : memref<1x50x1000xf32, #tpu.memory_space<hbm>> -> memref<50x1000xf32, #tpu.memory_space<hbm>>
        tpu.wait_dma2 semaphore(%arg11 : memref<!tpu.dma_semaphore, #tpu.memory_space<semaphore_mem>>) src(%arg8 : memref<50x1000xf32, #tpu.memory_space<vmem>>) dst(%dma_wait3A_80 : memref<50x1000xf32, #tpu.memory_space<hbm>>)
      } else {
      }
      %parallel_loop3A = arith.constant 0 : i32
      %parallel_loop3A_39 = arith.constant 24 : i32
      %parallel_loop3A_40 = arith.constant 1 : i32
      scf.for %parallel_loop3A_73 = %parallel_loop3A to %parallel_loop3A_39 step %parallel_loop3A_40  : i32 {
        %parallel_loop3A_74 = arith.constant 0 : i32
        %parallel_loop3A_75 = arith.addi %parallel_loop3A_74, %parallel_loop3A_73 : i32
        %parallel_loop3A_76 = arith.constant 0 : i32
        %parallel_loop3A_77 = arith.index_cast %parallel_loop3A_73 : i32 to index
        %parallel_loop3A_78 = arith.index_cast %parallel_loop3A_76 : i32 to index
        %parallel_loop3A_79 = arith.constant 0 : index
        %parallel_loop3A_80 = tpu.vector_load %arg6[%parallel_loop3A_77, %parallel_loop3A_78, %parallel_loop3A_79] {strides = array<i32>} : memref<24x8x128xf32, #tpu.memory_space<vmem>>, vector<1x1x16xf32>,
        %parallel_loop3A_81 = vector.shape_cast %parallel_loop3A_80 : vector<1x1x16xf32> to vector<16xf32>
        %parallel_loop3A_82 = arith.constant 0 : i32
        %parallel_loop3A_83 = arith.index_cast %parallel_loop3A_73 : i32 to index
        %parallel_loop3A_84 = arith.index_cast %parallel_loop3A_82 : i32 to index
        %parallel_loop3A_85 = arith.constant 16 : index
        %parallel_loop3A_86 = tpu.vector_load %arg6[%parallel_loop3A_83, %parallel_loop3A_84, %parallel_loop3A_85] {strides = array<i32>} : memref<24x8x128xf32, #tpu.memory_space<vmem>>, vector<1x1x16xf32>,
        %parallel_loop3A_87 = vector.shape_cast %parallel_loop3A_86 : vector<1x1x16xf32> to vector<16xf32>
        %parallel_loop3A_88 = arith.constant 0 : i32
        %parallel_loop3A_89 = arith.index_cast %parallel_loop3A_73 : i32 to index
        %parallel_loop3A_90 = arith.index_cast %parallel_loop3A_88 : i32 to index
        %parallel_loop3A_91 = arith.constant 32 : index
        %parallel_loop3A_92 = tpu.vector_load %arg6[%parallel_loop3A_89, %parallel_loop3A_90, %parallel_loop3A_91] {strides = array<i32>} : memref<24x8x128xf32, #tpu.memory_space<vmem>>, vector<1x1x16xf32>,
        %parallel_loop3A_93 = vector.shape_cast %parallel_loop3A_92 : vector<1x1x16xf32> to vector<16xf32>
        %parallel_loop3A_94 = arith.constant 0 : i32
        %parallel_loop3A_95 = arith.index_cast %parallel_loop3A_73 : i32 to index
        %parallel_loop3A_96 = arith.index_cast %parallel_loop3A_94 : i32 to index
        %parallel_loop3A_97 = arith.constant 48 : index
        %parallel_loop3A_98 = tpu.vector_load %arg6[%parallel_loop3A_95, %parallel_loop3A_96, %parallel_loop3A_97] {strides = array<i32>} : memref<24x8x128xf32, #tpu.memory_space<vmem>>, vector<1x1x16xf32>,
        %parallel_loop3A_99 = vector.shape_cast %parallel_loop3A_98 : vector<1x1x16xf32> to vector<16xf32>
        %parallel_loop3A_100 = arith.constant 0 : i32
        %parallel_loop3A_101 = arith.index_cast %parallel_loop3A_73 : i32 to index
        %parallel_loop3A_102 = arith.index_cast %parallel_loop3A_100 : i32 to index
        %parallel_loop3A_103 = arith.constant 64 : index
        %parallel_loop3A_104 = tpu.vector_load %arg6[%parallel_loop3A_101, %parallel_loop3A_102, %parallel_loop3A_103] {strides = array<i32>} : memref<24x8x128xf32, #tpu.memory_space<vmem>>, vector<1x1x16xf32>,
        %parallel_loop3A_105 = vector.shape_cast %parallel_loop3A_104 : vector<1x1x16xf32> to vector<16xf32>
        %parallel_loop3A_106 = arith.constant 0 : i32
        %parallel_loop3A_107 = arith.index_cast %parallel_loop3A_73 : i32 to index
        %parallel_loop3A_108 = arith.index_cast %parallel_loop3A_106 : i32 to index
        %parallel_loop3A_109 = arith.constant 80 : index
        %parallel_loop3A_110 = tpu.vector_load %arg6[%parallel_loop3A_107, %parallel_loop3A_108, %parallel_loop3A_109] {strides = array<i32>} : memref<24x8x128xf32, #tpu.memory_space<vmem>>, vector<1x1x16xf32>,
        %parallel_loop3A_111 = vector.shape_cast %parallel_loop3A_110 : vector<1x1x16xf32> to vector<16xf32>
        %parallel_loop3A_112 = arith.constant 0 : i32
        %parallel_loop3A_113 = arith.index_cast %parallel_loop3A_73 : i32 to index
        %parallel_loop3A_114 = arith.index_cast %parallel_loop3A_112 : i32 to index
        %parallel_loop3A_115 = arith.constant 96 : index
        %parallel_loop3A_116 = tpu.vector_load %arg6[%parallel_loop3A_113, %parallel_loop3A_114, %parallel_loop3A_115] {strides = array<i32>} : memref<24x8x128xf32, #tpu.memory_space<vmem>>, vector<1x1x16xf32>,
        %parallel_loop3A_117 = vector.shape_cast %parallel_loop3A_116 : vector<1x1x16xf32> to vector<16xf32>
        %parallel_loop3A_118 = arith.constant 0 : i32
        %parallel_loop3A_119 = arith.index_cast %parallel_loop3A_73 : i32 to index
        %parallel_loop3A_120 = arith.index_cast %parallel_loop3A_118 : i32 to index
        %parallel_loop3A_121 = arith.constant 112 : index
        %parallel_loop3A_122 = tpu.vector_load %arg6[%parallel_loop3A_119, %parallel_loop3A_120, %parallel_loop3A_121] {strides = array<i32>} : memref<24x8x128xf32, #tpu.memory_space<vmem>>, vector<1x1x16xf32>,
        %parallel_loop3A_123 = vector.shape_cast %parallel_loop3A_122 : vector<1x1x16xf32> to vector<16xf32>
        %parallel_loop3A_124 = arith.index_cast %parallel_loop3A_75 : i32 to index
        %parallel_loop3A_125 = arith.constant 0 : index
        %parallel_loop3A_126 = tpu.vector_load %arg8[%parallel_loop3A_124, %parallel_loop3A_125] {strides = array<i32>} : memref<50x1000xf32, #tpu.memory_space<vmem>>, vector<1x16xf32>,
        %parallel_loop3A_127 = vector.shape_cast %parallel_loop3A_126 : vector<1x16xf32> to vector<16xf32>
        %parallel_loop3A_128 = vector.shape_cast %parallel_loop3A_81 : vector<16xf32> to vector<1x16xf32>
        tpu.vector_store %arg8[%parallel_loop3A_124, %parallel_loop3A_125], %parallel_loop3A_128 {strides = array<i32>} : memref<50x1000xf32, #tpu.memory_space<vmem>>, vector<1x16xf32>,
        %parallel_loop3A_129 = arith.index_cast %parallel_loop3A_75 : i32 to index
        %parallel_loop3A_130 = arith.constant 16 : index
        %parallel_loop3A_131 = tpu.vector_load %arg8[%parallel_loop3A_129, %parallel_loop3A_130] {strides = array<i32>} : memref<50x1000xf32, #tpu.memory_space<vmem>>, vector<1x16xf32>,
        %parallel_loop3A_132 = vector.shape_cast %parallel_loop3A_131 : vector<1x16xf32> to vector<16xf32>
        %parallel_loop3A_133 = vector.shape_cast %parallel_loop3A_87 : vector<16xf32> to vector<1x16xf32>
        tpu.vector_store %arg8[%parallel_loop3A_129, %parallel_loop3A_130], %parallel_loop3A_133 {strides = array<i32>} : memref<50x1000xf32, #tpu.memory_space<vmem>>, vector<1x16xf32>,
        %parallel_loop3A_134 = arith.index_cast %parallel_loop3A_75 : i32 to index
        %parallel_loop3A_135 = arith.constant 32 : index
        %parallel_loop3A_136 = tpu.vector_load %arg8[%parallel_loop3A_134, %parallel_loop3A_135] {strides = array<i32>} : memref<50x1000xf32, #tpu.memory_space<vmem>>, vector<1x16xf32>,
        %parallel_loop3A_137 = vector.shape_cast %parallel_loop3A_136 : vector<1x16xf32> to vector<16xf32>
        %parallel_loop3A_138 = vector.shape_cast %parallel_loop3A_93 : vector<16xf32> to vector<1x16xf32>
        tpu.vector_store %arg8[%parallel_loop3A_134, %parallel_loop3A_135], %parallel_loop3A_138 {strides = array<i32>} : memref<50x1000xf32, #tpu.memory_space<vmem>>, vector<1x16xf32>,
        %parallel_loop3A_139 = arith.index_cast %parallel_loop3A_75 : i32 to index
        %parallel_loop3A_140 = arith.constant 48 : index
        %parallel_loop3A_141 = tpu.vector_load %arg8[%parallel_loop3A_139, %parallel_loop3A_140] {strides = array<i32>} : memref<50x1000xf32, #tpu.memory_space<vmem>>, vector<1x16xf32>,
        %parallel_loop3A_142 = vector.shape_cast %parallel_loop3A_141 : vector<1x16xf32> to vector<16xf32>
        %parallel_loop3A_143 = vector.shape_cast %parallel_loop3A_99 : vector<16xf32> to vector<1x16xf32>
        tpu.vector_store %arg8[%parallel_loop3A_139, %parallel_loop3A_140], %parallel_loop3A_143 {strides = array<i32>} : memref<50x1000xf32, #tpu.memory_space<vmem>>, vector<1x16xf32>,
        %parallel_loop3A_144 = arith.index_cast %parallel_loop3A_75 : i32 to index
        %parallel_loop3A_145 = arith.constant 64 : index
        %parallel_loop3A_146 = tpu.vector_load %arg8[%parallel_loop3A_144, %parallel_loop3A_145] {strides = array<i32>} : memref<50x1000xf32, #tpu.memory_space<vmem>>, vector<1x16xf32>,
        %parallel_loop3A_147 = vector.shape_cast %parallel_loop3A_146 : vector<1x16xf32> to vector<16xf32>
        %parallel_loop3A_148 = vector.shape_cast %parallel_loop3A_105 : vector<16xf32> to vector<1x16xf32>
        tpu.vector_store %arg8[%parallel_loop3A_144, %parallel_loop3A_145], %parallel_loop3A_148 {strides = array<i32>} : memref<50x1000xf32, #tpu.memory_space<vmem>>, vector<1x16xf32>,
        %parallel_loop3A_149 = arith.index_cast %parallel_loop3A_75 : i32 to index
        %parallel_loop3A_150 = arith.constant 80 : index
        %parallel_loop3A_151 = tpu.vector_load %arg8[%parallel_loop3A_149, %parallel_loop3A_150] {strides = array<i32>} : memref<50x1000xf32, #tpu.memory_space<vmem>>, vector<1x16xf32>,
        %parallel_loop3A_152 = vector.shape_cast %parallel_loop3A_151 : vector<1x16xf32> to vector<16xf32>
        %parallel_loop3A_153 = vector.shape_cast %parallel_loop3A_111 : vector<16xf32> to vector<1x16xf32>
        tpu.vector_store %arg8[%parallel_loop3A_149, %parallel_loop3A_150], %parallel_loop3A_153 {strides = array<i32>} : memref<50x1000xf32, #tpu.memory_space<vmem>>, vector<1x16xf32>,
        %parallel_loop3A_154 = arith.index_cast %parallel_loop3A_75 : i32 to index
        %parallel_loop3A_155 = arith.constant 96 : index
        %parallel_loop3A_156 = tpu.vector_load %arg8[%parallel_loop3A_154, %parallel_loop3A_155] {strides = array<i32>} : memref<50x1000xf32, #tpu.memory_space<vmem>>, vector<1x16xf32>,
        %parallel_loop3A_157 = vector.shape_cast %parallel_loop3A_156 : vector<1x16xf32> to vector<16xf32>
        %parallel_loop3A_158 = vector.shape_cast %parallel_loop3A_117 : vector<16xf32> to vector<1x16xf32>
        tpu.vector_store %arg8[%parallel_loop3A_154, %parallel_loop3A_155], %parallel_loop3A_158 {strides = array<i32>} : memref<50x1000xf32, #tpu.memory_space<vmem>>, vector<1x16xf32>,
        %parallel_loop3A_159 = arith.index_cast %parallel_loop3A_75 : i32 to index
        %parallel_loop3A_160 = arith.constant 112 : index
        %parallel_loop3A_161 = tpu.vector_load %arg8[%parallel_loop3A_159, %parallel_loop3A_160] {strides = array<i32>} : memref<50x1000xf32, #tpu.memory_space<vmem>>, vector<1x16xf32>,
        %parallel_loop3A_162 = vector.shape_cast %parallel_loop3A_161 : vector<1x16xf32> to vector<16xf32>
        %parallel_loop3A_163 = vector.shape_cast %parallel_loop3A_123 : vector<16xf32> to vector<1x16xf32>
        tpu.vector_store %arg8[%parallel_loop3A_159, %parallel_loop3A_160], %parallel_loop3A_163 {strides = array<i32>} : memref<50x1000xf32, #tpu.memory_space<vmem>>, vector<1x16xf32>,
        %parallel_loop3A_164 = arith.constant 1 : i32
        %parallel_loop3A_165 = arith.index_cast %parallel_loop3A_73 : i32 to index
        %parallel_loop3A_166 = arith.index_cast %parallel_loop3A_164 : i32 to index
        %parallel_loop3A_167 = arith.constant 0 : index
        %parallel_loop3A_168 = tpu.vector_load %arg6[%parallel_loop3A_165, %parallel_loop3A_166, %parallel_loop3A_167] {strides = array<i32>} : memref<24x8x128xf32, #tpu.memory_space<vmem>>, vector<1x1x16xf32>,
        %parallel_loop3A_169 = vector.shape_cast %parallel_loop3A_168 : vector<1x1x16xf32> to vector<16xf32>
        %parallel_loop3A_170 = arith.constant 1 : i32
        %parallel_loop3A_171 = arith.index_cast %parallel_loop3A_73 : i32 to index
        %parallel_loop3A_172 = arith.index_cast %parallel_loop3A_170 : i32 to index
        %parallel_loop3A_173 = arith.constant 16 : index
        %parallel_loop3A_174 = tpu.vector_load %arg6[%parallel_loop3A_171, %parallel_loop3A_172, %parallel_loop3A_173] {strides = array<i32>} : memref<24x8x128xf32, #tpu.memory_space<vmem>>, vector<1x1x16xf32>,
        %parallel_loop3A_175 = vector.shape_cast %parallel_loop3A_174 : vector<1x1x16xf32> to vector<16xf32>
        %parallel_loop3A_176 = arith.constant 1 : i32
        %parallel_loop3A_177 = arith.index_cast %parallel_loop3A_73 : i32 to index
        %parallel_loop3A_178 = arith.index_cast %parallel_loop3A_176 : i32 to index
        %parallel_loop3A_179 = arith.constant 32 : index
        %parallel_loop3A_180 = tpu.vector_load %arg6[%parallel_loop3A_177, %parallel_loop3A_178, %parallel_loop3A_179] {strides = array<i32>} : memref<24x8x128xf32, #tpu.memory_space<vmem>>, vector<1x1x16xf32>,
        %parallel_loop3A_181 = vector.shape_cast %parallel_loop3A_180 : vector<1x1x16xf32> to vector<16xf32>
        %parallel_loop3A_182 = arith.constant 1 : i32
        %parallel_loop3A_183 = arith.index_cast %parallel_loop3A_73 : i32 to index
        %parallel_loop3A_184 = arith.index_cast %parallel_loop3A_182 : i32 to index
        %parallel_loop3A_185 = arith.constant 48 : index
        %parallel_loop3A_186 = tpu.vector_load %arg6[%parallel_loop3A_183, %parallel_loop3A_184, %parallel_loop3A_185] {strides = array<i32>} : memref<24x8x128xf32, #tpu.memory_space<vmem>>, vector<1x1x16xf32>,
        %parallel_loop3A_187 = vector.shape_cast %parallel_loop3A_186 : vector<1x1x16xf32> to vector<16xf32>
        %parallel_loop3A_188 = arith.constant 1 : i32
        %parallel_loop3A_189 = arith.index_cast %parallel_loop3A_73 : i32 to index
        %parallel_loop3A_190 = arith.index_cast %parallel_loop3A_188 : i32 to index
        %parallel_loop3A_191 = arith.constant 64 : index
        %parallel_loop3A_192 = tpu.vector_load %arg6[%parallel_loop3A_189, %parallel_loop3A_190, %parallel_loop3A_191] {strides = array<i32>} : memref<24x8x128xf32, #tpu.memory_space<vmem>>, vector<1x1x16xf32>,
        %parallel_loop3A_193 = vector.shape_cast %parallel_loop3A_192 : vector<1x1x16xf32> to vector<16xf32>
        %parallel_loop3A_194 = arith.constant 1 : i32
        %parallel_loop3A_195 = arith.index_cast %parallel_loop3A_73 : i32 to index
        %parallel_loop3A_196 = arith.index_cast %parallel_loop3A_194 : i32 to index
        %parallel_loop3A_197 = arith.constant 80 : index
        %parallel_loop3A_198 = tpu.vector_load %arg6[%parallel_loop3A_195, %parallel_loop3A_196, %parallel_loop3A_197] {strides = array<i32>} : memref<24x8x128xf32, #tpu.memory_space<vmem>>, vector<1x1x16xf32>,
        %parallel_loop3A_199 = vector.shape_cast %parallel_loop3A_198 : vector<1x1x16xf32> to vector<16xf32>
        %parallel_loop3A_200 = arith.constant 1 : i32
        %parallel_loop3A_201 = arith.index_cast %parallel_loop3A_73 : i32 to index
        %parallel_loop3A_202 = arith.index_cast %parallel_loop3A_200 : i32 to index
        %parallel_loop3A_203 = arith.constant 96 : index
        %parallel_loop3A_204 = tpu.vector_load %arg6[%parallel_loop3A_201, %parallel_loop3A_202, %parallel_loop3A_203] {strides = array<i32>} : memref<24x8x128xf32, #tpu.memory_space<vmem>>, vector<1x1x16xf32>,
        %parallel_loop3A_205 = vector.shape_cast %parallel_loop3A_204 : vector<1x1x16xf32> to vector<16xf32>
        %parallel_loop3A_206 = arith.constant 1 : i32
        %parallel_loop3A_207 = arith.index_cast %parallel_loop3A_73 : i32 to index
        %parallel_loop3A_208 = arith.index_cast %parallel_loop3A_206 : i32 to index
        %parallel_loop3A_209 = arith.constant 112 : index
        %parallel_loop3A_210 = tpu.vector_load %arg6[%parallel_loop3A_207, %parallel_loop3A_208, %parallel_loop3A_209] {strides = array<i32>} : memref<24x8x128xf32, #tpu.memory_space<vmem>>, vector<1x1x16xf32>,
        %parallel_loop3A_211 = vector.shape_cast %parallel_loop3A_210 : vector<1x1x16xf32> to vector<16xf32>
        %parallel_loop3A_212 = arith.index_cast %parallel_loop3A_75 : i32 to index
        %parallel_loop3A_213 = arith.constant 128 : index
        %parallel_loop3A_214 = tpu.vector_load %arg8[%parallel_loop3A_212, %parallel_loop3A_213] {strides = array<i32>} : memref<50x1000xf32, #tpu.memory_space<vmem>>, vector<1x16xf32>,
        %parallel_loop3A_215 = vector.shape_cast %parallel_loop3A_214 : vector<1x16xf32> to vector<16xf32>
        %parallel_loop3A_216 = vector.shape_cast %parallel_loop3A_169 : vector<16xf32> to vector<1x16xf32>
        tpu.vector_store %arg8[%parallel_loop3A_212, %parallel_loop3A_213], %parallel_loop3A_216 {strides = array<i32>} : memref<50x1000xf32, #tpu.memory_space<vmem>>, vector<1x16xf32>,
        %parallel_loop3A_217 = arith.index_cast %parallel_loop3A_75 : i32 to index
        %parallel_loop3A_218 = arith.constant 144 : index
        %parallel_loop3A_219 = tpu.vector_load %arg8[%parallel_loop3A_217, %parallel_loop3A_218] {strides = array<i32>} : memref<50x1000xf32, #tpu.memory_space<vmem>>, vector<1x16xf32>,
        %parallel_loop3A_220 = vector.shape_cast %parallel_loop3A_219 : vector<1x16xf32> to vector<16xf32>
        %parallel_loop3A_221 = vector.shape_cast %parallel_loop3A_175 : vector<16xf32> to vector<1x16xf32>
        tpu.vector_store %arg8[%parallel_loop3A_217, %parallel_loop3A_218], %parallel_loop3A_221 {strides = array<i32>} : memref<50x1000xf32, #tpu.memory_space<vmem>>, vector<1x16xf32>,
        %parallel_loop3A_222 = arith.index_cast %parallel_loop3A_75 : i32 to index
        %parallel_loop3A_223 = arith.constant 160 : index
        %parallel_loop3A_224 = tpu.vector_load %arg8[%parallel_loop3A_222, %parallel_loop3A_223] {strides = array<i32>} : memref<50x1000xf32, #tpu.memory_space<vmem>>, vector<1x16xf32>,
        %parallel_loop3A_225 = vector.shape_cast %parallel_loop3A_224 : vector<1x16xf32> to vector<16xf32>
        %parallel_loop3A_226 = vector.shape_cast %parallel_loop3A_181 : vector<16xf32> to vector<1x16xf32>
        tpu.vector_store %arg8[%parallel_loop3A_222, %parallel_loop3A_223], %parallel_loop3A_226 {strides = array<i32>} : memref<50x1000xf32, #tpu.memory_space<vmem>>, vector<1x16xf32>,
        %parallel_loop3A_227 = arith.index_cast %parallel_loop3A_75 : i32 to index
        %parallel_loop3A_228 = arith.constant 176 : index
        %parallel_loop3A_229 = tpu.vector_load %arg8[%parallel_loop3A_227, %parallel_loop3A_228] {strides = array<i32>} : memref<50x1000xf32, #tpu.memory_space<vmem>>, vector<1x16xf32>,
        %parallel_loop3A_230 = vector.shape_cast %parallel_loop3A_229 : vector<1x16xf32> to vector<16xf32>
        %parallel_loop3A_231 = vector.shape_cast %parallel_loop3A_187 : vector<16xf32> to vector<1x16xf32>
        tpu.vector_store %arg8[%parallel_loop3A_227, %parallel_loop3A_228], %parallel_loop3A_231 {strides = array<i32>} : memref<50x1000xf32, #tpu.memory_space<vmem>>, vector<1x16xf32>,
        %parallel_loop3A_232 = arith.index_cast %parallel_loop3A_75 : i32 to index
        %parallel_loop3A_233 = arith.constant 192 : index
        %parallel_loop3A_234 = tpu.vector_load %arg8[%parallel_loop3A_232, %parallel_loop3A_233] {strides = array<i32>} : memref<50x1000xf32, #tpu.memory_space<vmem>>, vector<1x16xf32>,
        %parallel_loop3A_235 = vector.shape_cast %parallel_loop3A_234 : vector<1x16xf32> to vector<16xf32>
        %parallel_loop3A_236 = vector.shape_cast %parallel_loop3A_193 : vector<16xf32> to vector<1x16xf32>
        tpu.vector_store %arg8[%parallel_loop3A_232, %parallel_loop3A_233], %parallel_loop3A_236 {strides = array<i32>} : memref<50x1000xf32, #tpu.memory_space<vmem>>, vector<1x16xf32>,
        %parallel_loop3A_237 = arith.index_cast %parallel_loop3A_75 : i32 to index
        %parallel_loop3A_238 = arith.constant 208 : index
        %parallel_loop3A_239 = tpu.vector_load %arg8[%parallel_loop3A_237, %parallel_loop3A_238] {strides = array<i32>} : memref<50x1000xf32, #tpu.memory_space<vmem>>, vector<1x16xf32>,
        %parallel_loop3A_240 = vector.shape_cast %parallel_loop3A_239 : vector<1x16xf32> to vector<16xf32>
        %parallel_loop3A_241 = vector.shape_cast %parallel_loop3A_199 : vector<16xf32> to vector<1x16xf32>
        tpu.vector_store %arg8[%parallel_loop3A_237, %parallel_loop3A_238], %parallel_loop3A_241 {strides = array<i32>} : memref<50x1000xf32, #tpu.memory_space<vmem>>, vector<1x16xf32>,
        %parallel_loop3A_242 = arith.index_cast %parallel_loop3A_75 : i32 to index
        %parallel_loop3A_243 = arith.constant 224 : index
        %parallel_loop3A_244 = tpu.vector_load %arg8[%parallel_loop3A_242, %parallel_loop3A_243] {strides = array<i32>} : memref<50x1000xf32, #tpu.memory_space<vmem>>, vector<1x16xf32>,
        %parallel_loop3A_245 = vector.shape_cast %parallel_loop3A_244 : vector<1x16xf32> to vector<16xf32>
        %parallel_loop3A_246 = vector.shape_cast %parallel_loop3A_205 : vector<16xf32> to vector<1x16xf32>
        tpu.vector_store %arg8[%parallel_loop3A_242, %parallel_loop3A_243], %parallel_loop3A_246 {strides = array<i32>} : memref<50x1000xf32, #tpu.memory_space<vmem>>, vector<1x16xf32>,
        %parallel_loop3A_247 = arith.index_cast %parallel_loop3A_75 : i32 to index
        %parallel_loop3A_248 = arith.constant 240 : index
        %parallel_loop3A_249 = tpu.vector_load %arg8[%parallel_loop3A_247, %parallel_loop3A_248] {strides = array<i32>} : memref<50x1000xf32, #tpu.memory_space<vmem>>, vector<1x16xf32>,
        %parallel_loop3A_250 = vector.shape_cast %parallel_loop3A_249 : vector<1x16xf32> to vector<16xf32>
        %parallel_loop3A_251 = vector.shape_cast %parallel_loop3A_211 : vector<16xf32> to vector<1x16xf32>
        tpu.vector_store %arg8[%parallel_loop3A_247, %parallel_loop3A_248], %parallel_loop3A_251 {strides = array<i32>} : memref<50x1000xf32, #tpu.memory_space<vmem>>, vector<1x16xf32>,
        %parallel_loop3A_252 = arith.constant 2 : i32
        %parallel_loop3A_253 = arith.index_cast %parallel_loop3A_73 : i32 to index
        %parallel_loop3A_254 = arith.index_cast %parallel_loop3A_252 : i32 to index
        %parallel_loop3A_255 = arith.constant 0 : index
        %parallel_loop3A_256 = tpu.vector_load %arg6[%parallel_loop3A_253, %parallel_loop3A_254, %parallel_loop3A_255] {strides = array<i32>} : memref<24x8x128xf32, #tpu.memory_space<vmem>>, vector<1x1x16xf32>,
        %parallel_loop3A_257 = vector.shape_cast %parallel_loop3A_256 : vector<1x1x16xf32> to vector<16xf32>
        %parallel_loop3A_258 = arith.constant 2 : i32
        %parallel_loop3A_259 = arith.index_cast %parallel_loop3A_73 : i32 to index
        %parallel_loop3A_260 = arith.index_cast %parallel_loop3A_258 : i32 to index
        %parallel_loop3A_261 = arith.constant 16 : index
        %parallel_loop3A_262 = tpu.vector_load %arg6[%parallel_loop3A_259, %parallel_loop3A_260, %parallel_loop3A_261] {strides = array<i32>} : memref<24x8x128xf32, #tpu.memory_space<vmem>>, vector<1x1x16xf32>,
        %parallel_loop3A_263 = vector.shape_cast %parallel_loop3A_262 : vector<1x1x16xf32> to vector<16xf32>
        %parallel_loop3A_264 = arith.constant 2 : i32
        %parallel_loop3A_265 = arith.index_cast %parallel_loop3A_73 : i32 to index
        %parallel_loop3A_266 = arith.index_cast %parallel_loop3A_264 : i32 to index
        %parallel_loop3A_267 = arith.constant 32 : index
        %parallel_loop3A_268 = tpu.vector_load %arg6[%parallel_loop3A_265, %parallel_loop3A_266, %parallel_loop3A_267] {strides = array<i32>} : memref<24x8x128xf32, #tpu.memory_space<vmem>>, vector<1x1x16xf32>,
        %parallel_loop3A_269 = vector.shape_cast %parallel_loop3A_268 : vector<1x1x16xf32> to vector<16xf32>
        %parallel_loop3A_270 = arith.constant 2 : i32
        %parallel_loop3A_271 = arith.index_cast %parallel_loop3A_73 : i32 to index
        %parallel_loop3A_272 = arith.index_cast %parallel_loop3A_270 : i32 to index
        %parallel_loop3A_273 = arith.constant 48 : index
        %parallel_loop3A_274 = tpu.vector_load %arg6[%parallel_loop3A_271, %parallel_loop3A_272, %parallel_loop3A_273] {strides = array<i32>} : memref<24x8x128xf32, #tpu.memory_space<vmem>>, vector<1x1x16xf32>,
        %parallel_loop3A_275 = vector.shape_cast %parallel_loop3A_274 : vector<1x1x16xf32> to vector<16xf32>
        %parallel_loop3A_276 = arith.constant 2 : i32
        %parallel_loop3A_277 = arith.index_cast %parallel_loop3A_73 : i32 to index
        %parallel_loop3A_278 = arith.index_cast %parallel_loop3A_276 : i32 to index
        %parallel_loop3A_279 = arith.constant 64 : index
        %parallel_loop3A_280 = tpu.vector_load %arg6[%parallel_loop3A_277, %parallel_loop3A_278, %parallel_loop3A_279] {strides = array<i32>} : memref<24x8x128xf32, #tpu.memory_space<vmem>>, vector<1x1x16xf32>,
        %parallel_loop3A_281 = vector.shape_cast %parallel_loop3A_280 : vector<1x1x16xf32> to vector<16xf32>
        %parallel_loop3A_282 = arith.constant 2 : i32
        %parallel_loop3A_283 = arith.index_cast %parallel_loop3A_73 : i32 to index
        %parallel_loop3A_284 = arith.index_cast %parallel_loop3A_282 : i32 to index
        %parallel_loop3A_285 = arith.constant 80 : index
        %parallel_loop3A_286 = tpu.vector_load %arg6[%parallel_loop3A_283, %parallel_loop3A_284, %parallel_loop3A_285] {strides = array<i32>} : memref<24x8x128xf32, #tpu.memory_space<vmem>>, vector<1x1x16xf32>,
        %parallel_loop3A_287 = vector.shape_cast %parallel_loop3A_286 : vector<1x1x16xf32> to vector<16xf32>
        %parallel_loop3A_288 = arith.constant 2 : i32
        %parallel_loop3A_289 = arith.index_cast %parallel_loop3A_73 : i32 to index
        %parallel_loop3A_290 = arith.index_cast %parallel_loop3A_288 : i32 to index
        %parallel_loop3A_291 = arith.constant 96 : index
        %parallel_loop3A_292 = tpu.vector_load %arg6[%parallel_loop3A_289, %parallel_loop3A_290, %parallel_loop3A_291] {strides = array<i32>} : memref<24x8x128xf32, #tpu.memory_space<vmem>>, vector<1x1x16xf32>,
        %parallel_loop3A_293 = vector.shape_cast %parallel_loop3A_292 : vector<1x1x16xf32> to vector<16xf32>
        %parallel_loop3A_294 = arith.constant 2 : i32
        %parallel_loop3A_295 = arith.index_cast %parallel_loop3A_73 : i32 to index
        %parallel_loop3A_296 = arith.index_cast %parallel_loop3A_294 : i32 to index
        %parallel_loop3A_297 = arith.constant 112 : index
        %parallel_loop3A_298 = tpu.vector_load %arg6[%parallel_loop3A_295, %parallel_loop3A_296, %parallel_loop3A_297] {strides = array<i32>} : memref<24x8x128xf32, #tpu.memory_space<vmem>>, vector<1x1x16xf32>,
        %parallel_loop3A_299 = vector.shape_cast %parallel_loop3A_298 : vector<1x1x16xf32> to vector<16xf32>
        %parallel_loop3A_300 = arith.index_cast %parallel_loop3A_75 : i32 to index
        %parallel_loop3A_301 = arith.constant 256 : index
        %parallel_loop3A_302 = tpu.vector_load %arg8[%parallel_loop3A_300, %parallel_loop3A_301] {strides = array<i32>} : memref<50x1000xf32, #tpu.memory_space<vmem>>, vector<1x16xf32>,
        %parallel_loop3A_303 = vector.shape_cast %parallel_loop3A_302 : vector<1x16xf32> to vector<16xf32>
        %parallel_loop3A_304 = vector.shape_cast %parallel_loop3A_257 : vector<16xf32> to vector<1x16xf32>
        tpu.vector_store %arg8[%parallel_loop3A_300, %parallel_loop3A_301], %parallel_loop3A_304 {strides = array<i32>} : memref<50x1000xf32, #tpu.memory_space<vmem>>, vector<1x16xf32>,
        %parallel_loop3A_305 = arith.index_cast %parallel_loop3A_75 : i32 to index
        %parallel_loop3A_306 = arith.constant 272 : index
        %parallel_loop3A_307 = tpu.vector_load %arg8[%parallel_loop3A_305, %parallel_loop3A_306] {strides = array<i32>} : memref<50x1000xf32, #tpu.memory_space<vmem>>, vector<1x16xf32>,
        %parallel_loop3A_308 = vector.shape_cast %parallel_loop3A_307 : vector<1x16xf32> to vector<16xf32>
        %parallel_loop3A_309 = vector.shape_cast %parallel_loop3A_263 : vector<16xf32> to vector<1x16xf32>
        tpu.vector_store %arg8[%parallel_loop3A_305, %parallel_loop3A_306], %parallel_loop3A_309 {strides = array<i32>} : memref<50x1000xf32, #tpu.memory_space<vmem>>, vector<1x16xf32>,
        %parallel_loop3A_310 = arith.index_cast %parallel_loop3A_75 : i32 to index
        %parallel_loop3A_311 = arith.constant 288 : index
        %parallel_loop3A_312 = tpu.vector_load %arg8[%parallel_loop3A_310, %parallel_loop3A_311] {strides = array<i32>} : memref<50x1000xf32, #tpu.memory_space<vmem>>, vector<1x16xf32>,
        %parallel_loop3A_313 = vector.shape_cast %parallel_loop3A_312 : vector<1x16xf32> to vector<16xf32>
        %parallel_loop3A_314 = vector.shape_cast %parallel_loop3A_269 : vector<16xf32> to vector<1x16xf32>
        tpu.vector_store %arg8[%parallel_loop3A_310, %parallel_loop3A_311], %parallel_loop3A_314 {strides = array<i32>} : memref<50x1000xf32, #tpu.memory_space<vmem>>, vector<1x16xf32>,
        %parallel_loop3A_315 = arith.index_cast %parallel_loop3A_75 : i32 to index
        %parallel_loop3A_316 = arith.constant 304 : index
        %parallel_loop3A_317 = tpu.vector_load %arg8[%parallel_loop3A_315, %parallel_loop3A_316] {strides = array<i32>} : memref<50x1000xf32, #tpu.memory_space<vmem>>, vector<1x16xf32>,
        %parallel_loop3A_318 = vector.shape_cast %parallel_loop3A_317 : vector<1x16xf32> to vector<16xf32>
        %parallel_loop3A_319 = vector.shape_cast %parallel_loop3A_275 : vector<16xf32> to vector<1x16xf32>
        tpu.vector_store %arg8[%parallel_loop3A_315, %parallel_loop3A_316], %parallel_loop3A_319 {strides = array<i32>} : memref<50x1000xf32, #tpu.memory_space<vmem>>, vector<1x16xf32>,
        %parallel_loop3A_320 = arith.index_cast %parallel_loop3A_75 : i32 to index
        %parallel_loop3A_321 = arith.constant 320 : index
        %parallel_loop3A_322 = tpu.vector_load %arg8[%parallel_loop3A_320, %parallel_loop3A_321] {strides = array<i32>} : memref<50x1000xf32, #tpu.memory_space<vmem>>, vector<1x16xf32>,
        %parallel_loop3A_323 = vector.shape_cast %parallel_loop3A_322 : vector<1x16xf32> to vector<16xf32>
        %parallel_loop3A_324 = vector.shape_cast %parallel_loop3A_281 : vector<16xf32> to vector<1x16xf32>
        tpu.vector_store %arg8[%parallel_loop3A_320, %parallel_loop3A_321], %parallel_loop3A_324 {strides = array<i32>} : memref<50x1000xf32, #tpu.memory_space<vmem>>, vector<1x16xf32>,
        %parallel_loop3A_325 = arith.index_cast %parallel_loop3A_75 : i32 to index
        %parallel_loop3A_326 = arith.constant 336 : index
        %parallel_loop3A_327 = tpu.vector_load %arg8[%parallel_loop3A_325, %parallel_loop3A_326] {strides = array<i32>} : memref<50x1000xf32, #tpu.memory_space<vmem>>, vector<1x16xf32>,
        %parallel_loop3A_328 = vector.shape_cast %parallel_loop3A_327 : vector<1x16xf32> to vector<16xf32>
        %parallel_loop3A_329 = vector.shape_cast %parallel_loop3A_287 : vector<16xf32> to vector<1x16xf32>
        tpu.vector_store %arg8[%parallel_loop3A_325, %parallel_loop3A_326], %parallel_loop3A_329 {strides = array<i32>} : memref<50x1000xf32, #tpu.memory_space<vmem>>, vector<1x16xf32>,
        %parallel_loop3A_330 = arith.index_cast %parallel_loop3A_75 : i32 to index
        %parallel_loop3A_331 = arith.constant 352 : index
        %parallel_loop3A_332 = tpu.vector_load %arg8[%parallel_loop3A_330, %parallel_loop3A_331] {strides = array<i32>} : memref<50x1000xf32, #tpu.memory_space<vmem>>, vector<1x16xf32>,
        %parallel_loop3A_333 = vector.shape_cast %parallel_loop3A_332 : vector<1x16xf32> to vector<16xf32>
        %parallel_loop3A_334 = vector.shape_cast %parallel_loop3A_293 : vector<16xf32> to vector<1x16xf32>
        tpu.vector_store %arg8[%parallel_loop3A_330, %parallel_loop3A_331], %parallel_loop3A_334 {strides = array<i32>} : memref<50x1000xf32, #tpu.memory_space<vmem>>, vector<1x16xf32>,
        %parallel_loop3A_335 = arith.index_cast %parallel_loop3A_75 : i32 to index
        %parallel_loop3A_336 = arith.constant 368 : index
        %parallel_loop3A_337 = tpu.vector_load %arg8[%parallel_loop3A_335, %parallel_loop3A_336] {strides = array<i32>} : memref<50x1000xf32, #tpu.memory_space<vmem>>, vector<1x16xf32>,
        %parallel_loop3A_338 = vector.shape_cast %parallel_loop3A_337 : vector<1x16xf32> to vector<16xf32>
        %parallel_loop3A_339 = vector.shape_cast %parallel_loop3A_299 : vector<16xf32> to vector<1x16xf32>
        tpu.vector_store %arg8[%parallel_loop3A_335, %parallel_loop3A_336], %parallel_loop3A_339 {strides = array<i32>} : memref<50x1000xf32, #tpu.memory_space<vmem>>, vector<1x16xf32>,
        %parallel_loop3A_340 = arith.constant 3 : i32
        %parallel_loop3A_341 = arith.index_cast %parallel_loop3A_73 : i32 to index
        %parallel_loop3A_342 = arith.index_cast %parallel_loop3A_340 : i32 to index
        %parallel_loop3A_343 = arith.constant 0 : index
        %parallel_loop3A_344 = tpu.vector_load %arg6[%parallel_loop3A_341, %parallel_loop3A_342, %parallel_loop3A_343] {strides = array<i32>} : memref<24x8x128xf32, #tpu.memory_space<vmem>>, vector<1x1x16xf32>,
        %parallel_loop3A_345 = vector.shape_cast %parallel_loop3A_344 : vector<1x1x16xf32> to vector<16xf32>
        %parallel_loop3A_346 = arith.constant 3 : i32
        %parallel_loop3A_347 = arith.index_cast %parallel_loop3A_73 : i32 to index
        %parallel_loop3A_348 = arith.index_cast %parallel_loop3A_346 : i32 to index
        %parallel_loop3A_349 = arith.constant 16 : index
        %parallel_loop3A_350 = tpu.vector_load %arg6[%parallel_loop3A_347, %parallel_loop3A_348, %parallel_loop3A_349] {strides = array<i32>} : memref<24x8x128xf32, #tpu.memory_space<vmem>>, vector<1x1x16xf32>,
        %parallel_loop3A_351 = vector.shape_cast %parallel_loop3A_350 : vector<1x1x16xf32> to vector<16xf32>
        %parallel_loop3A_352 = arith.constant 3 : i32
        %parallel_loop3A_353 = arith.index_cast %parallel_loop3A_73 : i32 to index
        %parallel_loop3A_354 = arith.index_cast %parallel_loop3A_352 : i32 to index
        %parallel_loop3A_355 = arith.constant 32 : index
        %parallel_loop3A_356 = tpu.vector_load %arg6[%parallel_loop3A_353, %parallel_loop3A_354, %parallel_loop3A_355] {strides = array<i32>} : memref<24x8x128xf32, #tpu.memory_space<vmem>>, vector<1x1x16xf32>,
        %parallel_loop3A_357 = vector.shape_cast %parallel_loop3A_356 : vector<1x1x16xf32> to vector<16xf32>
        %parallel_loop3A_358 = arith.constant 3 : i32
        %parallel_loop3A_359 = arith.index_cast %parallel_loop3A_73 : i32 to index
        %parallel_loop3A_360 = arith.index_cast %parallel_loop3A_358 : i32 to index
        %parallel_loop3A_361 = arith.constant 48 : index
        %parallel_loop3A_362 = tpu.vector_load %arg6[%parallel_loop3A_359, %parallel_loop3A_360, %parallel_loop3A_361] {strides = array<i32>} : memref<24x8x128xf32, #tpu.memory_space<vmem>>, vector<1x1x16xf32>,
        %parallel_loop3A_363 = vector.shape_cast %parallel_loop3A_362 : vector<1x1x16xf32> to vector<16xf32>
        %parallel_loop3A_364 = arith.constant 3 : i32
        %parallel_loop3A_365 = arith.index_cast %parallel_loop3A_73 : i32 to index
        %parallel_loop3A_366 = arith.index_cast %parallel_loop3A_364 : i32 to index
        %parallel_loop3A_367 = arith.constant 64 : index
        %parallel_loop3A_368 = tpu.vector_load %arg6[%parallel_loop3A_365, %parallel_loop3A_366, %parallel_loop3A_367] {strides = array<i32>} : memref<24x8x128xf32, #tpu.memory_space<vmem>>, vector<1x1x16xf32>,
        %parallel_loop3A_369 = vector.shape_cast %parallel_loop3A_368 : vector<1x1x16xf32> to vector<16xf32>
        %parallel_loop3A_370 = arith.constant 3 : i32
        %parallel_loop3A_371 = arith.index_cast %parallel_loop3A_73 : i32 to index
        %parallel_loop3A_372 = arith.index_cast %parallel_loop3A_370 : i32 to index
        %parallel_loop3A_373 = arith.constant 80 : index
        %parallel_loop3A_374 = tpu.vector_load %arg6[%parallel_loop3A_371, %parallel_loop3A_372, %parallel_loop3A_373] {strides = array<i32>} : memref<24x8x128xf32, #tpu.memory_space<vmem>>, vector<1x1x16xf32>,
        %parallel_loop3A_375 = vector.shape_cast %parallel_loop3A_374 : vector<1x1x16xf32> to vector<16xf32>
        %parallel_loop3A_376 = arith.constant 3 : i32
        %parallel_loop3A_377 = arith.index_cast %parallel_loop3A_73 : i32 to index
        %parallel_loop3A_378 = arith.index_cast %parallel_loop3A_376 : i32 to index
        %parallel_loop3A_379 = arith.constant 96 : index
        %parallel_loop3A_380 = tpu.vector_load %arg6[%parallel_loop3A_377, %parallel_loop3A_378, %parallel_loop3A_379] {strides = array<i32>} : memref<24x8x128xf32, #tpu.memory_space<vmem>>, vector<1x1x16xf32>,
        %parallel_loop3A_381 = vector.shape_cast %parallel_loop3A_380 : vector<1x1x16xf32> to vector<16xf32>
        %parallel_loop3A_382 = arith.constant 3 : i32
        %parallel_loop3A_383 = arith.index_cast %parallel_loop3A_73 : i32 to index
        %parallel_loop3A_384 = arith.index_cast %parallel_loop3A_382 : i32 to index
        %parallel_loop3A_385 = arith.constant 112 : index
        %parallel_loop3A_386 = tpu.vector_load %arg6[%parallel_loop3A_383, %parallel_loop3A_384, %parallel_loop3A_385] {strides = array<i32>} : memref<24x8x128xf32, #tpu.memory_space<vmem>>, vector<1x1x16xf32>,
        %parallel_loop3A_387 = vector.shape_cast %parallel_loop3A_386 : vector<1x1x16xf32> to vector<16xf32>
        %parallel_loop3A_388 = arith.index_cast %parallel_loop3A_75 : i32 to index
        %parallel_loop3A_389 = arith.constant 384 : index
        %parallel_loop3A_390 = tpu.vector_load %arg8[%parallel_loop3A_388, %parallel_loop3A_389] {strides = array<i32>} : memref<50x1000xf32, #tpu.memory_space<vmem>>, vector<1x16xf32>,
        %parallel_loop3A_391 = vector.shape_cast %parallel_loop3A_390 : vector<1x16xf32> to vector<16xf32>
        %parallel_loop3A_392 = vector.shape_cast %parallel_loop3A_345 : vector<16xf32> to vector<1x16xf32>
        tpu.vector_store %arg8[%parallel_loop3A_388, %parallel_loop3A_389], %parallel_loop3A_392 {strides = array<i32>} : memref<50x1000xf32, #tpu.memory_space<vmem>>, vector<1x16xf32>,
        %parallel_loop3A_393 = arith.index_cast %parallel_loop3A_75 : i32 to index
        %parallel_loop3A_394 = arith.constant 400 : index
        %parallel_loop3A_395 = tpu.vector_load %arg8[%parallel_loop3A_393, %parallel_loop3A_394] {strides = array<i32>} : memref<50x1000xf32, #tpu.memory_space<vmem>>, vector<1x16xf32>,
        %parallel_loop3A_396 = vector.shape_cast %parallel_loop3A_395 : vector<1x16xf32> to vector<16xf32>
        %parallel_loop3A_397 = vector.shape_cast %parallel_loop3A_351 : vector<16xf32> to vector<1x16xf32>
        tpu.vector_store %arg8[%parallel_loop3A_393, %parallel_loop3A_394], %parallel_loop3A_397 {strides = array<i32>} : memref<50x1000xf32, #tpu.memory_space<vmem>>, vector<1x16xf32>,
        %parallel_loop3A_398 = arith.index_cast %parallel_loop3A_75 : i32 to index
        %parallel_loop3A_399 = arith.constant 416 : index
        %parallel_loop3A_400 = tpu.vector_load %arg8[%parallel_loop3A_398, %parallel_loop3A_399] {strides = array<i32>} : memref<50x1000xf32, #tpu.memory_space<vmem>>, vector<1x16xf32>,
        %parallel_loop3A_401 = vector.shape_cast %parallel_loop3A_400 : vector<1x16xf32> to vector<16xf32>
        %parallel_loop3A_402 = vector.shape_cast %parallel_loop3A_357 : vector<16xf32> to vector<1x16xf32>
        tpu.vector_store %arg8[%parallel_loop3A_398, %parallel_loop3A_399], %parallel_loop3A_402 {strides = array<i32>} : memref<50x1000xf32, #tpu.memory_space<vmem>>, vector<1x16xf32>,
        %parallel_loop3A_403 = arith.index_cast %parallel_loop3A_75 : i32 to index
        %parallel_loop3A_404 = arith.constant 432 : index
        %parallel_loop3A_405 = tpu.vector_load %arg8[%parallel_loop3A_403, %parallel_loop3A_404] {strides = array<i32>} : memref<50x1000xf32, #tpu.memory_space<vmem>>, vector<1x16xf32>,
        %parallel_loop3A_406 = vector.shape_cast %parallel_loop3A_405 : vector<1x16xf32> to vector<16xf32>
        %parallel_loop3A_407 = vector.shape_cast %parallel_loop3A_363 : vector<16xf32> to vector<1x16xf32>
        tpu.vector_store %arg8[%parallel_loop3A_403, %parallel_loop3A_404], %parallel_loop3A_407 {strides = array<i32>} : memref<50x1000xf32, #tpu.memory_space<vmem>>, vector<1x16xf32>,
        %parallel_loop3A_408 = arith.index_cast %parallel_loop3A_75 : i32 to index
        %parallel_loop3A_409 = arith.constant 448 : index
        %parallel_loop3A_410 = tpu.vector_load %arg8[%parallel_loop3A_408, %parallel_loop3A_409] {strides = array<i32>} : memref<50x1000xf32, #tpu.memory_space<vmem>>, vector<1x16xf32>,
        %parallel_loop3A_411 = vector.shape_cast %parallel_loop3A_410 : vector<1x16xf32> to vector<16xf32>
        %parallel_loop3A_412 = vector.shape_cast %parallel_loop3A_369 : vector<16xf32> to vector<1x16xf32>
        tpu.vector_store %arg8[%parallel_loop3A_408, %parallel_loop3A_409], %parallel_loop3A_412 {strides = array<i32>} : memref<50x1000xf32, #tpu.memory_space<vmem>>, vector<1x16xf32>,
        %parallel_loop3A_413 = arith.index_cast %parallel_loop3A_75 : i32 to index
        %parallel_loop3A_414 = arith.constant 464 : index
        %parallel_loop3A_415 = tpu.vector_load %arg8[%parallel_loop3A_413, %parallel_loop3A_414] {strides = array<i32>} : memref<50x1000xf32, #tpu.memory_space<vmem>>, vector<1x16xf32>,
        %parallel_loop3A_416 = vector.shape_cast %parallel_loop3A_415 : vector<1x16xf32> to vector<16xf32>
        %parallel_loop3A_417 = vector.shape_cast %parallel_loop3A_375 : vector<16xf32> to vector<1x16xf32>
        tpu.vector_store %arg8[%parallel_loop3A_413, %parallel_loop3A_414], %parallel_loop3A_417 {strides = array<i32>} : memref<50x1000xf32, #tpu.memory_space<vmem>>, vector<1x16xf32>,
        %parallel_loop3A_418 = arith.index_cast %parallel_loop3A_75 : i32 to index
        %parallel_loop3A_419 = arith.constant 480 : index
        %parallel_loop3A_420 = tpu.vector_load %arg8[%parallel_loop3A_418, %parallel_loop3A_419] {strides = array<i32>} : memref<50x1000xf32, #tpu.memory_space<vmem>>, vector<1x16xf32>,
        %parallel_loop3A_421 = vector.shape_cast %parallel_loop3A_420 : vector<1x16xf32> to vector<16xf32>
        %parallel_loop3A_422 = vector.shape_cast %parallel_loop3A_381 : vector<16xf32> to vector<1x16xf32>
        tpu.vector_store %arg8[%parallel_loop3A_418, %parallel_loop3A_419], %parallel_loop3A_422 {strides = array<i32>} : memref<50x1000xf32, #tpu.memory_space<vmem>>, vector<1x16xf32>,
        %parallel_loop3A_423 = arith.index_cast %parallel_loop3A_75 : i32 to index
        %parallel_loop3A_424 = arith.constant 496 : index
        %parallel_loop3A_425 = tpu.vector_load %arg8[%parallel_loop3A_423, %parallel_loop3A_424] {strides = array<i32>} : memref<50x1000xf32, #tpu.memory_space<vmem>>, vector<1x16xf32>,
        %parallel_loop3A_426 = vector.shape_cast %parallel_loop3A_425 : vector<1x16xf32> to vector<16xf32>
        %parallel_loop3A_427 = vector.shape_cast %parallel_loop3A_387 : vector<16xf32> to vector<1x16xf32>
        tpu.vector_store %arg8[%parallel_loop3A_423, %parallel_loop3A_424], %parallel_loop3A_427 {strides = array<i32>} : memref<50x1000xf32, #tpu.memory_space<vmem>>, vector<1x16xf32>,
        %parallel_loop3A_428 = arith.constant 4 : i32
        %parallel_loop3A_429 = arith.index_cast %parallel_loop3A_73 : i32 to index
        %parallel_loop3A_430 = arith.index_cast %parallel_loop3A_428 : i32 to index
        %parallel_loop3A_431 = arith.constant 0 : index
        %parallel_loop3A_432 = tpu.vector_load %arg6[%parallel_loop3A_429, %parallel_loop3A_430, %parallel_loop3A_431] {strides = array<i32>} : memref<24x8x128xf32, #tpu.memory_space<vmem>>, vector<1x1x16xf32>,
        %parallel_loop3A_433 = vector.shape_cast %parallel_loop3A_432 : vector<1x1x16xf32> to vector<16xf32>
        %parallel_loop3A_434 = arith.constant 4 : i32
        %parallel_loop3A_435 = arith.index_cast %parallel_loop3A_73 : i32 to index
        %parallel_loop3A_436 = arith.index_cast %parallel_loop3A_434 : i32 to index
        %parallel_loop3A_437 = arith.constant 16 : index
        %parallel_loop3A_438 = tpu.vector_load %arg6[%parallel_loop3A_435, %parallel_loop3A_436, %parallel_loop3A_437] {strides = array<i32>} : memref<24x8x128xf32, #tpu.memory_space<vmem>>, vector<1x1x16xf32>,
        %parallel_loop3A_439 = vector.shape_cast %parallel_loop3A_438 : vector<1x1x16xf32> to vector<16xf32>
        %parallel_loop3A_440 = arith.constant 4 : i32
        %parallel_loop3A_441 = arith.index_cast %parallel_loop3A_73 : i32 to index
        %parallel_loop3A_442 = arith.index_cast %parallel_loop3A_440 : i32 to index
        %parallel_loop3A_443 = arith.constant 32 : index
        %parallel_loop3A_444 = tpu.vector_load %arg6[%parallel_loop3A_441, %parallel_loop3A_442, %parallel_loop3A_443] {strides = array<i32>} : memref<24x8x128xf32, #tpu.memory_space<vmem>>, vector<1x1x16xf32>,
        %parallel_loop3A_445 = vector.shape_cast %parallel_loop3A_444 : vector<1x1x16xf32> to vector<16xf32>
        %parallel_loop3A_446 = arith.constant 4 : i32
        %parallel_loop3A_447 = arith.index_cast %parallel_loop3A_73 : i32 to index
        %parallel_loop3A_448 = arith.index_cast %parallel_loop3A_446 : i32 to index
        %parallel_loop3A_449 = arith.constant 48 : index
        %parallel_loop3A_450 = tpu.vector_load %arg6[%parallel_loop3A_447, %parallel_loop3A_448, %parallel_loop3A_449] {strides = array<i32>} : memref<24x8x128xf32, #tpu.memory_space<vmem>>, vector<1x1x16xf32>,
        %parallel_loop3A_451 = vector.shape_cast %parallel_loop3A_450 : vector<1x1x16xf32> to vector<16xf32>
        %parallel_loop3A_452 = arith.constant 4 : i32
        %parallel_loop3A_453 = arith.index_cast %parallel_loop3A_73 : i32 to index
        %parallel_loop3A_454 = arith.index_cast %parallel_loop3A_452 : i32 to index
        %parallel_loop3A_455 = arith.constant 64 : index
        %parallel_loop3A_456 = tpu.vector_load %arg6[%parallel_loop3A_453, %parallel_loop3A_454, %parallel_loop3A_455] {strides = array<i32>} : memref<24x8x128xf32, #tpu.memory_space<vmem>>, vector<1x1x16xf32>,
        %parallel_loop3A_457 = vector.shape_cast %parallel_loop3A_456 : vector<1x1x16xf32> to vector<16xf32>
        %parallel_loop3A_458 = arith.constant 4 : i32
        %parallel_loop3A_459 = arith.index_cast %parallel_loop3A_73 : i32 to index
        %parallel_loop3A_460 = arith.index_cast %parallel_loop3A_458 : i32 to index
        %parallel_loop3A_461 = arith.constant 80 : index
        %parallel_loop3A_462 = tpu.vector_load %arg6[%parallel_loop3A_459, %parallel_loop3A_460, %parallel_loop3A_461] {strides = array<i32>} : memref<24x8x128xf32, #tpu.memory_space<vmem>>, vector<1x1x16xf32>,
        %parallel_loop3A_463 = vector.shape_cast %parallel_loop3A_462 : vector<1x1x16xf32> to vector<16xf32>
        %parallel_loop3A_464 = arith.constant 4 : i32
        %parallel_loop3A_465 = arith.index_cast %parallel_loop3A_73 : i32 to index
        %parallel_loop3A_466 = arith.index_cast %parallel_loop3A_464 : i32 to index
        %parallel_loop3A_467 = arith.constant 96 : index
        %parallel_loop3A_468 = tpu.vector_load %arg6[%parallel_loop3A_465, %parallel_loop3A_466, %parallel_loop3A_467] {strides = array<i32>} : memref<24x8x128xf32, #tpu.memory_space<vmem>>, vector<1x1x16xf32>,
        %parallel_loop3A_469 = vector.shape_cast %parallel_loop3A_468 : vector<1x1x16xf32> to vector<16xf32>
        %parallel_loop3A_470 = arith.constant 4 : i32
        %parallel_loop3A_471 = arith.index_cast %parallel_loop3A_73 : i32 to index
        %parallel_loop3A_472 = arith.index_cast %parallel_loop3A_470 : i32 to index
        %parallel_loop3A_473 = arith.constant 112 : index
        %parallel_loop3A_474 = tpu.vector_load %arg6[%parallel_loop3A_471, %parallel_loop3A_472, %parallel_loop3A_473] {strides = array<i32>} : memref<24x8x128xf32, #tpu.memory_space<vmem>>, vector<1x1x16xf32>,
        %parallel_loop3A_475 = vector.shape_cast %parallel_loop3A_474 : vector<1x1x16xf32> to vector<16xf32>
        %parallel_loop3A_476 = arith.index_cast %parallel_loop3A_75 : i32 to index
        %parallel_loop3A_477 = arith.constant 512 : index
        %parallel_loop3A_478 = tpu.vector_load %arg8[%parallel_loop3A_476, %parallel_loop3A_477] {strides = array<i32>} : memref<50x1000xf32, #tpu.memory_space<vmem>>, vector<1x16xf32>,
        %parallel_loop3A_479 = vector.shape_cast %parallel_loop3A_478 : vector<1x16xf32> to vector<16xf32>
        %parallel_loop3A_480 = vector.shape_cast %parallel_loop3A_433 : vector<16xf32> to vector<1x16xf32>
        tpu.vector_store %arg8[%parallel_loop3A_476, %parallel_loop3A_477], %parallel_loop3A_480 {strides = array<i32>} : memref<50x1000xf32, #tpu.memory_space<vmem>>, vector<1x16xf32>,
        %parallel_loop3A_481 = arith.index_cast %parallel_loop3A_75 : i32 to index
        %parallel_loop3A_482 = arith.constant 528 : index
        %parallel_loop3A_483 = tpu.vector_load %arg8[%parallel_loop3A_481, %parallel_loop3A_482] {strides = array<i32>} : memref<50x1000xf32, #tpu.memory_space<vmem>>, vector<1x16xf32>,
        %parallel_loop3A_484 = vector.shape_cast %parallel_loop3A_483 : vector<1x16xf32> to vector<16xf32>
        %parallel_loop3A_485 = vector.shape_cast %parallel_loop3A_439 : vector<16xf32> to vector<1x16xf32>
        tpu.vector_store %arg8[%parallel_loop3A_481, %parallel_loop3A_482], %parallel_loop3A_485 {strides = array<i32>} : memref<50x1000xf32, #tpu.memory_space<vmem>>, vector<1x16xf32>,
        %parallel_loop3A_486 = arith.index_cast %parallel_loop3A_75 : i32 to index
        %parallel_loop3A_487 = arith.constant 544 : index
        %parallel_loop3A_488 = tpu.vector_load %arg8[%parallel_loop3A_486, %parallel_loop3A_487] {strides = array<i32>} : memref<50x1000xf32, #tpu.memory_space<vmem>>, vector<1x16xf32>,
        %parallel_loop3A_489 = vector.shape_cast %parallel_loop3A_488 : vector<1x16xf32> to vector<16xf32>
        %parallel_loop3A_490 = vector.shape_cast %parallel_loop3A_445 : vector<16xf32> to vector<1x16xf32>
        tpu.vector_store %arg8[%parallel_loop3A_486, %parallel_loop3A_487], %parallel_loop3A_490 {strides = array<i32>} : memref<50x1000xf32, #tpu.memory_space<vmem>>, vector<1x16xf32>,
        %parallel_loop3A_491 = arith.index_cast %parallel_loop3A_75 : i32 to index
        %parallel_loop3A_492 = arith.constant 560 : index
        %parallel_loop3A_493 = tpu.vector_load %arg8[%parallel_loop3A_491, %parallel_loop3A_492] {strides = array<i32>} : memref<50x1000xf32, #tpu.memory_space<vmem>>, vector<1x16xf32>,
        %parallel_loop3A_494 = vector.shape_cast %parallel_loop3A_493 : vector<1x16xf32> to vector<16xf32>
        %parallel_loop3A_495 = vector.shape_cast %parallel_loop3A_451 : vector<16xf32> to vector<1x16xf32>
        tpu.vector_store %arg8[%parallel_loop3A_491, %parallel_loop3A_492], %parallel_loop3A_495 {strides = array<i32>} : memref<50x1000xf32, #tpu.memory_space<vmem>>, vector<1x16xf32>,
        %parallel_loop3A_496 = arith.index_cast %parallel_loop3A_75 : i32 to index
        %parallel_loop3A_497 = arith.constant 576 : index
        %parallel_loop3A_498 = tpu.vector_load %arg8[%parallel_loop3A_496, %parallel_loop3A_497] {strides = array<i32>} : memref<50x1000xf32, #tpu.memory_space<vmem>>, vector<1x16xf32>,
        %parallel_loop3A_499 = vector.shape_cast %parallel_loop3A_498 : vector<1x16xf32> to vector<16xf32>
        %parallel_loop3A_500 = vector.shape_cast %parallel_loop3A_457 : vector<16xf32> to vector<1x16xf32>
        tpu.vector_store %arg8[%parallel_loop3A_496, %parallel_loop3A_497], %parallel_loop3A_500 {strides = array<i32>} : memref<50x1000xf32, #tpu.memory_space<vmem>>, vector<1x16xf32>,
        %parallel_loop3A_501 = arith.index_cast %parallel_loop3A_75 : i32 to index
        %parallel_loop3A_502 = arith.constant 592 : index
        %parallel_loop3A_503 = tpu.vector_load %arg8[%parallel_loop3A_501, %parallel_loop3A_502] {strides = array<i32>} : memref<50x1000xf32, #tpu.memory_space<vmem>>, vector<1x16xf32>,
        %parallel_loop3A_504 = vector.shape_cast %parallel_loop3A_503 : vector<1x16xf32> to vector<16xf32>
        %parallel_loop3A_505 = vector.shape_cast %parallel_loop3A_463 : vector<16xf32> to vector<1x16xf32>
        tpu.vector_store %arg8[%parallel_loop3A_501, %parallel_loop3A_502], %parallel_loop3A_505 {strides = array<i32>} : memref<50x1000xf32, #tpu.memory_space<vmem>>, vector<1x16xf32>,
        %parallel_loop3A_506 = arith.index_cast %parallel_loop3A_75 : i32 to index
        %parallel_loop3A_507 = arith.constant 608 : index
        %parallel_loop3A_508 = tpu.vector_load %arg8[%parallel_loop3A_506, %parallel_loop3A_507] {strides = array<i32>} : memref<50x1000xf32, #tpu.memory_space<vmem>>, vector<1x16xf32>,
        %parallel_loop3A_509 = vector.shape_cast %parallel_loop3A_508 : vector<1x16xf32> to vector<16xf32>
        %parallel_loop3A_510 = vector.shape_cast %parallel_loop3A_469 : vector<16xf32> to vector<1x16xf32>
        tpu.vector_store %arg8[%parallel_loop3A_506, %parallel_loop3A_507], %parallel_loop3A_510 {strides = array<i32>} : memref<50x1000xf32, #tpu.memory_space<vmem>>, vector<1x16xf32>,
        %parallel_loop3A_511 = arith.index_cast %parallel_loop3A_75 : i32 to index
        %parallel_loop3A_512 = arith.constant 624 : index
        %parallel_loop3A_513 = tpu.vector_load %arg8[%parallel_loop3A_511, %parallel_loop3A_512] {strides = array<i32>} : memref<50x1000xf32, #tpu.memory_space<vmem>>, vector<1x16xf32>,
        %parallel_loop3A_514 = vector.shape_cast %parallel_loop3A_513 : vector<1x16xf32> to vector<16xf32>
        %parallel_loop3A_515 = vector.shape_cast %parallel_loop3A_475 : vector<16xf32> to vector<1x16xf32>
        tpu.vector_store %arg8[%parallel_loop3A_511, %parallel_loop3A_512], %parallel_loop3A_515 {strides = array<i32>} : memref<50x1000xf32, #tpu.memory_space<vmem>>, vector<1x16xf32>,
        %parallel_loop3A_516 = arith.constant 5 : i32
        %parallel_loop3A_517 = arith.index_cast %parallel_loop3A_73 : i32 to index
        %parallel_loop3A_518 = arith.index_cast %parallel_loop3A_516 : i32 to index
        %parallel_loop3A_519 = arith.constant 0 : index
        %parallel_loop3A_520 = tpu.vector_load %arg6[%parallel_loop3A_517, %parallel_loop3A_518, %parallel_loop3A_519] {strides = array<i32>} : memref<24x8x128xf32, #tpu.memory_space<vmem>>, vector<1x1x16xf32>,
        %parallel_loop3A_521 = vector.shape_cast %parallel_loop3A_520 : vector<1x1x16xf32> to vector<16xf32>
        %parallel_loop3A_522 = arith.constant 5 : i32
        %parallel_loop3A_523 = arith.index_cast %parallel_loop3A_73 : i32 to index
        %parallel_loop3A_524 = arith.index_cast %parallel_loop3A_522 : i32 to index
        %parallel_loop3A_525 = arith.constant 16 : index
        %parallel_loop3A_526 = tpu.vector_load %arg6[%parallel_loop3A_523, %parallel_loop3A_524, %parallel_loop3A_525] {strides = array<i32>} : memref<24x8x128xf32, #tpu.memory_space<vmem>>, vector<1x1x16xf32>,
        %parallel_loop3A_527 = vector.shape_cast %parallel_loop3A_526 : vector<1x1x16xf32> to vector<16xf32>
        %parallel_loop3A_528 = arith.constant 5 : i32
        %parallel_loop3A_529 = arith.index_cast %parallel_loop3A_73 : i32 to index
        %parallel_loop3A_530 = arith.index_cast %parallel_loop3A_528 : i32 to index
        %parallel_loop3A_531 = arith.constant 32 : index
        %parallel_loop3A_532 = tpu.vector_load %arg6[%parallel_loop3A_529, %parallel_loop3A_530, %parallel_loop3A_531] {strides = array<i32>} : memref<24x8x128xf32, #tpu.memory_space<vmem>>, vector<1x1x16xf32>,
        %parallel_loop3A_533 = vector.shape_cast %parallel_loop3A_532 : vector<1x1x16xf32> to vector<16xf32>
        %parallel_loop3A_534 = arith.constant 5 : i32
        %parallel_loop3A_535 = arith.index_cast %parallel_loop3A_73 : i32 to index
        %parallel_loop3A_536 = arith.index_cast %parallel_loop3A_534 : i32 to index
        %parallel_loop3A_537 = arith.constant 48 : index
        %parallel_loop3A_538 = tpu.vector_load %arg6[%parallel_loop3A_535, %parallel_loop3A_536, %parallel_loop3A_537] {strides = array<i32>} : memref<24x8x128xf32, #tpu.memory_space<vmem>>, vector<1x1x16xf32>,
        %parallel_loop3A_539 = vector.shape_cast %parallel_loop3A_538 : vector<1x1x16xf32> to vector<16xf32>
        %parallel_loop3A_540 = arith.constant 5 : i32
        %parallel_loop3A_541 = arith.index_cast %parallel_loop3A_73 : i32 to index
        %parallel_loop3A_542 = arith.index_cast %parallel_loop3A_540 : i32 to index
        %parallel_loop3A_543 = arith.constant 64 : index
        %parallel_loop3A_544 = tpu.vector_load %arg6[%parallel_loop3A_541, %parallel_loop3A_542, %parallel_loop3A_543] {strides = array<i32>} : memref<24x8x128xf32, #tpu.memory_space<vmem>>, vector<1x1x16xf32>,
        %parallel_loop3A_545 = vector.shape_cast %parallel_loop3A_544 : vector<1x1x16xf32> to vector<16xf32>
        %parallel_loop3A_546 = arith.constant 5 : i32
        %parallel_loop3A_547 = arith.index_cast %parallel_loop3A_73 : i32 to index
        %parallel_loop3A_548 = arith.index_cast %parallel_loop3A_546 : i32 to index
        %parallel_loop3A_549 = arith.constant 80 : index
        %parallel_loop3A_550 = tpu.vector_load %arg6[%parallel_loop3A_547, %parallel_loop3A_548, %parallel_loop3A_549] {strides = array<i32>} : memref<24x8x128xf32, #tpu.memory_space<vmem>>, vector<1x1x16xf32>,
        %parallel_loop3A_551 = vector.shape_cast %parallel_loop3A_550 : vector<1x1x16xf32> to vector<16xf32>
        %parallel_loop3A_552 = arith.constant 5 : i32
        %parallel_loop3A_553 = arith.index_cast %parallel_loop3A_73 : i32 to index
        %parallel_loop3A_554 = arith.index_cast %parallel_loop3A_552 : i32 to index
        %parallel_loop3A_555 = arith.constant 96 : index
        %parallel_loop3A_556 = tpu.vector_load %arg6[%parallel_loop3A_553, %parallel_loop3A_554, %parallel_loop3A_555] {strides = array<i32>} : memref<24x8x128xf32, #tpu.memory_space<vmem>>, vector<1x1x16xf32>,
        %parallel_loop3A_557 = vector.shape_cast %parallel_loop3A_556 : vector<1x1x16xf32> to vector<16xf32>
        %parallel_loop3A_558 = arith.constant 5 : i32
        %parallel_loop3A_559 = arith.index_cast %parallel_loop3A_73 : i32 to index
        %parallel_loop3A_560 = arith.index_cast %parallel_loop3A_558 : i32 to index
        %parallel_loop3A_561 = arith.constant 112 : index
        %parallel_loop3A_562 = tpu.vector_load %arg6[%parallel_loop3A_559, %parallel_loop3A_560, %parallel_loop3A_561] {strides = array<i32>} : memref<24x8x128xf32, #tpu.memory_space<vmem>>, vector<1x1x16xf32>,
        %parallel_loop3A_563 = vector.shape_cast %parallel_loop3A_562 : vector<1x1x16xf32> to vector<16xf32>
        %parallel_loop3A_564 = arith.index_cast %parallel_loop3A_75 : i32 to index
        %parallel_loop3A_565 = arith.constant 640 : index
        %parallel_loop3A_566 = tpu.vector_load %arg8[%parallel_loop3A_564, %parallel_loop3A_565] {strides = array<i32>} : memref<50x1000xf32, #tpu.memory_space<vmem>>, vector<1x16xf32>,
        %parallel_loop3A_567 = vector.shape_cast %parallel_loop3A_566 : vector<1x16xf32> to vector<16xf32>
        %parallel_loop3A_568 = vector.shape_cast %parallel_loop3A_521 : vector<16xf32> to vector<1x16xf32>
        tpu.vector_store %arg8[%parallel_loop3A_564, %parallel_loop3A_565], %parallel_loop3A_568 {strides = array<i32>} : memref<50x1000xf32, #tpu.memory_space<vmem>>, vector<1x16xf32>,
        %parallel_loop3A_569 = arith.index_cast %parallel_loop3A_75 : i32 to index
        %parallel_loop3A_570 = arith.constant 656 : index
        %parallel_loop3A_571 = tpu.vector_load %arg8[%parallel_loop3A_569, %parallel_loop3A_570] {strides = array<i32>} : memref<50x1000xf32, #tpu.memory_space<vmem>>, vector<1x16xf32>,
        %parallel_loop3A_572 = vector.shape_cast %parallel_loop3A_571 : vector<1x16xf32> to vector<16xf32>
        %parallel_loop3A_573 = vector.shape_cast %parallel_loop3A_527 : vector<16xf32> to vector<1x16xf32>
        tpu.vector_store %arg8[%parallel_loop3A_569, %parallel_loop3A_570], %parallel_loop3A_573 {strides = array<i32>} : memref<50x1000xf32, #tpu.memory_space<vmem>>, vector<1x16xf32>,
        %parallel_loop3A_574 = arith.index_cast %parallel_loop3A_75 : i32 to index
        %parallel_loop3A_575 = arith.constant 672 : index
        %parallel_loop3A_576 = tpu.vector_load %arg8[%parallel_loop3A_574, %parallel_loop3A_575] {strides = array<i32>} : memref<50x1000xf32, #tpu.memory_space<vmem>>, vector<1x16xf32>,
        %parallel_loop3A_577 = vector.shape_cast %parallel_loop3A_576 : vector<1x16xf32> to vector<16xf32>
        %parallel_loop3A_578 = vector.shape_cast %parallel_loop3A_533 : vector<16xf32> to vector<1x16xf32>
        tpu.vector_store %arg8[%parallel_loop3A_574, %parallel_loop3A_575], %parallel_loop3A_578 {strides = array<i32>} : memref<50x1000xf32, #tpu.memory_space<vmem>>, vector<1x16xf32>,
        %parallel_loop3A_579 = arith.index_cast %parallel_loop3A_75 : i32 to index
        %parallel_loop3A_580 = arith.constant 688 : index
        %parallel_loop3A_581 = tpu.vector_load %arg8[%parallel_loop3A_579, %parallel_loop3A_580] {strides = array<i32>} : memref<50x1000xf32, #tpu.memory_space<vmem>>, vector<1x16xf32>,
        %parallel_loop3A_582 = vector.shape_cast %parallel_loop3A_581 : vector<1x16xf32> to vector<16xf32>
        %parallel_loop3A_583 = vector.shape_cast %parallel_loop3A_539 : vector<16xf32> to vector<1x16xf32>
        tpu.vector_store %arg8[%parallel_loop3A_579, %parallel_loop3A_580], %parallel_loop3A_583 {strides = array<i32>} : memref<50x1000xf32, #tpu.memory_space<vmem>>, vector<1x16xf32>,
        %parallel_loop3A_584 = arith.index_cast %parallel_loop3A_75 : i32 to index
        %parallel_loop3A_585 = arith.constant 704 : index
        %parallel_loop3A_586 = tpu.vector_load %arg8[%parallel_loop3A_584, %parallel_loop3A_585] {strides = array<i32>} : memref<50x1000xf32, #tpu.memory_space<vmem>>, vector<1x16xf32>,
        %parallel_loop3A_587 = vector.shape_cast %parallel_loop3A_586 : vector<1x16xf32> to vector<16xf32>
        %parallel_loop3A_588 = vector.shape_cast %parallel_loop3A_545 : vector<16xf32> to vector<1x16xf32>
        tpu.vector_store %arg8[%parallel_loop3A_584, %parallel_loop3A_585], %parallel_loop3A_588 {strides = array<i32>} : memref<50x1000xf32, #tpu.memory_space<vmem>>, vector<1x16xf32>,
        %parallel_loop3A_589 = arith.index_cast %parallel_loop3A_75 : i32 to index
        %parallel_loop3A_590 = arith.constant 720 : index
        %parallel_loop3A_591 = tpu.vector_load %arg8[%parallel_loop3A_589, %parallel_loop3A_590] {strides = array<i32>} : memref<50x1000xf32, #tpu.memory_space<vmem>>, vector<1x16xf32>,
        %parallel_loop3A_592 = vector.shape_cast %parallel_loop3A_591 : vector<1x16xf32> to vector<16xf32>
        %parallel_loop3A_593 = vector.shape_cast %parallel_loop3A_551 : vector<16xf32> to vector<1x16xf32>
        tpu.vector_store %arg8[%parallel_loop3A_589, %parallel_loop3A_590], %parallel_loop3A_593 {strides = array<i32>} : memref<50x1000xf32, #tpu.memory_space<vmem>>, vector<1x16xf32>,
        %parallel_loop3A_594 = arith.index_cast %parallel_loop3A_75 : i32 to index
        %parallel_loop3A_595 = arith.constant 736 : index
        %parallel_loop3A_596 = tpu.vector_load %arg8[%parallel_loop3A_594, %parallel_loop3A_595] {strides = array<i32>} : memref<50x1000xf32, #tpu.memory_space<vmem>>, vector<1x16xf32>,
        %parallel_loop3A_597 = vector.shape_cast %parallel_loop3A_596 : vector<1x16xf32> to vector<16xf32>
        %parallel_loop3A_598 = vector.shape_cast %parallel_loop3A_557 : vector<16xf32> to vector<1x16xf32>
        tpu.vector_store %arg8[%parallel_loop3A_594, %parallel_loop3A_595], %parallel_loop3A_598 {strides = array<i32>} : memref<50x1000xf32, #tpu.memory_space<vmem>>, vector<1x16xf32>,
        %parallel_loop3A_599 = arith.index_cast %parallel_loop3A_75 : i32 to index
        %parallel_loop3A_600 = arith.constant 752 : index
        %parallel_loop3A_601 = tpu.vector_load %arg8[%parallel_loop3A_599, %parallel_loop3A_600] {strides = array<i32>} : memref<50x1000xf32, #tpu.memory_space<vmem>>, vector<1x16xf32>,
        %parallel_loop3A_602 = vector.shape_cast %parallel_loop3A_601 : vector<1x16xf32> to vector<16xf32>
        %parallel_loop3A_603 = vector.shape_cast %parallel_loop3A_563 : vector<16xf32> to vector<1x16xf32>
        tpu.vector_store %arg8[%parallel_loop3A_599, %parallel_loop3A_600], %parallel_loop3A_603 {strides = array<i32>} : memref<50x1000xf32, #tpu.memory_space<vmem>>, vector<1x16xf32>,
        %parallel_loop3A_604 = arith.constant 6 : i32
        %parallel_loop3A_605 = arith.index_cast %parallel_loop3A_73 : i32 to index
        %parallel_loop3A_606 = arith.index_cast %parallel_loop3A_604 : i32 to index
        %parallel_loop3A_607 = arith.constant 0 : index
        %parallel_loop3A_608 = tpu.vector_load %arg6[%parallel_loop3A_605, %parallel_loop3A_606, %parallel_loop3A_607] {strides = array<i32>} : memref<24x8x128xf32, #tpu.memory_space<vmem>>, vector<1x1x16xf32>,
        %parallel_loop3A_609 = vector.shape_cast %parallel_loop3A_608 : vector<1x1x16xf32> to vector<16xf32>
        %parallel_loop3A_610 = arith.constant 6 : i32
        %parallel_loop3A_611 = arith.index_cast %parallel_loop3A_73 : i32 to index
        %parallel_loop3A_612 = arith.index_cast %parallel_loop3A_610 : i32 to index
        %parallel_loop3A_613 = arith.constant 16 : index
        %parallel_loop3A_614 = tpu.vector_load %arg6[%parallel_loop3A_611, %parallel_loop3A_612, %parallel_loop3A_613] {strides = array<i32>} : memref<24x8x128xf32, #tpu.memory_space<vmem>>, vector<1x1x16xf32>,
        %parallel_loop3A_615 = vector.shape_cast %parallel_loop3A_614 : vector<1x1x16xf32> to vector<16xf32>
        %parallel_loop3A_616 = arith.constant 6 : i32
        %parallel_loop3A_617 = arith.index_cast %parallel_loop3A_73 : i32 to index
        %parallel_loop3A_618 = arith.index_cast %parallel_loop3A_616 : i32 to index
        %parallel_loop3A_619 = arith.constant 32 : index
        %parallel_loop3A_620 = tpu.vector_load %arg6[%parallel_loop3A_617, %parallel_loop3A_618, %parallel_loop3A_619] {strides = array<i32>} : memref<24x8x128xf32, #tpu.memory_space<vmem>>, vector<1x1x16xf32>,
        %parallel_loop3A_621 = vector.shape_cast %parallel_loop3A_620 : vector<1x1x16xf32> to vector<16xf32>
        %parallel_loop3A_622 = arith.constant 6 : i32
        %parallel_loop3A_623 = arith.index_cast %parallel_loop3A_73 : i32 to index
        %parallel_loop3A_624 = arith.index_cast %parallel_loop3A_622 : i32 to index
        %parallel_loop3A_625 = arith.constant 48 : index
        %parallel_loop3A_626 = tpu.vector_load %arg6[%parallel_loop3A_623, %parallel_loop3A_624, %parallel_loop3A_625] {strides = array<i32>} : memref<24x8x128xf32, #tpu.memory_space<vmem>>, vector<1x1x16xf32>,
        %parallel_loop3A_627 = vector.shape_cast %parallel_loop3A_626 : vector<1x1x16xf32> to vector<16xf32>
        %parallel_loop3A_628 = arith.constant 6 : i32
        %parallel_loop3A_629 = arith.index_cast %parallel_loop3A_73 : i32 to index
        %parallel_loop3A_630 = arith.index_cast %parallel_loop3A_628 : i32 to index
        %parallel_loop3A_631 = arith.constant 64 : index
        %parallel_loop3A_632 = tpu.vector_load %arg6[%parallel_loop3A_629, %parallel_loop3A_630, %parallel_loop3A_631] {strides = array<i32>} : memref<24x8x128xf32, #tpu.memory_space<vmem>>, vector<1x1x16xf32>,
        %parallel_loop3A_633 = vector.shape_cast %parallel_loop3A_632 : vector<1x1x16xf32> to vector<16xf32>
        %parallel_loop3A_634 = arith.constant 6 : i32
        %parallel_loop3A_635 = arith.index_cast %parallel_loop3A_73 : i32 to index
        %parallel_loop3A_636 = arith.index_cast %parallel_loop3A_634 : i32 to index
        %parallel_loop3A_637 = arith.constant 80 : index
        %parallel_loop3A_638 = tpu.vector_load %arg6[%parallel_loop3A_635, %parallel_loop3A_636, %parallel_loop3A_637] {strides = array<i32>} : memref<24x8x128xf32, #tpu.memory_space<vmem>>, vector<1x1x16xf32>,
        %parallel_loop3A_639 = vector.shape_cast %parallel_loop3A_638 : vector<1x1x16xf32> to vector<16xf32>
        %parallel_loop3A_640 = arith.constant 6 : i32
        %parallel_loop3A_641 = arith.index_cast %parallel_loop3A_73 : i32 to index
        %parallel_loop3A_642 = arith.index_cast %parallel_loop3A_640 : i32 to index
        %parallel_loop3A_643 = arith.constant 96 : index
        %parallel_loop3A_644 = tpu.vector_load %arg6[%parallel_loop3A_641, %parallel_loop3A_642, %parallel_loop3A_643] {strides = array<i32>} : memref<24x8x128xf32, #tpu.memory_space<vmem>>, vector<1x1x16xf32>,
        %parallel_loop3A_645 = vector.shape_cast %parallel_loop3A_644 : vector<1x1x16xf32> to vector<16xf32>
        %parallel_loop3A_646 = arith.constant 6 : i32
        %parallel_loop3A_647 = arith.index_cast %parallel_loop3A_73 : i32 to index
        %parallel_loop3A_648 = arith.index_cast %parallel_loop3A_646 : i32 to index
        %parallel_loop3A_649 = arith.constant 112 : index
        %parallel_loop3A_650 = tpu.vector_load %arg6[%parallel_loop3A_647, %parallel_loop3A_648, %parallel_loop3A_649] {strides = array<i32>} : memref<24x8x128xf32, #tpu.memory_space<vmem>>, vector<1x1x16xf32>,
        %parallel_loop3A_651 = vector.shape_cast %parallel_loop3A_650 : vector<1x1x16xf32> to vector<16xf32>
        %parallel_loop3A_652 = arith.index_cast %parallel_loop3A_75 : i32 to index
        %parallel_loop3A_653 = arith.constant 768 : index
        %parallel_loop3A_654 = tpu.vector_load %arg8[%parallel_loop3A_652, %parallel_loop3A_653] {strides = array<i32>} : memref<50x1000xf32, #tpu.memory_space<vmem>>, vector<1x16xf32>,
        %parallel_loop3A_655 = vector.shape_cast %parallel_loop3A_654 : vector<1x16xf32> to vector<16xf32>
        %parallel_loop3A_656 = vector.shape_cast %parallel_loop3A_609 : vector<16xf32> to vector<1x16xf32>
        tpu.vector_store %arg8[%parallel_loop3A_652, %parallel_loop3A_653], %parallel_loop3A_656 {strides = array<i32>} : memref<50x1000xf32, #tpu.memory_space<vmem>>, vector<1x16xf32>,
        %parallel_loop3A_657 = arith.index_cast %parallel_loop3A_75 : i32 to index
        %parallel_loop3A_658 = arith.constant 784 : index
        %parallel_loop3A_659 = tpu.vector_load %arg8[%parallel_loop3A_657, %parallel_loop3A_658] {strides = array<i32>} : memref<50x1000xf32, #tpu.memory_space<vmem>>, vector<1x16xf32>,
        %parallel_loop3A_660 = vector.shape_cast %parallel_loop3A_659 : vector<1x16xf32> to vector<16xf32>
        %parallel_loop3A_661 = vector.shape_cast %parallel_loop3A_615 : vector<16xf32> to vector<1x16xf32>
        tpu.vector_store %arg8[%parallel_loop3A_657, %parallel_loop3A_658], %parallel_loop3A_661 {strides = array<i32>} : memref<50x1000xf32, #tpu.memory_space<vmem>>, vector<1x16xf32>,
        %parallel_loop3A_662 = arith.index_cast %parallel_loop3A_75 : i32 to index
        %parallel_loop3A_663 = arith.constant 800 : index
        %parallel_loop3A_664 = tpu.vector_load %arg8[%parallel_loop3A_662, %parallel_loop3A_663] {strides = array<i32>} : memref<50x1000xf32, #tpu.memory_space<vmem>>, vector<1x16xf32>,
        %parallel_loop3A_665 = vector.shape_cast %parallel_loop3A_664 : vector<1x16xf32> to vector<16xf32>
        %parallel_loop3A_666 = vector.shape_cast %parallel_loop3A_621 : vector<16xf32> to vector<1x16xf32>
        tpu.vector_store %arg8[%parallel_loop3A_662, %parallel_loop3A_663], %parallel_loop3A_666 {strides = array<i32>} : memref<50x1000xf32, #tpu.memory_space<vmem>>, vector<1x16xf32>,
        %parallel_loop3A_667 = arith.index_cast %parallel_loop3A_75 : i32 to index
        %parallel_loop3A_668 = arith.constant 816 : index
        %parallel_loop3A_669 = tpu.vector_load %arg8[%parallel_loop3A_667, %parallel_loop3A_668] {strides = array<i32>} : memref<50x1000xf32, #tpu.memory_space<vmem>>, vector<1x16xf32>,
        %parallel_loop3A_670 = vector.shape_cast %parallel_loop3A_669 : vector<1x16xf32> to vector<16xf32>
        %parallel_loop3A_671 = vector.shape_cast %parallel_loop3A_627 : vector<16xf32> to vector<1x16xf32>
        tpu.vector_store %arg8[%parallel_loop3A_667, %parallel_loop3A_668], %parallel_loop3A_671 {strides = array<i32>} : memref<50x1000xf32, #tpu.memory_space<vmem>>, vector<1x16xf32>,
        %parallel_loop3A_672 = arith.index_cast %parallel_loop3A_75 : i32 to index
        %parallel_loop3A_673 = arith.constant 832 : index
        %parallel_loop3A_674 = tpu.vector_load %arg8[%parallel_loop3A_672, %parallel_loop3A_673] {strides = array<i32>} : memref<50x1000xf32, #tpu.memory_space<vmem>>, vector<1x16xf32>,
        %parallel_loop3A_675 = vector.shape_cast %parallel_loop3A_674 : vector<1x16xf32> to vector<16xf32>
        %parallel_loop3A_676 = vector.shape_cast %parallel_loop3A_633 : vector<16xf32> to vector<1x16xf32>
        tpu.vector_store %arg8[%parallel_loop3A_672, %parallel_loop3A_673], %parallel_loop3A_676 {strides = array<i32>} : memref<50x1000xf32, #tpu.memory_space<vmem>>, vector<1x16xf32>,
        %parallel_loop3A_677 = arith.index_cast %parallel_loop3A_75 : i32 to index
        %parallel_loop3A_678 = arith.constant 848 : index
        %parallel_loop3A_679 = tpu.vector_load %arg8[%parallel_loop3A_677, %parallel_loop3A_678] {strides = array<i32>} : memref<50x1000xf32, #tpu.memory_space<vmem>>, vector<1x16xf32>,
        %parallel_loop3A_680 = vector.shape_cast %parallel_loop3A_679 : vector<1x16xf32> to vector<16xf32>
        %parallel_loop3A_681 = vector.shape_cast %parallel_loop3A_639 : vector<16xf32> to vector<1x16xf32>
        tpu.vector_store %arg8[%parallel_loop3A_677, %parallel_loop3A_678], %parallel_loop3A_681 {strides = array<i32>} : memref<50x1000xf32, #tpu.memory_space<vmem>>, vector<1x16xf32>,
        %parallel_loop3A_682 = arith.index_cast %parallel_loop3A_75 : i32 to index
        %parallel_loop3A_683 = arith.constant 864 : index
        %parallel_loop3A_684 = tpu.vector_load %arg8[%parallel_loop3A_682, %parallel_loop3A_683] {strides = array<i32>} : memref<50x1000xf32, #tpu.memory_space<vmem>>, vector<1x16xf32>,
        %parallel_loop3A_685 = vector.shape_cast %parallel_loop3A_684 : vector<1x16xf32> to vector<16xf32>
        %parallel_loop3A_686 = vector.shape_cast %parallel_loop3A_645 : vector<16xf32> to vector<1x16xf32>
        tpu.vector_store %arg8[%parallel_loop3A_682, %parallel_loop3A_683], %parallel_loop3A_686 {strides = array<i32>} : memref<50x1000xf32, #tpu.memory_space<vmem>>, vector<1x16xf32>,
        %parallel_loop3A_687 = arith.index_cast %parallel_loop3A_75 : i32 to index
        %parallel_loop3A_688 = arith.constant 880 : index
        %parallel_loop3A_689 = tpu.vector_load %arg8[%parallel_loop3A_687, %parallel_loop3A_688] {strides = array<i32>} : memref<50x1000xf32, #tpu.memory_space<vmem>>, vector<1x16xf32>,
        %parallel_loop3A_690 = vector.shape_cast %parallel_loop3A_689 : vector<1x16xf32> to vector<16xf32>
        %parallel_loop3A_691 = vector.shape_cast %parallel_loop3A_651 : vector<16xf32> to vector<1x16xf32>
        tpu.vector_store %arg8[%parallel_loop3A_687, %parallel_loop3A_688], %parallel_loop3A_691 {strides = array<i32>} : memref<50x1000xf32, #tpu.memory_space<vmem>>, vector<1x16xf32>,
        %parallel_loop3A_692 = arith.constant 7 : i32
        %parallel_loop3A_693 = arith.index_cast %parallel_loop3A_73 : i32 to index
        %parallel_loop3A_694 = arith.index_cast %parallel_loop3A_692 : i32 to index
        %parallel_loop3A_695 = arith.constant 88 : index
        %parallel_loop3A_696 = tpu.vector_load %arg6[%parallel_loop3A_693, %parallel_loop3A_694, %parallel_loop3A_695] {strides = array<i32>} : memref<24x8x128xf32, #tpu.memory_space<vmem>>, vector<1x1x16xf32>,
        %parallel_loop3A_697 = vector.shape_cast %parallel_loop3A_696 : vector<1x1x16xf32> to vector<16xf32>
        %parallel_loop3A_698 = arith.constant 7 : i32
        %parallel_loop3A_699 = arith.index_cast %parallel_loop3A_73 : i32 to index
        %parallel_loop3A_700 = arith.index_cast %parallel_loop3A_698 : i32 to index
        %parallel_loop3A_701 = arith.constant 0 : index
        %parallel_loop3A_702 = tpu.vector_load %arg6[%parallel_loop3A_699, %parallel_loop3A_700, %parallel_loop3A_701] {strides = array<i32>} : memref<24x8x128xf32, #tpu.memory_space<vmem>>, vector<1x1x16xf32>,
        %parallel_loop3A_703 = vector.shape_cast %parallel_loop3A_702 : vector<1x1x16xf32> to vector<16xf32>
        %parallel_loop3A_704 = arith.constant 7 : i32
        %parallel_loop3A_705 = arith.index_cast %parallel_loop3A_73 : i32 to index
        %parallel_loop3A_706 = arith.index_cast %parallel_loop3A_704 : i32 to index
        %parallel_loop3A_707 = arith.constant 16 : index
        %parallel_loop3A_708 = tpu.vector_load %arg6[%parallel_loop3A_705, %parallel_loop3A_706, %parallel_loop3A_707] {strides = array<i32>} : memref<24x8x128xf32, #tpu.memory_space<vmem>>, vector<1x1x16xf32>,
        %parallel_loop3A_709 = vector.shape_cast %parallel_loop3A_708 : vector<1x1x16xf32> to vector<16xf32>
        %parallel_loop3A_710 = arith.constant 7 : i32
        %parallel_loop3A_711 = arith.index_cast %parallel_loop3A_73 : i32 to index
        %parallel_loop3A_712 = arith.index_cast %parallel_loop3A_710 : i32 to index
        %parallel_loop3A_713 = arith.constant 32 : index
        %parallel_loop3A_714 = tpu.vector_load %arg6[%parallel_loop3A_711, %parallel_loop3A_712, %parallel_loop3A_713] {strides = array<i32>} : memref<24x8x128xf32, #tpu.memory_space<vmem>>, vector<1x1x16xf32>,
        %parallel_loop3A_715 = vector.shape_cast %parallel_loop3A_714 : vector<1x1x16xf32> to vector<16xf32>
        %parallel_loop3A_716 = arith.constant 7 : i32
        %parallel_loop3A_717 = arith.index_cast %parallel_loop3A_73 : i32 to index
        %parallel_loop3A_718 = arith.index_cast %parallel_loop3A_716 : i32 to index
        %parallel_loop3A_719 = arith.constant 48 : index
        %parallel_loop3A_720 = tpu.vector_load %arg6[%parallel_loop3A_717, %parallel_loop3A_718, %parallel_loop3A_719] {strides = array<i32>} : memref<24x8x128xf32, #tpu.memory_space<vmem>>, vector<1x1x16xf32>,
        %parallel_loop3A_721 = vector.shape_cast %parallel_loop3A_720 : vector<1x1x16xf32> to vector<16xf32>
        %parallel_loop3A_722 = arith.constant 7 : i32
        %parallel_loop3A_723 = arith.index_cast %parallel_loop3A_73 : i32 to index
        %parallel_loop3A_724 = arith.index_cast %parallel_loop3A_722 : i32 to index
        %parallel_loop3A_725 = arith.constant 64 : index
        %parallel_loop3A_726 = tpu.vector_load %arg6[%parallel_loop3A_723, %parallel_loop3A_724, %parallel_loop3A_725] {strides = array<i32>} : memref<24x8x128xf32, #tpu.memory_space<vmem>>, vector<1x1x16xf32>,
        %parallel_loop3A_727 = vector.shape_cast %parallel_loop3A_726 : vector<1x1x16xf32> to vector<16xf32>
        %parallel_loop3A_728 = arith.constant 7 : i32
        %parallel_loop3A_729 = arith.index_cast %parallel_loop3A_73 : i32 to index
        %parallel_loop3A_730 = arith.index_cast %parallel_loop3A_728 : i32 to index
        %parallel_loop3A_731 = arith.constant 80 : index
        %parallel_loop3A_732 = tpu.vector_load %arg6[%parallel_loop3A_729, %parallel_loop3A_730, %parallel_loop3A_731] {strides = array<i32>} : memref<24x8x128xf32, #tpu.memory_space<vmem>>, vector<1x1x16xf32>,
        %parallel_loop3A_733 = vector.shape_cast %parallel_loop3A_732 : vector<1x1x16xf32> to vector<16xf32>
        %parallel_loop3A_734 = arith.index_cast %parallel_loop3A_75 : i32 to index
        %parallel_loop3A_735 = arith.constant 984 : index
        %parallel_loop3A_736 = tpu.vector_load %arg8[%parallel_loop3A_734, %parallel_loop3A_735] {strides = array<i32>} : memref<50x1000xf32, #tpu.memory_space<vmem>>, vector<1x16xf32>,
        %parallel_loop3A_737 = vector.shape_cast %parallel_loop3A_736 : vector<1x16xf32> to vector<16xf32>
        %parallel_loop3A_738 = vector.shape_cast %parallel_loop3A_697 : vector<16xf32> to vector<1x16xf32>
        tpu.vector_store %arg8[%parallel_loop3A_734, %parallel_loop3A_735], %parallel_loop3A_738 {strides = array<i32>} : memref<50x1000xf32, #tpu.memory_space<vmem>>, vector<1x16xf32>,
        %parallel_loop3A_739 = arith.index_cast %parallel_loop3A_75 : i32 to index
        %parallel_loop3A_740 = arith.constant 896 : index
        %parallel_loop3A_741 = tpu.vector_load %arg8[%parallel_loop3A_739, %parallel_loop3A_740] {strides = array<i32>} : memref<50x1000xf32, #tpu.memory_space<vmem>>, vector<1x16xf32>,
        %parallel_loop3A_742 = vector.shape_cast %parallel_loop3A_741 : vector<1x16xf32> to vector<16xf32>
        %parallel_loop3A_743 = vector.shape_cast %parallel_loop3A_703 : vector<16xf32> to vector<1x16xf32>
        tpu.vector_store %arg8[%parallel_loop3A_739, %parallel_loop3A_740], %parallel_loop3A_743 {strides = array<i32>} : memref<50x1000xf32, #tpu.memory_space<vmem>>, vector<1x16xf32>,
        %parallel_loop3A_744 = arith.index_cast %parallel_loop3A_75 : i32 to index
        %parallel_loop3A_745 = arith.constant 912 : index
        %parallel_loop3A_746 = tpu.vector_load %arg8[%parallel_loop3A_744, %parallel_loop3A_745] {strides = array<i32>} : memref<50x1000xf32, #tpu.memory_space<vmem>>, vector<1x16xf32>,
        %parallel_loop3A_747 = vector.shape_cast %parallel_loop3A_746 : vector<1x16xf32> to vector<16xf32>
        %parallel_loop3A_748 = vector.shape_cast %parallel_loop3A_709 : vector<16xf32> to vector<1x16xf32>
        tpu.vector_store %arg8[%parallel_loop3A_744, %parallel_loop3A_745], %parallel_loop3A_748 {strides = array<i32>} : memref<50x1000xf32, #tpu.memory_space<vmem>>, vector<1x16xf32>,
        %parallel_loop3A_749 = arith.index_cast %parallel_loop3A_75 : i32 to index
        %parallel_loop3A_750 = arith.constant 928 : index
        %parallel_loop3A_751 = tpu.vector_load %arg8[%parallel_loop3A_749, %parallel_loop3A_750] {strides = array<i32>} : memref<50x1000xf32, #tpu.memory_space<vmem>>, vector<1x16xf32>,
        %parallel_loop3A_752 = vector.shape_cast %parallel_loop3A_751 : vector<1x16xf32> to vector<16xf32>
        %parallel_loop3A_753 = vector.shape_cast %parallel_loop3A_715 : vector<16xf32> to vector<1x16xf32>
        tpu.vector_store %arg8[%parallel_loop3A_749, %parallel_loop3A_750], %parallel_loop3A_753 {strides = array<i32>} : memref<50x1000xf32, #tpu.memory_space<vmem>>, vector<1x16xf32>,
        %parallel_loop3A_754 = arith.index_cast %parallel_loop3A_75 : i32 to index
        %parallel_loop3A_755 = arith.constant 944 : index
        %parallel_loop3A_756 = tpu.vector_load %arg8[%parallel_loop3A_754, %parallel_loop3A_755] {strides = array<i32>} : memref<50x1000xf32, #tpu.memory_space<vmem>>, vector<1x16xf32>,
        %parallel_loop3A_757 = vector.shape_cast %parallel_loop3A_756 : vector<1x16xf32> to vector<16xf32>
        %parallel_loop3A_758 = vector.shape_cast %parallel_loop3A_721 : vector<16xf32> to vector<1x16xf32>
        tpu.vector_store %arg8[%parallel_loop3A_754, %parallel_loop3A_755], %parallel_loop3A_758 {strides = array<i32>} : memref<50x1000xf32, #tpu.memory_space<vmem>>, vector<1x16xf32>,
        %parallel_loop3A_759 = arith.index_cast %parallel_loop3A_75 : i32 to index
        %parallel_loop3A_760 = arith.constant 960 : index
        %parallel_loop3A_761 = tpu.vector_load %arg8[%parallel_loop3A_759, %parallel_loop3A_760] {strides = array<i32>} : memref<50x1000xf32, #tpu.memory_space<vmem>>, vector<1x16xf32>,
        %parallel_loop3A_762 = vector.shape_cast %parallel_loop3A_761 : vector<1x16xf32> to vector<16xf32>
        %parallel_loop3A_763 = vector.shape_cast %parallel_loop3A_727 : vector<16xf32> to vector<1x16xf32>
        tpu.vector_store %arg8[%parallel_loop3A_759, %parallel_loop3A_760], %parallel_loop3A_763 {strides = array<i32>} : memref<50x1000xf32, #tpu.memory_space<vmem>>, vector<1x16xf32>,
        %parallel_loop3A_764 = arith.index_cast %parallel_loop3A_75 : i32 to index
        %parallel_loop3A_765 = arith.constant 976 : index
        %parallel_loop3A_766 = tpu.vector_load %arg8[%parallel_loop3A_764, %parallel_loop3A_765] {strides = array<i32>} : memref<50x1000xf32, #tpu.memory_space<vmem>>, vector<1x16xf32>,
        %parallel_loop3A_767 = vector.shape_cast %parallel_loop3A_766 : vector<1x16xf32> to vector<16xf32>
        %parallel_loop3A_768 = vector.shape_cast %parallel_loop3A_733 : vector<16xf32> to vector<1x16xf32>
        tpu.vector_store %arg8[%parallel_loop3A_764, %parallel_loop3A_765], %parallel_loop3A_768 {strides = array<i32>} : memref<50x1000xf32, #tpu.memory_space<vmem>>, vector<1x16xf32>,
      } {sc.loop_unroll_factor = 2 : i64, sc.parallel_access}
      %add3A_41 = arith.constant 1 : i32
      %add3A_42 = arith.addi %scan3A_29, %add3A_41 : i32
      %lt3A = arith.constant 32 : i32
      %lt3A_43 = arith.cmpi slt, %add3A_42, %lt3A : i32
      %convert_element_type3A_44 = arith.extui %lt3A_43 : i1 to i32
      %cond3A_45 = arith.constant 0 : i32
      %cond3A_46 = arith.cmpi ne, %convert_element_type3A_44, %cond3A_45 : i32
      scf.if %cond3A_46 {
        %add3A_73 = arith.constant 1 : i32
        %add3A_74 = arith.addi %scan3A_29, %add3A_73 : i32
        %mul3A_75 = arith.constant 56 : i32
        %mul3A_76 = arith.muli %add3A_74, %mul3A_75 : i32
        %add3A_77 = arith.constant 0 : i32
        %add3A_78 = arith.addi %mul3A_76, %add3A_77 : i32
        %multiple_of3A_79 = tpu.assume_multiple %add3A_78, 8 : i32
        %dma_start3A_80 = tpu.memref_slice %arg5[%multiple_of3A_79] : memref<1792xi32, #tpu.memory_space<vmem>> -> memref<24xi32, #tpu.memory_space<vmem>>
        %dma_start3A_81 = arith.constant 0 : i32
        %dma_start3A_82 = arith.constant 0 : i32
        %dma_start3A_83 = arith.constant 0 : i32
        %dma_start3A_84 = tpu.memref_slice %arg2[%dma_start3A_81, %dma_start3A_82, %dma_start3A_83] : memref<1000x8x128xf32, #tpu.memory_space<hbm>> -> memref<1000x8x128xf32, #tpu.memory_space<hbm>>
        tpu.enqueue_indirect_dma source(%dma_start3A_84 : memref<1000x8x128xf32, #tpu.memory_space<hbm>>) target(%arg6 : memref<24x8x128xf32, #tpu.memory_space<vmem>>) offsets(%dma_start3A_80 : memref<24xi32, #tpu.memory_space<vmem>>) semaphore(%arg9 : memref<!tpu.dma_semaphore, #tpu.memory_space<semaphore_mem>>)
      } else {
      }
      %multiple_of3A_47 = arith.constant 0 : i32
      %multiple_of3A_48 = tpu.assume_multiple %multiple_of3A_47, 8 : i32
      %dma_wait3A_49 = tpu.memref_slice %arg5[%multiple_of3A_48] : memref<1792xi32, #tpu.memory_space<vmem>> -> memref<26xi32, #tpu.memory_space<vmem>>
      %dma_wait3A_50 = arith.constant 0 : i32
      %dma_wait3A_51 = arith.constant 0 : i32
      %dma_wait3A_52 = arith.constant 0 : i32
      %dma_wait3A_53 = tpu.memref_slice %arg2[%dma_wait3A_50, %dma_wait3A_51, %dma_wait3A_52] : memref<1000x8x128xf32, #tpu.memory_space<hbm>> -> memref<1000x8x128xf32, #tpu.memory_space<hbm>>
      tpu.wait_indirect_dma semaphore(%arg10 : memref<!tpu.dma_semaphore, #tpu.memory_space<semaphore_mem>>) src(%dma_wait3A_53 : memref<1000x8x128xf32, #tpu.memory_space<hbm>>) dst(%arg7 : memref<26x8x128xf32, #tpu.memory_space<vmem>>)
      %parallel_loop3A_54 = arith.constant 0 : i32
      %parallel_loop3A_55 = arith.constant 26 : i32
      %parallel_loop3A_56 = arith.constant 1 : i32
      scf.for %parallel_loop3A_73 = %parallel_loop3A_54 to %parallel_loop3A_55 step %parallel_loop3A_56  : i32 {
        %parallel_loop3A_74 = arith.constant 24 : i32
        %parallel_loop3A_75 = arith.addi %parallel_loop3A_74, %parallel_loop3A_73 : i32
        %parallel_loop3A_76 = arith.constant 0 : i32
        %parallel_loop3A_77 = arith.index_cast %parallel_loop3A_73 : i32 to index
        %parallel_loop3A_78 = arith.index_cast %parallel_loop3A_76 : i32 to index
        %parallel_loop3A_79 = arith.constant 0 : index
        %parallel_loop3A_80 = tpu.vector_load %arg7[%parallel_loop3A_77, %parallel_loop3A_78, %parallel_loop3A_79] {strides = array<i32>} : memref<26x8x128xf32, #tpu.memory_space<vmem>>, vector<1x1x16xf32>,
        %parallel_loop3A_81 = vector.shape_cast %parallel_loop3A_80 : vector<1x1x16xf32> to vector<16xf32>
        %parallel_loop3A_82 = arith.constant 0 : i32
        %parallel_loop3A_83 = arith.index_cast %parallel_loop3A_73 : i32 to index
        %parallel_loop3A_84 = arith.index_cast %parallel_loop3A_82 : i32 to index
        %parallel_loop3A_85 = arith.constant 16 : index
        %parallel_loop3A_86 = tpu.vector_load %arg7[%parallel_loop3A_83, %parallel_loop3A_84, %parallel_loop3A_85] {strides = array<i32>} : memref<26x8x128xf32, #tpu.memory_space<vmem>>, vector<1x1x16xf32>,
        %parallel_loop3A_87 = vector.shape_cast %parallel_loop3A_86 : vector<1x1x16xf32> to vector<16xf32>
        %parallel_loop3A_88 = arith.constant 0 : i32
        %parallel_loop3A_89 = arith.index_cast %parallel_loop3A_73 : i32 to index
        %parallel_loop3A_90 = arith.index_cast %parallel_loop3A_88 : i32 to index
        %parallel_loop3A_91 = arith.constant 32 : index
        %parallel_loop3A_92 = tpu.vector_load %arg7[%parallel_loop3A_89, %parallel_loop3A_90, %parallel_loop3A_91] {strides = array<i32>} : memref<26x8x128xf32, #tpu.memory_space<vmem>>, vector<1x1x16xf32>,
        %parallel_loop3A_93 = vector.shape_cast %parallel_loop3A_92 : vector<1x1x16xf32> to vector<16xf32>
        %parallel_loop3A_94 = arith.constant 0 : i32
        %parallel_loop3A_95 = arith.index_cast %parallel_loop3A_73 : i32 to index
        %parallel_loop3A_96 = arith.index_cast %parallel_loop3A_94 : i32 to index
        %parallel_loop3A_97 = arith.constant 48 : index
        %parallel_loop3A_98 = tpu.vector_load %arg7[%parallel_loop3A_95, %parallel_loop3A_96, %parallel_loop3A_97] {strides = array<i32>} : memref<26x8x128xf32, #tpu.memory_space<vmem>>, vector<1x1x16xf32>,
        %parallel_loop3A_99 = vector.shape_cast %parallel_loop3A_98 : vector<1x1x16xf32> to vector<16xf32>
        %parallel_loop3A_100 = arith.constant 0 : i32
        %parallel_loop3A_101 = arith.index_cast %parallel_loop3A_73 : i32 to index
        %parallel_loop3A_102 = arith.index_cast %parallel_loop3A_100 : i32 to index
        %parallel_loop3A_103 = arith.constant 64 : index
        %parallel_loop3A_104 = tpu.vector_load %arg7[%parallel_loop3A_101, %parallel_loop3A_102, %parallel_loop3A_103] {strides = array<i32>} : memref<26x8x128xf32, #tpu.memory_space<vmem>>, vector<1x1x16xf32>,
        %parallel_loop3A_105 = vector.shape_cast %parallel_loop3A_104 : vector<1x1x16xf32> to vector<16xf32>
        %parallel_loop3A_106 = arith.constant 0 : i32
        %parallel_loop3A_107 = arith.index_cast %parallel_loop3A_73 : i32 to index
        %parallel_loop3A_108 = arith.index_cast %parallel_loop3A_106 : i32 to index
        %parallel_loop3A_109 = arith.constant 80 : index
        %parallel_loop3A_110 = tpu.vector_load %arg7[%parallel_loop3A_107, %parallel_loop3A_108, %parallel_loop3A_109] {strides = array<i32>} : memref<26x8x128xf32, #tpu.memory_space<vmem>>, vector<1x1x16xf32>,
        %parallel_loop3A_111 = vector.shape_cast %parallel_loop3A_110 : vector<1x1x16xf32> to vector<16xf32>
        %parallel_loop3A_112 = arith.constant 0 : i32
        %parallel_loop3A_113 = arith.index_cast %parallel_loop3A_73 : i32 to index
        %parallel_loop3A_114 = arith.index_cast %parallel_loop3A_112 : i32 to index
        %parallel_loop3A_115 = arith.constant 96 : index
        %parallel_loop3A_116 = tpu.vector_load %arg7[%parallel_loop3A_113, %parallel_loop3A_114, %parallel_loop3A_115] {strides = array<i32>} : memref<26x8x128xf32, #tpu.memory_space<vmem>>, vector<1x1x16xf32>,
        %parallel_loop3A_117 = vector.shape_cast %parallel_loop3A_116 : vector<1x1x16xf32> to vector<16xf32>
        %parallel_loop3A_118 = arith.constant 0 : i32
        %parallel_loop3A_119 = arith.index_cast %parallel_loop3A_73 : i32 to index
        %parallel_loop3A_120 = arith.index_cast %parallel_loop3A_118 : i32 to index
        %parallel_loop3A_121 = arith.constant 112 : index
        %parallel_loop3A_122 = tpu.vector_load %arg7[%parallel_loop3A_119, %parallel_loop3A_120, %parallel_loop3A_121] {strides = array<i32>} : memref<26x8x128xf32, #tpu.memory_space<vmem>>, vector<1x1x16xf32>,
        %parallel_loop3A_123 = vector.shape_cast %parallel_loop3A_122 : vector<1x1x16xf32> to vector<16xf32>
        %parallel_loop3A_124 = arith.index_cast %parallel_loop3A_75 : i32 to index
        %parallel_loop3A_125 = arith.constant 0 : index
        %parallel_loop3A_126 = tpu.vector_load %arg8[%parallel_loop3A_124, %parallel_loop3A_125] {strides = array<i32>} : memref<50x1000xf32, #tpu.memory_space<vmem>>, vector<1x16xf32>,
        %parallel_loop3A_127 = vector.shape_cast %parallel_loop3A_126 : vector<1x16xf32> to vector<16xf32>
        %parallel_loop3A_128 = vector.shape_cast %parallel_loop3A_81 : vector<16xf32> to vector<1x16xf32>
        tpu.vector_store %arg8[%parallel_loop3A_124, %parallel_loop3A_125], %parallel_loop3A_128 {strides = array<i32>} : memref<50x1000xf32, #tpu.memory_space<vmem>>, vector<1x16xf32>,
        %parallel_loop3A_129 = arith.index_cast %parallel_loop3A_75 : i32 to index
        %parallel_loop3A_130 = arith.constant 16 : index
        %parallel_loop3A_131 = tpu.vector_load %arg8[%parallel_loop3A_129, %parallel_loop3A_130] {strides = array<i32>} : memref<50x1000xf32, #tpu.memory_space<vmem>>, vector<1x16xf32>,
        %parallel_loop3A_132 = vector.shape_cast %parallel_loop3A_131 : vector<1x16xf32> to vector<16xf32>
        %parallel_loop3A_133 = vector.shape_cast %parallel_loop3A_87 : vector<16xf32> to vector<1x16xf32>
        tpu.vector_store %arg8[%parallel_loop3A_129, %parallel_loop3A_130], %parallel_loop3A_133 {strides = array<i32>} : memref<50x1000xf32, #tpu.memory_space<vmem>>, vector<1x16xf32>,
        %parallel_loop3A_134 = arith.index_cast %parallel_loop3A_75 : i32 to index
        %parallel_loop3A_135 = arith.constant 32 : index
        %parallel_loop3A_136 = tpu.vector_load %arg8[%parallel_loop3A_134, %parallel_loop3A_135] {strides = array<i32>} : memref<50x1000xf32, #tpu.memory_space<vmem>>, vector<1x16xf32>,
        %parallel_loop3A_137 = vector.shape_cast %parallel_loop3A_136 : vector<1x16xf32> to vector<16xf32>
        %parallel_loop3A_138 = vector.shape_cast %parallel_loop3A_93 : vector<16xf32> to vector<1x16xf32>
        tpu.vector_store %arg8[%parallel_loop3A_134, %parallel_loop3A_135], %parallel_loop3A_138 {strides = array<i32>} : memref<50x1000xf32, #tpu.memory_space<vmem>>, vector<1x16xf32>,
        %parallel_loop3A_139 = arith.index_cast %parallel_loop3A_75 : i32 to index
        %parallel_loop3A_140 = arith.constant 48 : index
        %parallel_loop3A_141 = tpu.vector_load %arg8[%parallel_loop3A_139, %parallel_loop3A_140] {strides = array<i32>} : memref<50x1000xf32, #tpu.memory_space<vmem>>, vector<1x16xf32>,
        %parallel_loop3A_142 = vector.shape_cast %parallel_loop3A_141 : vector<1x16xf32> to vector<16xf32>
        %parallel_loop3A_143 = vector.shape_cast %parallel_loop3A_99 : vector<16xf32> to vector<1x16xf32>
        tpu.vector_store %arg8[%parallel_loop3A_139, %parallel_loop3A_140], %parallel_loop3A_143 {strides = array<i32>} : memref<50x1000xf32, #tpu.memory_space<vmem>>, vector<1x16xf32>,
        %parallel_loop3A_144 = arith.index_cast %parallel_loop3A_75 : i32 to index
        %parallel_loop3A_145 = arith.constant 64 : index
        %parallel_loop3A_146 = tpu.vector_load %arg8[%parallel_loop3A_144, %parallel_loop3A_145] {strides = array<i32>} : memref<50x1000xf32, #tpu.memory_space<vmem>>, vector<1x16xf32>,
        %parallel_loop3A_147 = vector.shape_cast %parallel_loop3A_146 : vector<1x16xf32> to vector<16xf32>
        %parallel_loop3A_148 = vector.shape_cast %parallel_loop3A_105 : vector<16xf32> to vector<1x16xf32>
        tpu.vector_store %arg8[%parallel_loop3A_144, %parallel_loop3A_145], %parallel_loop3A_148 {strides = array<i32>} : memref<50x1000xf32, #tpu.memory_space<vmem>>, vector<1x16xf32>,
        %parallel_loop3A_149 = arith.index_cast %parallel_loop3A_75 : i32 to index
        %parallel_loop3A_150 = arith.constant 80 : index
        %parallel_loop3A_151 = tpu.vector_load %arg8[%parallel_loop3A_149, %parallel_loop3A_150] {strides = array<i32>} : memref<50x1000xf32, #tpu.memory_space<vmem>>, vector<1x16xf32>,
        %parallel_loop3A_152 = vector.shape_cast %parallel_loop3A_151 : vector<1x16xf32> to vector<16xf32>
        %parallel_loop3A_153 = vector.shape_cast %parallel_loop3A_111 : vector<16xf32> to vector<1x16xf32>
        tpu.vector_store %arg8[%parallel_loop3A_149, %parallel_loop3A_150], %parallel_loop3A_153 {strides = array<i32>} : memref<50x1000xf32, #tpu.memory_space<vmem>>, vector<1x16xf32>,
        %parallel_loop3A_154 = arith.index_cast %parallel_loop3A_75 : i32 to index
        %parallel_loop3A_155 = arith.constant 96 : index
        %parallel_loop3A_156 = tpu.vector_load %arg8[%parallel_loop3A_154, %parallel_loop3A_155] {strides = array<i32>} : memref<50x1000xf32, #tpu.memory_space<vmem>>, vector<1x16xf32>,
        %parallel_loop3A_157 = vector.shape_cast %parallel_loop3A_156 : vector<1x16xf32> to vector<16xf32>
        %parallel_loop3A_158 = vector.shape_cast %parallel_loop3A_117 : vector<16xf32> to vector<1x16xf32>
        tpu.vector_store %arg8[%parallel_loop3A_154, %parallel_loop3A_155], %parallel_loop3A_158 {strides = array<i32>} : memref<50x1000xf32, #tpu.memory_space<vmem>>, vector<1x16xf32>,
        %parallel_loop3A_159 = arith.index_cast %parallel_loop3A_75 : i32 to index
        %parallel_loop3A_160 = arith.constant 112 : index
        %parallel_loop3A_161 = tpu.vector_load %arg8[%parallel_loop3A_159, %parallel_loop3A_160] {strides = array<i32>} : memref<50x1000xf32, #tpu.memory_space<vmem>>, vector<1x16xf32>,
        %parallel_loop3A_162 = vector.shape_cast %parallel_loop3A_161 : vector<1x16xf32> to vector<16xf32>
        %parallel_loop3A_163 = vector.shape_cast %parallel_loop3A_123 : vector<16xf32> to vector<1x16xf32>
        tpu.vector_store %arg8[%parallel_loop3A_159, %parallel_loop3A_160], %parallel_loop3A_163 {strides = array<i32>} : memref<50x1000xf32, #tpu.memory_space<vmem>>, vector<1x16xf32>,
        %parallel_loop3A_164 = arith.constant 1 : i32
        %parallel_loop3A_165 = arith.index_cast %parallel_loop3A_73 : i32 to index
        %parallel_loop3A_166 = arith.index_cast %parallel_loop3A_164 : i32 to index
        %parallel_loop3A_167 = arith.constant 0 : index
        %parallel_loop3A_168 = tpu.vector_load %arg7[%parallel_loop3A_165, %parallel_loop3A_166, %parallel_loop3A_167] {strides = array<i32>} : memref<26x8x128xf32, #tpu.memory_space<vmem>>, vector<1x1x16xf32>,
        %parallel_loop3A_169 = vector.shape_cast %parallel_loop3A_168 : vector<1x1x16xf32> to vector<16xf32>
        %parallel_loop3A_170 = arith.constant 1 : i32
        %parallel_loop3A_171 = arith.index_cast %parallel_loop3A_73 : i32 to index
        %parallel_loop3A_172 = arith.index_cast %parallel_loop3A_170 : i32 to index
        %parallel_loop3A_173 = arith.constant 16 : index
        %parallel_loop3A_174 = tpu.vector_load %arg7[%parallel_loop3A_171, %parallel_loop3A_172, %parallel_loop3A_173] {strides = array<i32>} : memref<26x8x128xf32, #tpu.memory_space<vmem>>, vector<1x1x16xf32>,
        %parallel_loop3A_175 = vector.shape_cast %parallel_loop3A_174 : vector<1x1x16xf32> to vector<16xf32>
        %parallel_loop3A_176 = arith.constant 1 : i32
        %parallel_loop3A_177 = arith.index_cast %parallel_loop3A_73 : i32 to index
        %parallel_loop3A_178 = arith.index_cast %parallel_loop3A_176 : i32 to index
        %parallel_loop3A_179 = arith.constant 32 : index
        %parallel_loop3A_180 = tpu.vector_load %arg7[%parallel_loop3A_177, %parallel_loop3A_178, %parallel_loop3A_179] {strides = array<i32>} : memref<26x8x128xf32, #tpu.memory_space<vmem>>, vector<1x1x16xf32>,
        %parallel_loop3A_181 = vector.shape_cast %parallel_loop3A_180 : vector<1x1x16xf32> to vector<16xf32>
        %parallel_loop3A_182 = arith.constant 1 : i32
        %parallel_loop3A_183 = arith.index_cast %parallel_loop3A_73 : i32 to index
        %parallel_loop3A_184 = arith.index_cast %parallel_loop3A_182 : i32 to index
        %parallel_loop3A_185 = arith.constant 48 : index
        %parallel_loop3A_186 = tpu.vector_load %arg7[%parallel_loop3A_183, %parallel_loop3A_184, %parallel_loop3A_185] {strides = array<i32>} : memref<26x8x128xf32, #tpu.memory_space<vmem>>, vector<1x1x16xf32>,
        %parallel_loop3A_187 = vector.shape_cast %parallel_loop3A_186 : vector<1x1x16xf32> to vector<16xf32>
        %parallel_loop3A_188 = arith.constant 1 : i32
        %parallel_loop3A_189 = arith.index_cast %parallel_loop3A_73 : i32 to index
        %parallel_loop3A_190 = arith.index_cast %parallel_loop3A_188 : i32 to index
        %parallel_loop3A_191 = arith.constant 64 : index
        %parallel_loop3A_192 = tpu.vector_load %arg7[%parallel_loop3A_189, %parallel_loop3A_190, %parallel_loop3A_191] {strides = array<i32>} : memref<26x8x128xf32, #tpu.memory_space<vmem>>, vector<1x1x16xf32>,
        %parallel_loop3A_193 = vector.shape_cast %parallel_loop3A_192 : vector<1x1x16xf32> to vector<16xf32>
        %parallel_loop3A_194 = arith.constant 1 : i32
        %parallel_loop3A_195 = arith.index_cast %parallel_loop3A_73 : i32 to index
        %parallel_loop3A_196 = arith.index_cast %parallel_loop3A_194 : i32 to index
        %parallel_loop3A_197 = arith.constant 80 : index
        %parallel_loop3A_198 = tpu.vector_load %arg7[%parallel_loop3A_195, %parallel_loop3A_196, %parallel_loop3A_197] {strides = array<i32>} : memref<26x8x128xf32, #tpu.memory_space<vmem>>, vector<1x1x16xf32>,
        %parallel_loop3A_199 = vector.shape_cast %parallel_loop3A_198 : vector<1x1x16xf32> to vector<16xf32>
        %parallel_loop3A_200 = arith.constant 1 : i32
        %parallel_loop3A_201 = arith.index_cast %parallel_loop3A_73 : i32 to index
        %parallel_loop3A_202 = arith.index_cast %parallel_loop3A_200 : i32 to index
        %parallel_loop3A_203 = arith.constant 96 : index
        %parallel_loop3A_204 = tpu.vector_load %arg7[%parallel_loop3A_201, %parallel_loop3A_202, %parallel_loop3A_203] {strides = array<i32>} : memref<26x8x128xf32, #tpu.memory_space<vmem>>, vector<1x1x16xf32>,
        %parallel_loop3A_205 = vector.shape_cast %parallel_loop3A_204 : vector<1x1x16xf32> to vector<16xf32>
        %parallel_loop3A_206 = arith.constant 1 : i32
        %parallel_loop3A_207 = arith.index_cast %parallel_loop3A_73 : i32 to index
        %parallel_loop3A_208 = arith.index_cast %parallel_loop3A_206 : i32 to index
        %parallel_loop3A_209 = arith.constant 112 : index
        %parallel_loop3A_210 = tpu.vector_load %arg7[%parallel_loop3A_207, %parallel_loop3A_208, %parallel_loop3A_209] {strides = array<i32>} : memref<26x8x128xf32, #tpu.memory_space<vmem>>, vector<1x1x16xf32>,
        %parallel_loop3A_211 = vector.shape_cast %parallel_loop3A_210 : vector<1x1x16xf32> to vector<16xf32>
        %parallel_loop3A_212 = arith.index_cast %parallel_loop3A_75 : i32 to index
        %parallel_loop3A_213 = arith.constant 128 : index
        %parallel_loop3A_214 = tpu.vector_load %arg8[%parallel_loop3A_212, %parallel_loop3A_213] {strides = array<i32>} : memref<50x1000xf32, #tpu.memory_space<vmem>>, vector<1x16xf32>,
        %parallel_loop3A_215 = vector.shape_cast %parallel_loop3A_214 : vector<1x16xf32> to vector<16xf32>
        %parallel_loop3A_216 = vector.shape_cast %parallel_loop3A_169 : vector<16xf32> to vector<1x16xf32>
        tpu.vector_store %arg8[%parallel_loop3A_212, %parallel_loop3A_213], %parallel_loop3A_216 {strides = array<i32>} : memref<50x1000xf32, #tpu.memory_space<vmem>>, vector<1x16xf32>,
        %parallel_loop3A_217 = arith.index_cast %parallel_loop3A_75 : i32 to index
        %parallel_loop3A_218 = arith.constant 144 : index
        %parallel_loop3A_219 = tpu.vector_load %arg8[%parallel_loop3A_217, %parallel_loop3A_218] {strides = array<i32>} : memref<50x1000xf32, #tpu.memory_space<vmem>>, vector<1x16xf32>,
        %parallel_loop3A_220 = vector.shape_cast %parallel_loop3A_219 : vector<1x16xf32> to vector<16xf32>
        %parallel_loop3A_221 = vector.shape_cast %parallel_loop3A_175 : vector<16xf32> to vector<1x16xf32>
        tpu.vector_store %arg8[%parallel_loop3A_217, %parallel_loop3A_218], %parallel_loop3A_221 {strides = array<i32>} : memref<50x1000xf32, #tpu.memory_space<vmem>>, vector<1x16xf32>,
        %parallel_loop3A_222 = arith.index_cast %parallel_loop3A_75 : i32 to index
        %parallel_loop3A_223 = arith.constant 160 : index
        %parallel_loop3A_224 = tpu.vector_load %arg8[%parallel_loop3A_222, %parallel_loop3A_223] {strides = array<i32>} : memref<50x1000xf32, #tpu.memory_space<vmem>>, vector<1x16xf32>,
        %parallel_loop3A_225 = vector.shape_cast %parallel_loop3A_224 : vector<1x16xf32> to vector<16xf32>
        %parallel_loop3A_226 = vector.shape_cast %parallel_loop3A_181 : vector<16xf32> to vector<1x16xf32>
        tpu.vector_store %arg8[%parallel_loop3A_222, %parallel_loop3A_223], %parallel_loop3A_226 {strides = array<i32>} : memref<50x1000xf32, #tpu.memory_space<vmem>>, vector<1x16xf32>,
        %parallel_loop3A_227 = arith.index_cast %parallel_loop3A_75 : i32 to index
        %parallel_loop3A_228 = arith.constant 176 : index
        %parallel_loop3A_229 = tpu.vector_load %arg8[%parallel_loop3A_227, %parallel_loop3A_228] {strides = array<i32>} : memref<50x1000xf32, #tpu.memory_space<vmem>>, vector<1x16xf32>,
        %parallel_loop3A_230 = vector.shape_cast %parallel_loop3A_229 : vector<1x16xf32> to vector<16xf32>
        %parallel_loop3A_231 = vector.shape_cast %parallel_loop3A_187 : vector<16xf32> to vector<1x16xf32>
        tpu.vector_store %arg8[%parallel_loop3A_227, %parallel_loop3A_228], %parallel_loop3A_231 {strides = array<i32>} : memref<50x1000xf32, #tpu.memory_space<vmem>>, vector<1x16xf32>,
        %parallel_loop3A_232 = arith.index_cast %parallel_loop3A_75 : i32 to index
        %parallel_loop3A_233 = arith.constant 192 : index
        %parallel_loop3A_234 = tpu.vector_load %arg8[%parallel_loop3A_232, %parallel_loop3A_233] {strides = array<i32>} : memref<50x1000xf32, #tpu.memory_space<vmem>>, vector<1x16xf32>,
        %parallel_loop3A_235 = vector.shape_cast %parallel_loop3A_234 : vector<1x16xf32> to vector<16xf32>
        %parallel_loop3A_236 = vector.shape_cast %parallel_loop3A_193 : vector<16xf32> to vector<1x16xf32>
        tpu.vector_store %arg8[%parallel_loop3A_232, %parallel_loop3A_233], %parallel_loop3A_236 {strides = array<i32>} : memref<50x1000xf32, #tpu.memory_space<vmem>>, vector<1x16xf32>,
        %parallel_loop3A_237 = arith.index_cast %parallel_loop3A_75 : i32 to index
        %parallel_loop3A_238 = arith.constant 208 : index
        %parallel_loop3A_239 = tpu.vector_load %arg8[%parallel_loop3A_237, %parallel_loop3A_238] {strides = array<i32>} : memref<50x1000xf32, #tpu.memory_space<vmem>>, vector<1x16xf32>,
        %parallel_loop3A_240 = vector.shape_cast %parallel_loop3A_239 : vector<1x16xf32> to vector<16xf32>
        %parallel_loop3A_241 = vector.shape_cast %parallel_loop3A_199 : vector<16xf32> to vector<1x16xf32>
        tpu.vector_store %arg8[%parallel_loop3A_237, %parallel_loop3A_238], %parallel_loop3A_241 {strides = array<i32>} : memref<50x1000xf32, #tpu.memory_space<vmem>>, vector<1x16xf32>,
        %parallel_loop3A_242 = arith.index_cast %parallel_loop3A_75 : i32 to index
        %parallel_loop3A_243 = arith.constant 224 : index
        %parallel_loop3A_244 = tpu.vector_load %arg8[%parallel_loop3A_242, %parallel_loop3A_243] {strides = array<i32>} : memref<50x1000xf32, #tpu.memory_space<vmem>>, vector<1x16xf32>,
        %parallel_loop3A_245 = vector.shape_cast %parallel_loop3A_244 : vector<1x16xf32> to vector<16xf32>
        %parallel_loop3A_246 = vector.shape_cast %parallel_loop3A_205 : vector<16xf32> to vector<1x16xf32>
        tpu.vector_store %arg8[%parallel_loop3A_242, %parallel_loop3A_243], %parallel_loop3A_246 {strides = array<i32>} : memref<50x1000xf32, #tpu.memory_space<vmem>>, vector<1x16xf32>,
        %parallel_loop3A_247 = arith.index_cast %parallel_loop3A_75 : i32 to index
        %parallel_loop3A_248 = arith.constant 240 : index
        %parallel_loop3A_249 = tpu.vector_load %arg8[%parallel_loop3A_247, %parallel_loop3A_248] {strides = array<i32>} : memref<50x1000xf32, #tpu.memory_space<vmem>>, vector<1x16xf32>,
        %parallel_loop3A_250 = vector.shape_cast %parallel_loop3A_249 : vector<1x16xf32> to vector<16xf32>
        %parallel_loop3A_251 = vector.shape_cast %parallel_loop3A_211 : vector<16xf32> to vector<1x16xf32>
        tpu.vector_store %arg8[%parallel_loop3A_247, %parallel_loop3A_248], %parallel_loop3A_251 {strides = array<i32>} : memref<50x1000xf32, #tpu.memory_space<vmem>>, vector<1x16xf32>,
        %parallel_loop3A_252 = arith.constant 2 : i32
        %parallel_loop3A_253 = arith.index_cast %parallel_loop3A_73 : i32 to index
        %parallel_loop3A_254 = arith.index_cast %parallel_loop3A_252 : i32 to index
        %parallel_loop3A_255 = arith.constant 0 : index
        %parallel_loop3A_256 = tpu.vector_load %arg7[%parallel_loop3A_253, %parallel_loop3A_254, %parallel_loop3A_255] {strides = array<i32>} : memref<26x8x128xf32, #tpu.memory_space<vmem>>, vector<1x1x16xf32>,
        %parallel_loop3A_257 = vector.shape_cast %parallel_loop3A_256 : vector<1x1x16xf32> to vector<16xf32>
        %parallel_loop3A_258 = arith.constant 2 : i32
        %parallel_loop3A_259 = arith.index_cast %parallel_loop3A_73 : i32 to index
        %parallel_loop3A_260 = arith.index_cast %parallel_loop3A_258 : i32 to index
        %parallel_loop3A_261 = arith.constant 16 : index
        %parallel_loop3A_262 = tpu.vector_load %arg7[%parallel_loop3A_259, %parallel_loop3A_260, %parallel_loop3A_261] {strides = array<i32>} : memref<26x8x128xf32, #tpu.memory_space<vmem>>, vector<1x1x16xf32>,
        %parallel_loop3A_263 = vector.shape_cast %parallel_loop3A_262 : vector<1x1x16xf32> to vector<16xf32>
        %parallel_loop3A_264 = arith.constant 2 : i32
        %parallel_loop3A_265 = arith.index_cast %parallel_loop3A_73 : i32 to index
        %parallel_loop3A_266 = arith.index_cast %parallel_loop3A_264 : i32 to index
        %parallel_loop3A_267 = arith.constant 32 : index
        %parallel_loop3A_268 = tpu.vector_load %arg7[%parallel_loop3A_265, %parallel_loop3A_266, %parallel_loop3A_267] {strides = array<i32>} : memref<26x8x128xf32, #tpu.memory_space<vmem>>, vector<1x1x16xf32>,
        %parallel_loop3A_269 = vector.shape_cast %parallel_loop3A_268 : vector<1x1x16xf32> to vector<16xf32>
        %parallel_loop3A_270 = arith.constant 2 : i32
        %parallel_loop3A_271 = arith.index_cast %parallel_loop3A_73 : i32 to index
        %parallel_loop3A_272 = arith.index_cast %parallel_loop3A_270 : i32 to index
        %parallel_loop3A_273 = arith.constant 48 : index
        %parallel_loop3A_274 = tpu.vector_load %arg7[%parallel_loop3A_271, %parallel_loop3A_272, %parallel_loop3A_273] {strides = array<i32>} : memref<26x8x128xf32, #tpu.memory_space<vmem>>, vector<1x1x16xf32>,
        %parallel_loop3A_275 = vector.shape_cast %parallel_loop3A_274 : vector<1x1x16xf32> to vector<16xf32>
        %parallel_loop3A_276 = arith.constant 2 : i32
        %parallel_loop3A_277 = arith.index_cast %parallel_loop3A_73 : i32 to index
        %parallel_loop3A_278 = arith.index_cast %parallel_loop3A_276 : i32 to index
        %parallel_loop3A_279 = arith.constant 64 : index
        %parallel_loop3A_280 = tpu.vector_load %arg7[%parallel_loop3A_277, %parallel_loop3A_278, %parallel_loop3A_279] {strides = array<i32>} : memref<26x8x128xf32, #tpu.memory_space<vmem>>, vector<1x1x16xf32>,
        %parallel_loop3A_281 = vector.shape_cast %parallel_loop3A_280 : vector<1x1x16xf32> to vector<16xf32>
        %parallel_loop3A_282 = arith.constant 2 : i32
        %parallel_loop3A_283 = arith.index_cast %parallel_loop3A_73 : i32 to index
        %parallel_loop3A_284 = arith.index_cast %parallel_loop3A_282 : i32 to index
        %parallel_loop3A_285 = arith.constant 80 : index
        %parallel_loop3A_286 = tpu.vector_load %arg7[%parallel_loop3A_283, %parallel_loop3A_284, %parallel_loop3A_285] {strides = array<i32>} : memref<26x8x128xf32, #tpu.memory_space<vmem>>, vector<1x1x16xf32>,
        %parallel_loop3A_287 = vector.shape_cast %parallel_loop3A_286 : vector<1x1x16xf32> to vector<16xf32>
        %parallel_loop3A_288 = arith.constant 2 : i32
        %parallel_loop3A_289 = arith.index_cast %parallel_loop3A_73 : i32 to index
        %parallel_loop3A_290 = arith.index_cast %parallel_loop3A_288 : i32 to index
        %parallel_loop3A_291 = arith.constant 96 : index
        %parallel_loop3A_292 = tpu.vector_load %arg7[%parallel_loop3A_289, %parallel_loop3A_290, %parallel_loop3A_291] {strides = array<i32>} : memref<26x8x128xf32, #tpu.memory_space<vmem>>, vector<1x1x16xf32>,
        %parallel_loop3A_293 = vector.shape_cast %parallel_loop3A_292 : vector<1x1x16xf32> to vector<16xf32>
        %parallel_loop3A_294 = arith.constant 2 : i32
        %parallel_loop3A_295 = arith.index_cast %parallel_loop3A_73 : i32 to index
        %parallel_loop3A_296 = arith.index_cast %parallel_loop3A_294 : i32 to index
        %parallel_loop3A_297 = arith.constant 112 : index
        %parallel_loop3A_298 = tpu.vector_load %arg7[%parallel_loop3A_295, %parallel_loop3A_296, %parallel_loop3A_297] {strides = array<i32>} : memref<26x8x128xf32, #tpu.memory_space<vmem>>, vector<1x1x16xf32>,
        %parallel_loop3A_299 = vector.shape_cast %parallel_loop3A_298 : vector<1x1x16xf32> to vector<16xf32>
        %parallel_loop3A_300 = arith.index_cast %parallel_loop3A_75 : i32 to index
        %parallel_loop3A_301 = arith.constant 256 : index
        %parallel_loop3A_302 = tpu.vector_load %arg8[%parallel_loop3A_300, %parallel_loop3A_301] {strides = array<i32>} : memref<50x1000xf32, #tpu.memory_space<vmem>>, vector<1x16xf32>,
        %parallel_loop3A_303 = vector.shape_cast %parallel_loop3A_302 : vector<1x16xf32> to vector<16xf32>
        %parallel_loop3A_304 = vector.shape_cast %parallel_loop3A_257 : vector<16xf32> to vector<1x16xf32>
        tpu.vector_store %arg8[%parallel_loop3A_300, %parallel_loop3A_301], %parallel_loop3A_304 {strides = array<i32>} : memref<50x1000xf32, #tpu.memory_space<vmem>>, vector<1x16xf32>,
        %parallel_loop3A_305 = arith.index_cast %parallel_loop3A_75 : i32 to index
        %parallel_loop3A_306 = arith.constant 272 : index
        %parallel_loop3A_307 = tpu.vector_load %arg8[%parallel_loop3A_305, %parallel_loop3A_306] {strides = array<i32>} : memref<50x1000xf32, #tpu.memory_space<vmem>>, vector<1x16xf32>,
        %parallel_loop3A_308 = vector.shape_cast %parallel_loop3A_307 : vector<1x16xf32> to vector<16xf32>
        %parallel_loop3A_309 = vector.shape_cast %parallel_loop3A_263 : vector<16xf32> to vector<1x16xf32>
        tpu.vector_store %arg8[%parallel_loop3A_305, %parallel_loop3A_306], %parallel_loop3A_309 {strides = array<i32>} : memref<50x1000xf32, #tpu.memory_space<vmem>>, vector<1x16xf32>,
        %parallel_loop3A_310 = arith.index_cast %parallel_loop3A_75 : i32 to index
        %parallel_loop3A_311 = arith.constant 288 : index
        %parallel_loop3A_312 = tpu.vector_load %arg8[%parallel_loop3A_310, %parallel_loop3A_311] {strides = array<i32>} : memref<50x1000xf32, #tpu.memory_space<vmem>>, vector<1x16xf32>,
        %parallel_loop3A_313 = vector.shape_cast %parallel_loop3A_312 : vector<1x16xf32> to vector<16xf32>
        %parallel_loop3A_314 = vector.shape_cast %parallel_loop3A_269 : vector<16xf32> to vector<1x16xf32>
        tpu.vector_store %arg8[%parallel_loop3A_310, %parallel_loop3A_311], %parallel_loop3A_314 {strides = array<i32>} : memref<50x1000xf32, #tpu.memory_space<vmem>>, vector<1x16xf32>,
        %parallel_loop3A_315 = arith.index_cast %parallel_loop3A_75 : i32 to index
        %parallel_loop3A_316 = arith.constant 304 : index
        %parallel_loop3A_317 = tpu.vector_load %arg8[%parallel_loop3A_315, %parallel_loop3A_316] {strides = array<i32>} : memref<50x1000xf32, #tpu.memory_space<vmem>>, vector<1x16xf32>,
        %parallel_loop3A_318 = vector.shape_cast %parallel_loop3A_317 : vector<1x16xf32> to vector<16xf32>
        %parallel_loop3A_319 = vector.shape_cast %parallel_loop3A_275 : vector<16xf32> to vector<1x16xf32>
        tpu.vector_store %arg8[%parallel_loop3A_315, %parallel_loop3A_316], %parallel_loop3A_319 {strides = array<i32>} : memref<50x1000xf32, #tpu.memory_space<vmem>>, vector<1x16xf32>,
        %parallel_loop3A_320 = arith.index_cast %parallel_loop3A_75 : i32 to index
        %parallel_loop3A_321 = arith.constant 320 : index
        %parallel_loop3A_322 = tpu.vector_load %arg8[%parallel_loop3A_320, %parallel_loop3A_321] {strides = array<i32>} : memref<50x1000xf32, #tpu.memory_space<vmem>>, vector<1x16xf32>,
        %parallel_loop3A_323 = vector.shape_cast %parallel_loop3A_322 : vector<1x16xf32> to vector<16xf32>
        %parallel_loop3A_324 = vector.shape_cast %parallel_loop3A_281 : vector<16xf32> to vector<1x16xf32>
        tpu.vector_store %arg8[%parallel_loop3A_320, %parallel_loop3A_321], %parallel_loop3A_324 {strides = array<i32>} : memref<50x1000xf32, #tpu.memory_space<vmem>>, vector<1x16xf32>,
        %parallel_loop3A_325 = arith.index_cast %parallel_loop3A_75 : i32 to index
        %parallel_loop3A_326 = arith.constant 336 : index
        %parallel_loop3A_327 = tpu.vector_load %arg8[%parallel_loop3A_325, %parallel_loop3A_326] {strides = array<i32>} : memref<50x1000xf32, #tpu.memory_space<vmem>>, vector<1x16xf32>,
        %parallel_loop3A_328 = vector.shape_cast %parallel_loop3A_327 : vector<1x16xf32> to vector<16xf32>
        %parallel_loop3A_329 = vector.shape_cast %parallel_loop3A_287 : vector<16xf32> to vector<1x16xf32>
        tpu.vector_store %arg8[%parallel_loop3A_325, %parallel_loop3A_326], %parallel_loop3A_329 {strides = array<i32>} : memref<50x1000xf32, #tpu.memory_space<vmem>>, vector<1x16xf32>,
        %parallel_loop3A_330 = arith.index_cast %parallel_loop3A_75 : i32 to index
        %parallel_loop3A_331 = arith.constant 352 : index
        %parallel_loop3A_332 = tpu.vector_load %arg8[%parallel_loop3A_330, %parallel_loop3A_331] {strides = array<i32>} : memref<50x1000xf32, #tpu.memory_space<vmem>>, vector<1x16xf32>,
        %parallel_loop3A_333 = vector.shape_cast %parallel_loop3A_332 : vector<1x16xf32> to vector<16xf32>
        %parallel_loop3A_334 = vector.shape_cast %parallel_loop3A_293 : vector<16xf32> to vector<1x16xf32>
        tpu.vector_store %arg8[%parallel_loop3A_330, %parallel_loop3A_331], %parallel_loop3A_334 {strides = array<i32>} : memref<50x1000xf32, #tpu.memory_space<vmem>>, vector<1x16xf32>,
        %parallel_loop3A_335 = arith.index_cast %parallel_loop3A_75 : i32 to index
        %parallel_loop3A_336 = arith.constant 368 : index
        %parallel_loop3A_337 = tpu.vector_load %arg8[%parallel_loop3A_335, %parallel_loop3A_336] {strides = array<i32>} : memref<50x1000xf32, #tpu.memory_space<vmem>>, vector<1x16xf32>,
        %parallel_loop3A_338 = vector.shape_cast %parallel_loop3A_337 : vector<1x16xf32> to vector<16xf32>
        %parallel_loop3A_339 = vector.shape_cast %parallel_loop3A_299 : vector<16xf32> to vector<1x16xf32>
        tpu.vector_store %arg8[%parallel_loop3A_335, %parallel_loop3A_336], %parallel_loop3A_339 {strides = array<i32>} : memref<50x1000xf32, #tpu.memory_space<vmem>>, vector<1x16xf32>,
        %parallel_loop3A_340 = arith.constant 3 : i32
        %parallel_loop3A_341 = arith.index_cast %parallel_loop3A_73 : i32 to index
        %parallel_loop3A_342 = arith.index_cast %parallel_loop3A_340 : i32 to index
        %parallel_loop3A_343 = arith.constant 0 : index
        %parallel_loop3A_344 = tpu.vector_load %arg7[%parallel_loop3A_341, %parallel_loop3A_342, %parallel_loop3A_343] {strides = array<i32>} : memref<26x8x128xf32, #tpu.memory_space<vmem>>, vector<1x1x16xf32>,
        %parallel_loop3A_345 = vector.shape_cast %parallel_loop3A_344 : vector<1x1x16xf32> to vector<16xf32>
        %parallel_loop3A_346 = arith.constant 3 : i32
        %parallel_loop3A_347 = arith.index_cast %parallel_loop3A_73 : i32 to index
        %parallel_loop3A_348 = arith.index_cast %parallel_loop3A_346 : i32 to index
        %parallel_loop3A_349 = arith.constant 16 : index
        %parallel_loop3A_350 = tpu.vector_load %arg7[%parallel_loop3A_347, %parallel_loop3A_348, %parallel_loop3A_349] {strides = array<i32>} : memref<26x8x128xf32, #tpu.memory_space<vmem>>, vector<1x1x16xf32>,
        %parallel_loop3A_351 = vector.shape_cast %parallel_loop3A_350 : vector<1x1x16xf32> to vector<16xf32>
        %parallel_loop3A_352 = arith.constant 3 : i32
        %parallel_loop3A_353 = arith.index_cast %parallel_loop3A_73 : i32 to index
        %parallel_loop3A_354 = arith.index_cast %parallel_loop3A_352 : i32 to index
        %parallel_loop3A_355 = arith.constant 32 : index
        %parallel_loop3A_356 = tpu.vector_load %arg7[%parallel_loop3A_353, %parallel_loop3A_354, %parallel_loop3A_355] {strides = array<i32>} : memref<26x8x128xf32, #tpu.memory_space<vmem>>, vector<1x1x16xf32>,
        %parallel_loop3A_357 = vector.shape_cast %parallel_loop3A_356 : vector<1x1x16xf32> to vector<16xf32>
        %parallel_loop3A_358 = arith.constant 3 : i32
        %parallel_loop3A_359 = arith.index_cast %parallel_loop3A_73 : i32 to index
        %parallel_loop3A_360 = arith.index_cast %parallel_loop3A_358 : i32 to index
        %parallel_loop3A_361 = arith.constant 48 : index
        %parallel_loop3A_362 = tpu.vector_load %arg7[%parallel_loop3A_359, %parallel_loop3A_360, %parallel_loop3A_361] {strides = array<i32>} : memref<26x8x128xf32, #tpu.memory_space<vmem>>, vector<1x1x16xf32>,
        %parallel_loop3A_363 = vector.shape_cast %parallel_loop3A_362 : vector<1x1x16xf32> to vector<16xf32>
        %parallel_loop3A_364 = arith.constant 3 : i32
        %parallel_loop3A_365 = arith.index_cast %parallel_loop3A_73 : i32 to index
        %parallel_loop3A_366 = arith.index_cast %parallel_loop3A_364 : i32 to index
        %parallel_loop3A_367 = arith.constant 64 : index
        %parallel_loop3A_368 = tpu.vector_load %arg7[%parallel_loop3A_365, %parallel_loop3A_366, %parallel_loop3A_367] {strides = array<i32>} : memref<26x8x128xf32, #tpu.memory_space<vmem>>, vector<1x1x16xf32>,
        %parallel_loop3A_369 = vector.shape_cast %parallel_loop3A_368 : vector<1x1x16xf32> to vector<16xf32>
        %parallel_loop3A_370 = arith.constant 3 : i32
        %parallel_loop3A_371 = arith.index_cast %parallel_loop3A_73 : i32 to index
        %parallel_loop3A_372 = arith.index_cast %parallel_loop3A_370 : i32 to index
        %parallel_loop3A_373 = arith.constant 80 : index
        %parallel_loop3A_374 = tpu.vector_load %arg7[%parallel_loop3A_371, %parallel_loop3A_372, %parallel_loop3A_373] {strides = array<i32>} : memref<26x8x128xf32, #tpu.memory_space<vmem>>, vector<1x1x16xf32>,
        %parallel_loop3A_375 = vector.shape_cast %parallel_loop3A_374 : vector<1x1x16xf32> to vector<16xf32>
        %parallel_loop3A_376 = arith.constant 3 : i32
        %parallel_loop3A_377 = arith.index_cast %parallel_loop3A_73 : i32 to index
        %parallel_loop3A_378 = arith.index_cast %parallel_loop3A_376 : i32 to index
        %parallel_loop3A_379 = arith.constant 96 : index
        %parallel_loop3A_380 = tpu.vector_load %arg7[%parallel_loop3A_377, %parallel_loop3A_378, %parallel_loop3A_379] {strides = array<i32>} : memref<26x8x128xf32, #tpu.memory_space<vmem>>, vector<1x1x16xf32>,
        %parallel_loop3A_381 = vector.shape_cast %parallel_loop3A_380 : vector<1x1x16xf32> to vector<16xf32>
        %parallel_loop3A_382 = arith.constant 3 : i32
        %parallel_loop3A_383 = arith.index_cast %parallel_loop3A_73 : i32 to index
        %parallel_loop3A_384 = arith.index_cast %parallel_loop3A_382 : i32 to index
        %parallel_loop3A_385 = arith.constant 112 : index
        %parallel_loop3A_386 = tpu.vector_load %arg7[%parallel_loop3A_383, %parallel_loop3A_384, %parallel_loop3A_385] {strides = array<i32>} : memref<26x8x128xf32, #tpu.memory_space<vmem>>, vector<1x1x16xf32>,
        %parallel_loop3A_387 = vector.shape_cast %parallel_loop3A_386 : vector<1x1x16xf32> to vector<16xf32>
        %parallel_loop3A_388 = arith.index_cast %parallel_loop3A_75 : i32 to index
        %parallel_loop3A_389 = arith.constant 384 : index
        %parallel_loop3A_390 = tpu.vector_load %arg8[%parallel_loop3A_388, %parallel_loop3A_389] {strides = array<i32>} : memref<50x1000xf32, #tpu.memory_space<vmem>>, vector<1x16xf32>,
        %parallel_loop3A_391 = vector.shape_cast %parallel_loop3A_390 : vector<1x16xf32> to vector<16xf32>
        %parallel_loop3A_392 = vector.shape_cast %parallel_loop3A_345 : vector<16xf32> to vector<1x16xf32>
        tpu.vector_store %arg8[%parallel_loop3A_388, %parallel_loop3A_389], %parallel_loop3A_392 {strides = array<i32>} : memref<50x1000xf32, #tpu.memory_space<vmem>>, vector<1x16xf32>,
        %parallel_loop3A_393 = arith.index_cast %parallel_loop3A_75 : i32 to index
        %parallel_loop3A_394 = arith.constant 400 : index
        %parallel_loop3A_395 = tpu.vector_load %arg8[%parallel_loop3A_393, %parallel_loop3A_394] {strides = array<i32>} : memref<50x1000xf32, #tpu.memory_space<vmem>>, vector<1x16xf32>,
        %parallel_loop3A_396 = vector.shape_cast %parallel_loop3A_395 : vector<1x16xf32> to vector<16xf32>
        %parallel_loop3A_397 = vector.shape_cast %parallel_loop3A_351 : vector<16xf32> to vector<1x16xf32>
        tpu.vector_store %arg8[%parallel_loop3A_393, %parallel_loop3A_394], %parallel_loop3A_397 {strides = array<i32>} : memref<50x1000xf32, #tpu.memory_space<vmem>>, vector<1x16xf32>,
        %parallel_loop3A_398 = arith.index_cast %parallel_loop3A_75 : i32 to index
        %parallel_loop3A_399 = arith.constant 416 : index
        %parallel_loop3A_400 = tpu.vector_load %arg8[%parallel_loop3A_398, %parallel_loop3A_399] {strides = array<i32>} : memref<50x1000xf32, #tpu.memory_space<vmem>>, vector<1x16xf32>,
        %parallel_loop3A_401 = vector.shape_cast %parallel_loop3A_400 : vector<1x16xf32> to vector<16xf32>
        %parallel_loop3A_402 = vector.shape_cast %parallel_loop3A_357 : vector<16xf32> to vector<1x16xf32>
        tpu.vector_store %arg8[%parallel_loop3A_398, %parallel_loop3A_399], %parallel_loop3A_402 {strides = array<i32>} : memref<50x1000xf32, #tpu.memory_space<vmem>>, vector<1x16xf32>,
        %parallel_loop3A_403 = arith.index_cast %parallel_loop3A_75 : i32 to index
        %parallel_loop3A_404 = arith.constant 432 : index
        %parallel_loop3A_405 = tpu.vector_load %arg8[%parallel_loop3A_403, %parallel_loop3A_404] {strides = array<i32>} : memref<50x1000xf32, #tpu.memory_space<vmem>>, vector<1x16xf32>,
        %parallel_loop3A_406 = vector.shape_cast %parallel_loop3A_405 : vector<1x16xf32> to vector<16xf32>
        %parallel_loop3A_407 = vector.shape_cast %parallel_loop3A_363 : vector<16xf32> to vector<1x16xf32>
        tpu.vector_store %arg8[%parallel_loop3A_403, %parallel_loop3A_404], %parallel_loop3A_407 {strides = array<i32>} : memref<50x1000xf32, #tpu.memory_space<vmem>>, vector<1x16xf32>,
        %parallel_loop3A_408 = arith.index_cast %parallel_loop3A_75 : i32 to index
        %parallel_loop3A_409 = arith.constant 448 : index
        %parallel_loop3A_410 = tpu.vector_load %arg8[%parallel_loop3A_408, %parallel_loop3A_409] {strides = array<i32>} : memref<50x1000xf32, #tpu.memory_space<vmem>>, vector<1x16xf32>,
        %parallel_loop3A_411 = vector.shape_cast %parallel_loop3A_410 : vector<1x16xf32> to vector<16xf32>
        %parallel_loop3A_412 = vector.shape_cast %parallel_loop3A_369 : vector<16xf32> to vector<1x16xf32>
        tpu.vector_store %arg8[%parallel_loop3A_408, %parallel_loop3A_409], %parallel_loop3A_412 {strides = array<i32>} : memref<50x1000xf32, #tpu.memory_space<vmem>>, vector<1x16xf32>,
        %parallel_loop3A_413 = arith.index_cast %parallel_loop3A_75 : i32 to index
        %parallel_loop3A_414 = arith.constant 464 : index
        %parallel_loop3A_415 = tpu.vector_load %arg8[%parallel_loop3A_413, %parallel_loop3A_414] {strides = array<i32>} : memref<50x1000xf32, #tpu.memory_space<vmem>>, vector<1x16xf32>,
        %parallel_loop3A_416 = vector.shape_cast %parallel_loop3A_415 : vector<1x16xf32> to vector<16xf32>
        %parallel_loop3A_417 = vector.shape_cast %parallel_loop3A_375 : vector<16xf32> to vector<1x16xf32>
        tpu.vector_store %arg8[%parallel_loop3A_413, %parallel_loop3A_414], %parallel_loop3A_417 {strides = array<i32>} : memref<50x1000xf32, #tpu.memory_space<vmem>>, vector<1x16xf32>,
        %parallel_loop3A_418 = arith.index_cast %parallel_loop3A_75 : i32 to index
        %parallel_loop3A_419 = arith.constant 480 : index
        %parallel_loop3A_420 = tpu.vector_load %arg8[%parallel_loop3A_418, %parallel_loop3A_419] {strides = array<i32>} : memref<50x1000xf32, #tpu.memory_space<vmem>>, vector<1x16xf32>,
        %parallel_loop3A_421 = vector.shape_cast %parallel_loop3A_420 : vector<1x16xf32> to vector<16xf32>
        %parallel_loop3A_422 = vector.shape_cast %parallel_loop3A_381 : vector<16xf32> to vector<1x16xf32>
        tpu.vector_store %arg8[%parallel_loop3A_418, %parallel_loop3A_419], %parallel_loop3A_422 {strides = array<i32>} : memref<50x1000xf32, #tpu.memory_space<vmem>>, vector<1x16xf32>,
        %parallel_loop3A_423 = arith.index_cast %parallel_loop3A_75 : i32 to index
        %parallel_loop3A_424 = arith.constant 496 : index
        %parallel_loop3A_425 = tpu.vector_load %arg8[%parallel_loop3A_423, %parallel_loop3A_424] {strides = array<i32>} : memref<50x1000xf32, #tpu.memory_space<vmem>>, vector<1x16xf32>,
        %parallel_loop3A_426 = vector.shape_cast %parallel_loop3A_425 : vector<1x16xf32> to vector<16xf32>
        %parallel_loop3A_427 = vector.shape_cast %parallel_loop3A_387 : vector<16xf32> to vector<1x16xf32>
        tpu.vector_store %arg8[%parallel_loop3A_423, %parallel_loop3A_424], %parallel_loop3A_427 {strides = array<i32>} : memref<50x1000xf32, #tpu.memory_space<vmem>>, vector<1x16xf32>,
        %parallel_loop3A_428 = arith.constant 4 : i32
        %parallel_loop3A_429 = arith.index_cast %parallel_loop3A_73 : i32 to index
        %parallel_loop3A_430 = arith.index_cast %parallel_loop3A_428 : i32 to index
        %parallel_loop3A_431 = arith.constant 0 : index
        %parallel_loop3A_432 = tpu.vector_load %arg7[%parallel_loop3A_429, %parallel_loop3A_430, %parallel_loop3A_431] {strides = array<i32>} : memref<26x8x128xf32, #tpu.memory_space<vmem>>, vector<1x1x16xf32>,
        %parallel_loop3A_433 = vector.shape_cast %parallel_loop3A_432 : vector<1x1x16xf32> to vector<16xf32>
        %parallel_loop3A_434 = arith.constant 4 : i32
        %parallel_loop3A_435 = arith.index_cast %parallel_loop3A_73 : i32 to index
        %parallel_loop3A_436 = arith.index_cast %parallel_loop3A_434 : i32 to index
        %parallel_loop3A_437 = arith.constant 16 : index
        %parallel_loop3A_438 = tpu.vector_load %arg7[%parallel_loop3A_435, %parallel_loop3A_436, %parallel_loop3A_437] {strides = array<i32>} : memref<26x8x128xf32, #tpu.memory_space<vmem>>, vector<1x1x16xf32>,
        %parallel_loop3A_439 = vector.shape_cast %parallel_loop3A_438 : vector<1x1x16xf32> to vector<16xf32>
        %parallel_loop3A_440 = arith.constant 4 : i32
        %parallel_loop3A_441 = arith.index_cast %parallel_loop3A_73 : i32 to index
        %parallel_loop3A_442 = arith.index_cast %parallel_loop3A_440 : i32 to index
        %parallel_loop3A_443 = arith.constant 32 : index
        %parallel_loop3A_444 = tpu.vector_load %arg7[%parallel_loop3A_441, %parallel_loop3A_442, %parallel_loop3A_443] {strides = array<i32>} : memref<26x8x128xf32, #tpu.memory_space<vmem>>, vector<1x1x16xf32>,
        %parallel_loop3A_445 = vector.shape_cast %parallel_loop3A_444 : vector<1x1x16xf32> to vector<16xf32>
        %parallel_loop3A_446 = arith.constant 4 : i32
        %parallel_loop3A_447 = arith.index_cast %parallel_loop3A_73 : i32 to index
        %parallel_loop3A_448 = arith.index_cast %parallel_loop3A_446 : i32 to index
        %parallel_loop3A_449 = arith.constant 48 : index
        %parallel_loop3A_450 = tpu.vector_load %arg7[%parallel_loop3A_447, %parallel_loop3A_448, %parallel_loop3A_449] {strides = array<i32>} : memref<26x8x128xf32, #tpu.memory_space<vmem>>, vector<1x1x16xf32>,
        %parallel_loop3A_451 = vector.shape_cast %parallel_loop3A_450 : vector<1x1x16xf32> to vector<16xf32>
        %parallel_loop3A_452 = arith.constant 4 : i32
        %parallel_loop3A_453 = arith.index_cast %parallel_loop3A_73 : i32 to index
        %parallel_loop3A_454 = arith.index_cast %parallel_loop3A_452 : i32 to index
        %parallel_loop3A_455 = arith.constant 64 : index
        %parallel_loop3A_456 = tpu.vector_load %arg7[%parallel_loop3A_453, %parallel_loop3A_454, %parallel_loop3A_455] {strides = array<i32>} : memref<26x8x128xf32, #tpu.memory_space<vmem>>, vector<1x1x16xf32>,
        %parallel_loop3A_457 = vector.shape_cast %parallel_loop3A_456 : vector<1x1x16xf32> to vector<16xf32>
        %parallel_loop3A_458 = arith.constant 4 : i32
        %parallel_loop3A_459 = arith.index_cast %parallel_loop3A_73 : i32 to index
        %parallel_loop3A_460 = arith.index_cast %parallel_loop3A_458 : i32 to index
        %parallel_loop3A_461 = arith.constant 80 : index
        %parallel_loop3A_462 = tpu.vector_load %arg7[%parallel_loop3A_459, %parallel_loop3A_460, %parallel_loop3A_461] {strides = array<i32>} : memref<26x8x128xf32, #tpu.memory_space<vmem>>, vector<1x1x16xf32>,
        %parallel_loop3A_463 = vector.shape_cast %parallel_loop3A_462 : vector<1x1x16xf32> to vector<16xf32>
        %parallel_loop3A_464 = arith.constant 4 : i32
        %parallel_loop3A_465 = arith.index_cast %parallel_loop3A_73 : i32 to index
        %parallel_loop3A_466 = arith.index_cast %parallel_loop3A_464 : i32 to index
        %parallel_loop3A_467 = arith.constant 96 : index
        %parallel_loop3A_468 = tpu.vector_load %arg7[%parallel_loop3A_465, %parallel_loop3A_466, %parallel_loop3A_467] {strides = array<i32>} : memref<26x8x128xf32, #tpu.memory_space<vmem>>, vector<1x1x16xf32>,
        %parallel_loop3A_469 = vector.shape_cast %parallel_loop3A_468 : vector<1x1x16xf32> to vector<16xf32>
        %parallel_loop3A_470 = arith.constant 4 : i32
        %parallel_loop3A_471 = arith.index_cast %parallel_loop3A_73 : i32 to index
        %parallel_loop3A_472 = arith.index_cast %parallel_loop3A_470 : i32 to index
        %parallel_loop3A_473 = arith.constant 112 : index
        %parallel_loop3A_474 = tpu.vector_load %arg7[%parallel_loop3A_471, %parallel_loop3A_472, %parallel_loop3A_473] {strides = array<i32>} : memref<26x8x128xf32, #tpu.memory_space<vmem>>, vector<1x1x16xf32>,
        %parallel_loop3A_475 = vector.shape_cast %parallel_loop3A_474 : vector<1x1x16xf32> to vector<16xf32>
        %parallel_loop3A_476 = arith.index_cast %parallel_loop3A_75 : i32 to index
        %parallel_loop3A_477 = arith.constant 512 : index
        %parallel_loop3A_478 = tpu.vector_load %arg8[%parallel_loop3A_476, %parallel_loop3A_477] {strides = array<i32>} : memref<50x1000xf32, #tpu.memory_space<vmem>>, vector<1x16xf32>,
        %parallel_loop3A_479 = vector.shape_cast %parallel_loop3A_478 : vector<1x16xf32> to vector<16xf32>
        %parallel_loop3A_480 = vector.shape_cast %parallel_loop3A_433 : vector<16xf32> to vector<1x16xf32>
        tpu.vector_store %arg8[%parallel_loop3A_476, %parallel_loop3A_477], %parallel_loop3A_480 {strides = array<i32>} : memref<50x1000xf32, #tpu.memory_space<vmem>>, vector<1x16xf32>,
        %parallel_loop3A_481 = arith.index_cast %parallel_loop3A_75 : i32 to index
        %parallel_loop3A_482 = arith.constant 528 : index
        %parallel_loop3A_483 = tpu.vector_load %arg8[%parallel_loop3A_481, %parallel_loop3A_482] {strides = array<i32>} : memref<50x1000xf32, #tpu.memory_space<vmem>>, vector<1x16xf32>,
        %parallel_loop3A_484 = vector.shape_cast %parallel_loop3A_483 : vector<1x16xf32> to vector<16xf32>
        %parallel_loop3A_485 = vector.shape_cast %parallel_loop3A_439 : vector<16xf32> to vector<1x16xf32>
        tpu.vector_store %arg8[%parallel_loop3A_481, %parallel_loop3A_482], %parallel_loop3A_485 {strides = array<i32>} : memref<50x1000xf32, #tpu.memory_space<vmem>>, vector<1x16xf32>,
        %parallel_loop3A_486 = arith.index_cast %parallel_loop3A_75 : i32 to index
        %parallel_loop3A_487 = arith.constant 544 : index
        %parallel_loop3A_488 = tpu.vector_load %arg8[%parallel_loop3A_486, %parallel_loop3A_487] {strides = array<i32>} : memref<50x1000xf32, #tpu.memory_space<vmem>>, vector<1x16xf32>,
        %parallel_loop3A_489 = vector.shape_cast %parallel_loop3A_488 : vector<1x16xf32> to vector<16xf32>
        %parallel_loop3A_490 = vector.shape_cast %parallel_loop3A_445 : vector<16xf32> to vector<1x16xf32>
        tpu.vector_store %arg8[%parallel_loop3A_486, %parallel_loop3A_487], %parallel_loop3A_490 {strides = array<i32>} : memref<50x1000xf32, #tpu.memory_space<vmem>>, vector<1x16xf32>,
        %parallel_loop3A_491 = arith.index_cast %parallel_loop3A_75 : i32 to index
        %parallel_loop3A_492 = arith.constant 560 : index
        %parallel_loop3A_493 = tpu.vector_load %arg8[%parallel_loop3A_491, %parallel_loop3A_492] {strides = array<i32>} : memref<50x1000xf32, #tpu.memory_space<vmem>>, vector<1x16xf32>,
        %parallel_loop3A_494 = vector.shape_cast %parallel_loop3A_493 : vector<1x16xf32> to vector<16xf32>
        %parallel_loop3A_495 = vector.shape_cast %parallel_loop3A_451 : vector<16xf32> to vector<1x16xf32>
        tpu.vector_store %arg8[%parallel_loop3A_491, %parallel_loop3A_492], %parallel_loop3A_495 {strides = array<i32>} : memref<50x1000xf32, #tpu.memory_space<vmem>>, vector<1x16xf32>,
        %parallel_loop3A_496 = arith.index_cast %parallel_loop3A_75 : i32 to index
        %parallel_loop3A_497 = arith.constant 576 : index
        %parallel_loop3A_498 = tpu.vector_load %arg8[%parallel_loop3A_496, %parallel_loop3A_497] {strides = array<i32>} : memref<50x1000xf32, #tpu.memory_space<vmem>>, vector<1x16xf32>,
        %parallel_loop3A_499 = vector.shape_cast %parallel_loop3A_498 : vector<1x16xf32> to vector<16xf32>
        %parallel_loop3A_500 = vector.shape_cast %parallel_loop3A_457 : vector<16xf32> to vector<1x16xf32>
        tpu.vector_store %arg8[%parallel_loop3A_496, %parallel_loop3A_497], %parallel_loop3A_500 {strides = array<i32>} : memref<50x1000xf32, #tpu.memory_space<vmem>>, vector<1x16xf32>,
        %parallel_loop3A_501 = arith.index_cast %parallel_loop3A_75 : i32 to index
        %parallel_loop3A_502 = arith.constant 592 : index
        %parallel_loop3A_503 = tpu.vector_load %arg8[%parallel_loop3A_501, %parallel_loop3A_502] {strides = array<i32>} : memref<50x1000xf32, #tpu.memory_space<vmem>>, vector<1x16xf32>,
        %parallel_loop3A_504 = vector.shape_cast %parallel_loop3A_503 : vector<1x16xf32> to vector<16xf32>
        %parallel_loop3A_505 = vector.shape_cast %parallel_loop3A_463 : vector<16xf32> to vector<1x16xf32>
        tpu.vector_store %arg8[%parallel_loop3A_501, %parallel_loop3A_502], %parallel_loop3A_505 {strides = array<i32>} : memref<50x1000xf32, #tpu.memory_space<vmem>>, vector<1x16xf32>,
        %parallel_loop3A_506 = arith.index_cast %parallel_loop3A_75 : i32 to index
        %parallel_loop3A_507 = arith.constant 608 : index
        %parallel_loop3A_508 = tpu.vector_load %arg8[%parallel_loop3A_506, %parallel_loop3A_507] {strides = array<i32>} : memref<50x1000xf32, #tpu.memory_space<vmem>>, vector<1x16xf32>,
        %parallel_loop3A_509 = vector.shape_cast %parallel_loop3A_508 : vector<1x16xf32> to vector<16xf32>
        %parallel_loop3A_510 = vector.shape_cast %parallel_loop3A_469 : vector<16xf32> to vector<1x16xf32>
        tpu.vector_store %arg8[%parallel_loop3A_506, %parallel_loop3A_507], %parallel_loop3A_510 {strides = array<i32>} : memref<50x1000xf32, #tpu.memory_space<vmem>>, vector<1x16xf32>,
        %parallel_loop3A_511 = arith.index_cast %parallel_loop3A_75 : i32 to index
        %parallel_loop3A_512 = arith.constant 624 : index
        %parallel_loop3A_513 = tpu.vector_load %arg8[%parallel_loop3A_511, %parallel_loop3A_512] {strides = array<i32>} : memref<50x1000xf32, #tpu.memory_space<vmem>>, vector<1x16xf32>,
        %parallel_loop3A_514 = vector.shape_cast %parallel_loop3A_513 : vector<1x16xf32> to vector<16xf32>
        %parallel_loop3A_515 = vector.shape_cast %parallel_loop3A_475 : vector<16xf32> to vector<1x16xf32>
        tpu.vector_store %arg8[%parallel_loop3A_511, %parallel_loop3A_512], %parallel_loop3A_515 {strides = array<i32>} : memref<50x1000xf32, #tpu.memory_space<vmem>>, vector<1x16xf32>,
        %parallel_loop3A_516 = arith.constant 5 : i32
        %parallel_loop3A_517 = arith.index_cast %parallel_loop3A_73 : i32 to index
        %parallel_loop3A_518 = arith.index_cast %parallel_loop3A_516 : i32 to index
        %parallel_loop3A_519 = arith.constant 0 : index
        %parallel_loop3A_520 = tpu.vector_load %arg7[%parallel_loop3A_517, %parallel_loop3A_518, %parallel_loop3A_519] {strides = array<i32>} : memref<26x8x128xf32, #tpu.memory_space<vmem>>, vector<1x1x16xf32>,
        %parallel_loop3A_521 = vector.shape_cast %parallel_loop3A_520 : vector<1x1x16xf32> to vector<16xf32>
        %parallel_loop3A_522 = arith.constant 5 : i32
        %parallel_loop3A_523 = arith.index_cast %parallel_loop3A_73 : i32 to index
        %parallel_loop3A_524 = arith.index_cast %parallel_loop3A_522 : i32 to index
        %parallel_loop3A_525 = arith.constant 16 : index
        %parallel_loop3A_526 = tpu.vector_load %arg7[%parallel_loop3A_523, %parallel_loop3A_524, %parallel_loop3A_525] {strides = array<i32>} : memref<26x8x128xf32, #tpu.memory_space<vmem>>, vector<1x1x16xf32>,
        %parallel_loop3A_527 = vector.shape_cast %parallel_loop3A_526 : vector<1x1x16xf32> to vector<16xf32>
        %parallel_loop3A_528 = arith.constant 5 : i32
        %parallel_loop3A_529 = arith.index_cast %parallel_loop3A_73 : i32 to index
        %parallel_loop3A_530 = arith.index_cast %parallel_loop3A_528 : i32 to index
        %parallel_loop3A_531 = arith.constant 32 : index
        %parallel_loop3A_532 = tpu.vector_load %arg7[%parallel_loop3A_529, %parallel_loop3A_530, %parallel_loop3A_531] {strides = array<i32>} : memref<26x8x128xf32, #tpu.memory_space<vmem>>, vector<1x1x16xf32>,
        %parallel_loop3A_533 = vector.shape_cast %parallel_loop3A_532 : vector<1x1x16xf32> to vector<16xf32>
        %parallel_loop3A_534 = arith.constant 5 : i32
        %parallel_loop3A_535 = arith.index_cast %parallel_loop3A_73 : i32 to index
        %parallel_loop3A_536 = arith.index_cast %parallel_loop3A_534 : i32 to index
        %parallel_loop3A_537 = arith.constant 48 : index
        %parallel_loop3A_538 = tpu.vector_load %arg7[%parallel_loop3A_535, %parallel_loop3A_536, %parallel_loop3A_537] {strides = array<i32>} : memref<26x8x128xf32, #tpu.memory_space<vmem>>, vector<1x1x16xf32>,
        %parallel_loop3A_539 = vector.shape_cast %parallel_loop3A_538 : vector<1x1x16xf32> to vector<16xf32>
        %parallel_loop3A_540 = arith.constant 5 : i32
        %parallel_loop3A_541 = arith.index_cast %parallel_loop3A_73 : i32 to index
        %parallel_loop3A_542 = arith.index_cast %parallel_loop3A_540 : i32 to index
        %parallel_loop3A_543 = arith.constant 64 : index
        %parallel_loop3A_544 = tpu.vector_load %arg7[%parallel_loop3A_541, %parallel_loop3A_542, %parallel_loop3A_543] {strides = array<i32>} : memref<26x8x128xf32, #tpu.memory_space<vmem>>, vector<1x1x16xf32>,
        %parallel_loop3A_545 = vector.shape_cast %parallel_loop3A_544 : vector<1x1x16xf32> to vector<16xf32>
        %parallel_loop3A_546 = arith.constant 5 : i32
        %parallel_loop3A_547 = arith.index_cast %parallel_loop3A_73 : i32 to index
        %parallel_loop3A_548 = arith.index_cast %parallel_loop3A_546 : i32 to index
        %parallel_loop3A_549 = arith.constant 80 : index
        %parallel_loop3A_550 = tpu.vector_load %arg7[%parallel_loop3A_547, %parallel_loop3A_548, %parallel_loop3A_549] {strides = array<i32>} : memref<26x8x128xf32, #tpu.memory_space<vmem>>, vector<1x1x16xf32>,
        %parallel_loop3A_551 = vector.shape_cast %parallel_loop3A_550 : vector<1x1x16xf32> to vector<16xf32>
        %parallel_loop3A_552 = arith.constant 5 : i32
        %parallel_loop3A_553 = arith.index_cast %parallel_loop3A_73 : i32 to index
        %parallel_loop3A_554 = arith.index_cast %parallel_loop3A_552 : i32 to index
        %parallel_loop3A_555 = arith.constant 96 : index
        %parallel_loop3A_556 = tpu.vector_load %arg7[%parallel_loop3A_553, %parallel_loop3A_554, %parallel_loop3A_555] {strides = array<i32>} : memref<26x8x128xf32, #tpu.memory_space<vmem>>, vector<1x1x16xf32>,
        %parallel_loop3A_557 = vector.shape_cast %parallel_loop3A_556 : vector<1x1x16xf32> to vector<16xf32>
        %parallel_loop3A_558 = arith.constant 5 : i32
        %parallel_loop3A_559 = arith.index_cast %parallel_loop3A_73 : i32 to index
        %parallel_loop3A_560 = arith.index_cast %parallel_loop3A_558 : i32 to index
        %parallel_loop3A_561 = arith.constant 112 : index
        %parallel_loop3A_562 = tpu.vector_load %arg7[%parallel_loop3A_559, %parallel_loop3A_560, %parallel_loop3A_561] {strides = array<i32>} : memref<26x8x128xf32, #tpu.memory_space<vmem>>, vector<1x1x16xf32>,
        %parallel_loop3A_563 = vector.shape_cast %parallel_loop3A_562 : vector<1x1x16xf32> to vector<16xf32>
        %parallel_loop3A_564 = arith.index_cast %parallel_loop3A_75 : i32 to index
        %parallel_loop3A_565 = arith.constant 640 : index
        %parallel_loop3A_566 = tpu.vector_load %arg8[%parallel_loop3A_564, %parallel_loop3A_565] {strides = array<i32>} : memref<50x1000xf32, #tpu.memory_space<vmem>>, vector<1x16xf32>,
        %parallel_loop3A_567 = vector.shape_cast %parallel_loop3A_566 : vector<1x16xf32> to vector<16xf32>
        %parallel_loop3A_568 = vector.shape_cast %parallel_loop3A_521 : vector<16xf32> to vector<1x16xf32>
        tpu.vector_store %arg8[%parallel_loop3A_564, %parallel_loop3A_565], %parallel_loop3A_568 {strides = array<i32>} : memref<50x1000xf32, #tpu.memory_space<vmem>>, vector<1x16xf32>,
        %parallel_loop3A_569 = arith.index_cast %parallel_loop3A_75 : i32 to index
        %parallel_loop3A_570 = arith.constant 656 : index
        %parallel_loop3A_571 = tpu.vector_load %arg8[%parallel_loop3A_569, %parallel_loop3A_570] {strides = array<i32>} : memref<50x1000xf32, #tpu.memory_space<vmem>>, vector<1x16xf32>,
        %parallel_loop3A_572 = vector.shape_cast %parallel_loop3A_571 : vector<1x16xf32> to vector<16xf32>
        %parallel_loop3A_573 = vector.shape_cast %parallel_loop3A_527 : vector<16xf32> to vector<1x16xf32>
        tpu.vector_store %arg8[%parallel_loop3A_569, %parallel_loop3A_570], %parallel_loop3A_573 {strides = array<i32>} : memref<50x1000xf32, #tpu.memory_space<vmem>>, vector<1x16xf32>,
        %parallel_loop3A_574 = arith.index_cast %parallel_loop3A_75 : i32 to index
        %parallel_loop3A_575 = arith.constant 672 : index
        %parallel_loop3A_576 = tpu.vector_load %arg8[%parallel_loop3A_574, %parallel_loop3A_575] {strides = array<i32>} : memref<50x1000xf32, #tpu.memory_space<vmem>>, vector<1x16xf32>,
        %parallel_loop3A_577 = vector.shape_cast %parallel_loop3A_576 : vector<1x16xf32> to vector<16xf32>
        %parallel_loop3A_578 = vector.shape_cast %parallel_loop3A_533 : vector<16xf32> to vector<1x16xf32>
        tpu.vector_store %arg8[%parallel_loop3A_574, %parallel_loop3A_575], %parallel_loop3A_578 {strides = array<i32>} : memref<50x1000xf32, #tpu.memory_space<vmem>>, vector<1x16xf32>,
        %parallel_loop3A_579 = arith.index_cast %parallel_loop3A_75 : i32 to index
        %parallel_loop3A_580 = arith.constant 688 : index
        %parallel_loop3A_581 = tpu.vector_load %arg8[%parallel_loop3A_579, %parallel_loop3A_580] {strides = array<i32>} : memref<50x1000xf32, #tpu.memory_space<vmem>>, vector<1x16xf32>,
        %parallel_loop3A_582 = vector.shape_cast %parallel_loop3A_581 : vector<1x16xf32> to vector<16xf32>
        %parallel_loop3A_583 = vector.shape_cast %parallel_loop3A_539 : vector<16xf32> to vector<1x16xf32>
        tpu.vector_store %arg8[%parallel_loop3A_579, %parallel_loop3A_580], %parallel_loop3A_583 {strides = array<i32>} : memref<50x1000xf32, #tpu.memory_space<vmem>>, vector<1x16xf32>,
        %parallel_loop3A_584 = arith.index_cast %parallel_loop3A_75 : i32 to index
        %parallel_loop3A_585 = arith.constant 704 : index
        %parallel_loop3A_586 = tpu.vector_load %arg8[%parallel_loop3A_584, %parallel_loop3A_585] {strides = array<i32>} : memref<50x1000xf32, #tpu.memory_space<vmem>>, vector<1x16xf32>,
        %parallel_loop3A_587 = vector.shape_cast %parallel_loop3A_586 : vector<1x16xf32> to vector<16xf32>
        %parallel_loop3A_588 = vector.shape_cast %parallel_loop3A_545 : vector<16xf32> to vector<1x16xf32>
        tpu.vector_store %arg8[%parallel_loop3A_584, %parallel_loop3A_585], %parallel_loop3A_588 {strides = array<i32>} : memref<50x1000xf32, #tpu.memory_space<vmem>>, vector<1x16xf32>,
        %parallel_loop3A_589 = arith.index_cast %parallel_loop3A_75 : i32 to index
        %parallel_loop3A_590 = arith.constant 720 : index
        %parallel_loop3A_591 = tpu.vector_load %arg8[%parallel_loop3A_589, %parallel_loop3A_590] {strides = array<i32>} : memref<50x1000xf32, #tpu.memory_space<vmem>>, vector<1x16xf32>,
        %parallel_loop3A_592 = vector.shape_cast %parallel_loop3A_591 : vector<1x16xf32> to vector<16xf32>
        %parallel_loop3A_593 = vector.shape_cast %parallel_loop3A_551 : vector<16xf32> to vector<1x16xf32>
        tpu.vector_store %arg8[%parallel_loop3A_589, %parallel_loop3A_590], %parallel_loop3A_593 {strides = array<i32>} : memref<50x1000xf32, #tpu.memory_space<vmem>>, vector<1x16xf32>,
        %parallel_loop3A_594 = arith.index_cast %parallel_loop3A_75 : i32 to index
        %parallel_loop3A_595 = arith.constant 736 : index
        %parallel_loop3A_596 = tpu.vector_load %arg8[%parallel_loop3A_594, %parallel_loop3A_595] {strides = array<i32>} : memref<50x1000xf32, #tpu.memory_space<vmem>>, vector<1x16xf32>,
        %parallel_loop3A_597 = vector.shape_cast %parallel_loop3A_596 : vector<1x16xf32> to vector<16xf32>
        %parallel_loop3A_598 = vector.shape_cast %parallel_loop3A_557 : vector<16xf32> to vector<1x16xf32>
        tpu.vector_store %arg8[%parallel_loop3A_594, %parallel_loop3A_595], %parallel_loop3A_598 {strides = array<i32>} : memref<50x1000xf32, #tpu.memory_space<vmem>>, vector<1x16xf32>,
        %parallel_loop3A_599 = arith.index_cast %parallel_loop3A_75 : i32 to index
        %parallel_loop3A_600 = arith.constant 752 : index
        %parallel_loop3A_601 = tpu.vector_load %arg8[%parallel_loop3A_599, %parallel_loop3A_600] {strides = array<i32>} : memref<50x1000xf32, #tpu.memory_space<vmem>>, vector<1x16xf32>,
        %parallel_loop3A_602 = vector.shape_cast %parallel_loop3A_601 : vector<1x16xf32> to vector<16xf32>
        %parallel_loop3A_603 = vector.shape_cast %parallel_loop3A_563 : vector<16xf32> to vector<1x16xf32>
        tpu.vector_store %arg8[%parallel_loop3A_599, %parallel_loop3A_600], %parallel_loop3A_603 {strides = array<i32>} : memref<50x1000xf32, #tpu.memory_space<vmem>>, vector<1x16xf32>,
        %parallel_loop3A_604 = arith.constant 6 : i32
        %parallel_loop3A_605 = arith.index_cast %parallel_loop3A_73 : i32 to index
        %parallel_loop3A_606 = arith.index_cast %parallel_loop3A_604 : i32 to index
        %parallel_loop3A_607 = arith.constant 0 : index
        %parallel_loop3A_608 = tpu.vector_load %arg7[%parallel_loop3A_605, %parallel_loop3A_606, %parallel_loop3A_607] {strides = array<i32>} : memref<26x8x128xf32, #tpu.memory_space<vmem>>, vector<1x1x16xf32>,
        %parallel_loop3A_609 = vector.shape_cast %parallel_loop3A_608 : vector<1x1x16xf32> to vector<16xf32>
        %parallel_loop3A_610 = arith.constant 6 : i32
        %parallel_loop3A_611 = arith.index_cast %parallel_loop3A_73 : i32 to index
        %parallel_loop3A_612 = arith.index_cast %parallel_loop3A_610 : i32 to index
        %parallel_loop3A_613 = arith.constant 16 : index
        %parallel_loop3A_614 = tpu.vector_load %arg7[%parallel_loop3A_611, %parallel_loop3A_612, %parallel_loop3A_613] {strides = array<i32>} : memref<26x8x128xf32, #tpu.memory_space<vmem>>, vector<1x1x16xf32>,
        %parallel_loop3A_615 = vector.shape_cast %parallel_loop3A_614 : vector<1x1x16xf32> to vector<16xf32>
        %parallel_loop3A_616 = arith.constant 6 : i32
        %parallel_loop3A_617 = arith.index_cast %parallel_loop3A_73 : i32 to index
        %parallel_loop3A_618 = arith.index_cast %parallel_loop3A_616 : i32 to index
        %parallel_loop3A_619 = arith.constant 32 : index
        %parallel_loop3A_620 = tpu.vector_load %arg7[%parallel_loop3A_617, %parallel_loop3A_618, %parallel_loop3A_619] {strides = array<i32>} : memref<26x8x128xf32, #tpu.memory_space<vmem>>, vector<1x1x16xf32>,
        %parallel_loop3A_621 = vector.shape_cast %parallel_loop3A_620 : vector<1x1x16xf32> to vector<16xf32>
        %parallel_loop3A_622 = arith.constant 6 : i32
        %parallel_loop3A_623 = arith.index_cast %parallel_loop3A_73 : i32 to index
        %parallel_loop3A_624 = arith.index_cast %parallel_loop3A_622 : i32 to index
        %parallel_loop3A_625 = arith.constant 48 : index
        %parallel_loop3A_626 = tpu.vector_load %arg7[%parallel_loop3A_623, %parallel_loop3A_624, %parallel_loop3A_625] {strides = array<i32>} : memref<26x8x128xf32, #tpu.memory_space<vmem>>, vector<1x1x16xf32>,
        %parallel_loop3A_627 = vector.shape_cast %parallel_loop3A_626 : vector<1x1x16xf32> to vector<16xf32>
        %parallel_loop3A_628 = arith.constant 6 : i32
        %parallel_loop3A_629 = arith.index_cast %parallel_loop3A_73 : i32 to index
        %parallel_loop3A_630 = arith.index_cast %parallel_loop3A_628 : i32 to index
        %parallel_loop3A_631 = arith.constant 64 : index
        %parallel_loop3A_632 = tpu.vector_load %arg7[%parallel_loop3A_629, %parallel_loop3A_630, %parallel_loop3A_631] {strides = array<i32>} : memref<26x8x128xf32, #tpu.memory_space<vmem>>, vector<1x1x16xf32>,
        %parallel_loop3A_633 = vector.shape_cast %parallel_loop3A_632 : vector<1x1x16xf32> to vector<16xf32>
        %parallel_loop3A_634 = arith.constant 6 : i32
        %parallel_loop3A_635 = arith.index_cast %parallel_loop3A_73 : i32 to index
        %parallel_loop3A_636 = arith.index_cast %parallel_loop3A_634 : i32 to index
        %parallel_loop3A_637 = arith.constant 80 : index
        %parallel_loop3A_638 = tpu.vector_load %arg7[%parallel_loop3A_635, %parallel_loop3A_636, %parallel_loop3A_637] {strides = array<i32>} : memref<26x8x128xf32, #tpu.memory_space<vmem>>, vector<1x1x16xf32>,
        %parallel_loop3A_639 = vector.shape_cast %parallel_loop3A_638 : vector<1x1x16xf32> to vector<16xf32>
        %parallel_loop3A_640 = arith.constant 6 : i32
        %parallel_loop3A_641 = arith.index_cast %parallel_loop3A_73 : i32 to index
        %parallel_loop3A_642 = arith.index_cast %parallel_loop3A_640 : i32 to index
        %parallel_loop3A_643 = arith.constant 96 : index
        %parallel_loop3A_644 = tpu.vector_load %arg7[%parallel_loop3A_641, %parallel_loop3A_642, %parallel_loop3A_643] {strides = array<i32>} : memref<26x8x128xf32, #tpu.memory_space<vmem>>, vector<1x1x16xf32>,
        %parallel_loop3A_645 = vector.shape_cast %parallel_loop3A_644 : vector<1x1x16xf32> to vector<16xf32>
        %parallel_loop3A_646 = arith.constant 6 : i32
        %parallel_loop3A_647 = arith.index_cast %parallel_loop3A_73 : i32 to index
        %parallel_loop3A_648 = arith.index_cast %parallel_loop3A_646 : i32 to index
        %parallel_loop3A_649 = arith.constant 112 : index
        %parallel_loop3A_650 = tpu.vector_load %arg7[%parallel_loop3A_647, %parallel_loop3A_648, %parallel_loop3A_649] {strides = array<i32>} : memref<26x8x128xf32, #tpu.memory_space<vmem>>, vector<1x1x16xf32>,
        %parallel_loop3A_651 = vector.shape_cast %parallel_loop3A_650 : vector<1x1x16xf32> to vector<16xf32>
        %parallel_loop3A_652 = arith.index_cast %parallel_loop3A_75 : i32 to index
        %parallel_loop3A_653 = arith.constant 768 : index
        %parallel_loop3A_654 = tpu.vector_load %arg8[%parallel_loop3A_652, %parallel_loop3A_653] {strides = array<i32>} : memref<50x1000xf32, #tpu.memory_space<vmem>>, vector<1x16xf32>,
        %parallel_loop3A_655 = vector.shape_cast %parallel_loop3A_654 : vector<1x16xf32> to vector<16xf32>
        %parallel_loop3A_656 = vector.shape_cast %parallel_loop3A_609 : vector<16xf32> to vector<1x16xf32>
        tpu.vector_store %arg8[%parallel_loop3A_652, %parallel_loop3A_653], %parallel_loop3A_656 {strides = array<i32>} : memref<50x1000xf32, #tpu.memory_space<vmem>>, vector<1x16xf32>,
        %parallel_loop3A_657 = arith.index_cast %parallel_loop3A_75 : i32 to index
        %parallel_loop3A_658 = arith.constant 784 : index
        %parallel_loop3A_659 = tpu.vector_load %arg8[%parallel_loop3A_657, %parallel_loop3A_658] {strides = array<i32>} : memref<50x1000xf32, #tpu.memory_space<vmem>>, vector<1x16xf32>,
        %parallel_loop3A_660 = vector.shape_cast %parallel_loop3A_659 : vector<1x16xf32> to vector<16xf32>
        %parallel_loop3A_661 = vector.shape_cast %parallel_loop3A_615 : vector<16xf32> to vector<1x16xf32>
        tpu.vector_store %arg8[%parallel_loop3A_657, %parallel_loop3A_658], %parallel_loop3A_661 {strides = array<i32>} : memref<50x1000xf32, #tpu.memory_space<vmem>>, vector<1x16xf32>,
        %parallel_loop3A_662 = arith.index_cast %parallel_loop3A_75 : i32 to index
        %parallel_loop3A_663 = arith.constant 800 : index
        %parallel_loop3A_664 = tpu.vector_load %arg8[%parallel_loop3A_662, %parallel_loop3A_663] {strides = array<i32>} : memref<50x1000xf32, #tpu.memory_space<vmem>>, vector<1x16xf32>,
        %parallel_loop3A_665 = vector.shape_cast %parallel_loop3A_664 : vector<1x16xf32> to vector<16xf32>
        %parallel_loop3A_666 = vector.shape_cast %parallel_loop3A_621 : vector<16xf32> to vector<1x16xf32>
        tpu.vector_store %arg8[%parallel_loop3A_662, %parallel_loop3A_663], %parallel_loop3A_666 {strides = array<i32>} : memref<50x1000xf32, #tpu.memory_space<vmem>>, vector<1x16xf32>,
        %parallel_loop3A_667 = arith.index_cast %parallel_loop3A_75 : i32 to index
        %parallel_loop3A_668 = arith.constant 816 : index
        %parallel_loop3A_669 = tpu.vector_load %arg8[%parallel_loop3A_667, %parallel_loop3A_668] {strides = array<i32>} : memref<50x1000xf32, #tpu.memory_space<vmem>>, vector<1x16xf32>,
        %parallel_loop3A_670 = vector.shape_cast %parallel_loop3A_669 : vector<1x16xf32> to vector<16xf32>
        %parallel_loop3A_671 = vector.shape_cast %parallel_loop3A_627 : vector<16xf32> to vector<1x16xf32>
        tpu.vector_store %arg8[%parallel_loop3A_667, %parallel_loop3A_668], %parallel_loop3A_671 {strides = array<i32>} : memref<50x1000xf32, #tpu.memory_space<vmem>>, vector<1x16xf32>,
        %parallel_loop3A_672 = arith.index_cast %parallel_loop3A_75 : i32 to index
        %parallel_loop3A_673 = arith.constant 832 : index
        %parallel_loop3A_674 = tpu.vector_load %arg8[%parallel_loop3A_672, %parallel_loop3A_673] {strides = array<i32>} : memref<50x1000xf32, #tpu.memory_space<vmem>>, vector<1x16xf32>,
        %parallel_loop3A_675 = vector.shape_cast %parallel_loop3A_674 : vector<1x16xf32> to vector<16xf32>
        %parallel_loop3A_676 = vector.shape_cast %parallel_loop3A_633 : vector<16xf32> to vector<1x16xf32>
        tpu.vector_store %arg8[%parallel_loop3A_672, %parallel_loop3A_673], %parallel_loop3A_676 {strides = array<i32>} : memref<50x1000xf32, #tpu.memory_space<vmem>>, vector<1x16xf32>,
        %parallel_loop3A_677 = arith.index_cast %parallel_loop3A_75 : i32 to index
        %parallel_loop3A_678 = arith.constant 848 : index
        %parallel_loop3A_679 = tpu.vector_load %arg8[%parallel_loop3A_677, %parallel_loop3A_678] {strides = array<i32>} : memref<50x1000xf32, #tpu.memory_space<vmem>>, vector<1x16xf32>,
        %parallel_loop3A_680 = vector.shape_cast %parallel_loop3A_679 : vector<1x16xf32> to vector<16xf32>
        %parallel_loop3A_681 = vector.shape_cast %parallel_loop3A_639 : vector<16xf32> to vector<1x16xf32>
        tpu.vector_store %arg8[%parallel_loop3A_677, %parallel_loop3A_678], %parallel_loop3A_681 {strides = array<i32>} : memref<50x1000xf32, #tpu.memory_space<vmem>>, vector<1x16xf32>,
        %parallel_loop3A_682 = arith.index_cast %parallel_loop3A_75 : i32 to index
        %parallel_loop3A_683 = arith.constant 864 : index
        %parallel_loop3A_684 = tpu.vector_load %arg8[%parallel_loop3A_682, %parallel_loop3A_683] {strides = array<i32>} : memref<50x1000xf32, #tpu.memory_space<vmem>>, vector<1x16xf32>,
        %parallel_loop3A_685 = vector.shape_cast %parallel_loop3A_684 : vector<1x16xf32> to vector<16xf32>
        %parallel_loop3A_686 = vector.shape_cast %parallel_loop3A_645 : vector<16xf32> to vector<1x16xf32>
        tpu.vector_store %arg8[%parallel_loop3A_682, %parallel_loop3A_683], %parallel_loop3A_686 {strides = array<i32>} : memref<50x1000xf32, #tpu.memory_space<vmem>>, vector<1x16xf32>,
        %parallel_loop3A_687 = arith.index_cast %parallel_loop3A_75 : i32 to index
        %parallel_loop3A_688 = arith.constant 880 : index
        %parallel_loop3A_689 = tpu.vector_load %arg8[%parallel_loop3A_687, %parallel_loop3A_688] {strides = array<i32>} : memref<50x1000xf32, #tpu.memory_space<vmem>>, vector<1x16xf32>,
        %parallel_loop3A_690 = vector.shape_cast %parallel_loop3A_689 : vector<1x16xf32> to vector<16xf32>
        %parallel_loop3A_691 = vector.shape_cast %parallel_loop3A_651 : vector<16xf32> to vector<1x16xf32>
        tpu.vector_store %arg8[%parallel_loop3A_687, %parallel_loop3A_688], %parallel_loop3A_691 {strides = array<i32>} : memref<50x1000xf32, #tpu.memory_space<vmem>>, vector<1x16xf32>,
        %parallel_loop3A_692 = arith.constant 7 : i32
        %parallel_loop3A_693 = arith.index_cast %parallel_loop3A_73 : i32 to index
        %parallel_loop3A_694 = arith.index_cast %parallel_loop3A_692 : i32 to index
        %parallel_loop3A_695 = arith.constant 88 : index
        %parallel_loop3A_696 = tpu.vector_load %arg7[%parallel_loop3A_693, %parallel_loop3A_694, %parallel_loop3A_695] {strides = array<i32>} : memref<26x8x128xf32, #tpu.memory_space<vmem>>, vector<1x1x16xf32>,
        %parallel_loop3A_697 = vector.shape_cast %parallel_loop3A_696 : vector<1x1x16xf32> to vector<16xf32>
        %parallel_loop3A_698 = arith.constant 7 : i32
        %parallel_loop3A_699 = arith.index_cast %parallel_loop3A_73 : i32 to index
        %parallel_loop3A_700 = arith.index_cast %parallel_loop3A_698 : i32 to index
        %parallel_loop3A_701 = arith.constant 0 : index
        %parallel_loop3A_702 = tpu.vector_load %arg7[%parallel_loop3A_699, %parallel_loop3A_700, %parallel_loop3A_701] {strides = array<i32>} : memref<26x8x128xf32, #tpu.memory_space<vmem>>, vector<1x1x16xf32>,
        %parallel_loop3A_703 = vector.shape_cast %parallel_loop3A_702 : vector<1x1x16xf32> to vector<16xf32>
        %parallel_loop3A_704 = arith.constant 7 : i32
        %parallel_loop3A_705 = arith.index_cast %parallel_loop3A_73 : i32 to index
        %parallel_loop3A_706 = arith.index_cast %parallel_loop3A_704 : i32 to index
        %parallel_loop3A_707 = arith.constant 16 : index
        %parallel_loop3A_708 = tpu.vector_load %arg7[%parallel_loop3A_705, %parallel_loop3A_706, %parallel_loop3A_707] {strides = array<i32>} : memref<26x8x128xf32, #tpu.memory_space<vmem>>, vector<1x1x16xf32>,
        %parallel_loop3A_709 = vector.shape_cast %parallel_loop3A_708 : vector<1x1x16xf32> to vector<16xf32>
        %parallel_loop3A_710 = arith.constant 7 : i32
        %parallel_loop3A_711 = arith.index_cast %parallel_loop3A_73 : i32 to index
        %parallel_loop3A_712 = arith.index_cast %parallel_loop3A_710 : i32 to index
        %parallel_loop3A_713 = arith.constant 32 : index
        %parallel_loop3A_714 = tpu.vector_load %arg7[%parallel_loop3A_711, %parallel_loop3A_712, %parallel_loop3A_713] {strides = array<i32>} : memref<26x8x128xf32, #tpu.memory_space<vmem>>, vector<1x1x16xf32>,
        %parallel_loop3A_715 = vector.shape_cast %parallel_loop3A_714 : vector<1x1x16xf32> to vector<16xf32>
        %parallel_loop3A_716 = arith.constant 7 : i32
        %parallel_loop3A_717 = arith.index_cast %parallel_loop3A_73 : i32 to index
        %parallel_loop3A_718 = arith.index_cast %parallel_loop3A_716 : i32 to index
        %parallel_loop3A_719 = arith.constant 48 : index
        %parallel_loop3A_720 = tpu.vector_load %arg7[%parallel_loop3A_717, %parallel_loop3A_718, %parallel_loop3A_719] {strides = array<i32>} : memref<26x8x128xf32, #tpu.memory_space<vmem>>, vector<1x1x16xf32>,
        %parallel_loop3A_721 = vector.shape_cast %parallel_loop3A_720 : vector<1x1x16xf32> to vector<16xf32>
        %parallel_loop3A_722 = arith.constant 7 : i32
        %parallel_loop3A_723 = arith.index_cast %parallel_loop3A_73 : i32 to index
        %parallel_loop3A_724 = arith.index_cast %parallel_loop3A_722 : i32 to index
        %parallel_loop3A_725 = arith.constant 64 : index
        %parallel_loop3A_726 = tpu.vector_load %arg7[%parallel_loop3A_723, %parallel_loop3A_724, %parallel_loop3A_725] {strides = array<i32>} : memref<26x8x128xf32, #tpu.memory_space<vmem>>, vector<1x1x16xf32>,
        %parallel_loop3A_727 = vector.shape_cast %parallel_loop3A_726 : vector<1x1x16xf32> to vector<16xf32>
        %parallel_loop3A_728 = arith.constant 7 : i32
        %parallel_loop3A_729 = arith.index_cast %parallel_loop3A_73 : i32 to index
        %parallel_loop3A_730 = arith.index_cast %parallel_loop3A_728 : i32 to index
        %parallel_loop3A_731 = arith.constant 80 : index
        %parallel_loop3A_732 = tpu.vector_load %arg7[%parallel_loop3A_729, %parallel_loop3A_730, %parallel_loop3A_731] {strides = array<i32>} : memref<26x8x128xf32, #tpu.memory_space<vmem>>, vector<1x1x16xf32>,
        %parallel_loop3A_733 = vector.shape_cast %parallel_loop3A_732 : vector<1x1x16xf32> to vector<16xf32>
        %parallel_loop3A_734 = arith.index_cast %parallel_loop3A_75 : i32 to index
        %parallel_loop3A_735 = arith.constant 984 : index
        %parallel_loop3A_736 = tpu.vector_load %arg8[%parallel_loop3A_734, %parallel_loop3A_735] {strides = array<i32>} : memref<50x1000xf32, #tpu.memory_space<vmem>>, vector<1x16xf32>,
        %parallel_loop3A_737 = vector.shape_cast %parallel_loop3A_736 : vector<1x16xf32> to vector<16xf32>
        %parallel_loop3A_738 = vector.shape_cast %parallel_loop3A_697 : vector<16xf32> to vector<1x16xf32>
        tpu.vector_store %arg8[%parallel_loop3A_734, %parallel_loop3A_735], %parallel_loop3A_738 {strides = array<i32>} : memref<50x1000xf32, #tpu.memory_space<vmem>>, vector<1x16xf32>,
        %parallel_loop3A_739 = arith.index_cast %parallel_loop3A_75 : i32 to index
        %parallel_loop3A_740 = arith.constant 896 : index
        %parallel_loop3A_741 = tpu.vector_load %arg8[%parallel_loop3A_739, %parallel_loop3A_740] {strides = array<i32>} : memref<50x1000xf32, #tpu.memory_space<vmem>>, vector<1x16xf32>,
        %parallel_loop3A_742 = vector.shape_cast %parallel_loop3A_741 : vector<1x16xf32> to vector<16xf32>
        %parallel_loop3A_743 = vector.shape_cast %parallel_loop3A_703 : vector<16xf32> to vector<1x16xf32>
        tpu.vector_store %arg8[%parallel_loop3A_739, %parallel_loop3A_740], %parallel_loop3A_743 {strides = array<i32>} : memref<50x1000xf32, #tpu.memory_space<vmem>>, vector<1x16xf32>,
        %parallel_loop3A_744 = arith.index_cast %parallel_loop3A_75 : i32 to index
        %parallel_loop3A_745 = arith.constant 912 : index
        %parallel_loop3A_746 = tpu.vector_load %arg8[%parallel_loop3A_744, %parallel_loop3A_745] {strides = array<i32>} : memref<50x1000xf32, #tpu.memory_space<vmem>>, vector<1x16xf32>,
        %parallel_loop3A_747 = vector.shape_cast %parallel_loop3A_746 : vector<1x16xf32> to vector<16xf32>
        %parallel_loop3A_748 = vector.shape_cast %parallel_loop3A_709 : vector<16xf32> to vector<1x16xf32>
        tpu.vector_store %arg8[%parallel_loop3A_744, %parallel_loop3A_745], %parallel_loop3A_748 {strides = array<i32>} : memref<50x1000xf32, #tpu.memory_space<vmem>>, vector<1x16xf32>,
        %parallel_loop3A_749 = arith.index_cast %parallel_loop3A_75 : i32 to index
        %parallel_loop3A_750 = arith.constant 928 : index
        %parallel_loop3A_751 = tpu.vector_load %arg8[%parallel_loop3A_749, %parallel_loop3A_750] {strides = array<i32>} : memref<50x1000xf32, #tpu.memory_space<vmem>>, vector<1x16xf32>,
        %parallel_loop3A_752 = vector.shape_cast %parallel_loop3A_751 : vector<1x16xf32> to vector<16xf32>
        %parallel_loop3A_753 = vector.shape_cast %parallel_loop3A_715 : vector<16xf32> to vector<1x16xf32>
        tpu.vector_store %arg8[%parallel_loop3A_749, %parallel_loop3A_750], %parallel_loop3A_753 {strides = array<i32>} : memref<50x1000xf32, #tpu.memory_space<vmem>>, vector<1x16xf32>,
        %parallel_loop3A_754 = arith.index_cast %parallel_loop3A_75 : i32 to index
        %parallel_loop3A_755 = arith.constant 944 : index
        %parallel_loop3A_756 = tpu.vector_load %arg8[%parallel_loop3A_754, %parallel_loop3A_755] {strides = array<i32>} : memref<50x1000xf32, #tpu.memory_space<vmem>>, vector<1x16xf32>,
        %parallel_loop3A_757 = vector.shape_cast %parallel_loop3A_756 : vector<1x16xf32> to vector<16xf32>
        %parallel_loop3A_758 = vector.shape_cast %parallel_loop3A_721 : vector<16xf32> to vector<1x16xf32>
        tpu.vector_store %arg8[%parallel_loop3A_754, %parallel_loop3A_755], %parallel_loop3A_758 {strides = array<i32>} : memref<50x1000xf32, #tpu.memory_space<vmem>>, vector<1x16xf32>,
        %parallel_loop3A_759 = arith.index_cast %parallel_loop3A_75 : i32 to index
        %parallel_loop3A_760 = arith.constant 960 : index
        %parallel_loop3A_761 = tpu.vector_load %arg8[%parallel_loop3A_759, %parallel_loop3A_760] {strides = array<i32>} : memref<50x1000xf32, #tpu.memory_space<vmem>>, vector<1x16xf32>,
        %parallel_loop3A_762 = vector.shape_cast %parallel_loop3A_761 : vector<1x16xf32> to vector<16xf32>
        %parallel_loop3A_763 = vector.shape_cast %parallel_loop3A_727 : vector<16xf32> to vector<1x16xf32>
        tpu.vector_store %arg8[%parallel_loop3A_759, %parallel_loop3A_760], %parallel_loop3A_763 {strides = array<i32>} : memref<50x1000xf32, #tpu.memory_space<vmem>>, vector<1x16xf32>,
        %parallel_loop3A_764 = arith.index_cast %parallel_loop3A_75 : i32 to index
        %parallel_loop3A_765 = arith.constant 976 : index
        %parallel_loop3A_766 = tpu.vector_load %arg8[%parallel_loop3A_764, %parallel_loop3A_765] {strides = array<i32>} : memref<50x1000xf32, #tpu.memory_space<vmem>>, vector<1x16xf32>,
        %parallel_loop3A_767 = vector.shape_cast %parallel_loop3A_766 : vector<1x16xf32> to vector<16xf32>
        %parallel_loop3A_768 = vector.shape_cast %parallel_loop3A_733 : vector<16xf32> to vector<1x16xf32>
        tpu.vector_store %arg8[%parallel_loop3A_764, %parallel_loop3A_765], %parallel_loop3A_768 {strides = array<i32>} : memref<50x1000xf32, #tpu.memory_space<vmem>>, vector<1x16xf32>,
      } {sc.loop_unroll_factor = 2 : i64, sc.parallel_access}
      %add3A_57 = arith.constant 1 : i32
      %add3A_58 = arith.addi %scan3A_29, %add3A_57 : i32
      %lt3A_59 = arith.constant 32 : i32
      %lt3A_60 = arith.cmpi slt, %add3A_58, %lt3A_59 : i32
      %convert_element_type3A_61 = arith.extui %lt3A_60 : i1 to i32
      %cond3A_62 = arith.constant 0 : i32
      %cond3A_63 = arith.cmpi ne, %convert_element_type3A_61, %cond3A_62 : i32
      scf.if %cond3A_63 {
        %add3A_73 = arith.constant 1 : i32
        %add3A_74 = arith.addi %scan3A_29, %add3A_73 : i32
        %mul3A_75 = arith.constant 56 : i32
        %mul3A_76 = arith.muli %add3A_74, %mul3A_75 : i32
        %add3A_77 = arith.constant 24 : i32
        %add3A_78 = arith.addi %mul3A_76, %add3A_77 : i32
        %multiple_of3A_79 = tpu.assume_multiple %add3A_78, 8 : i32
        %dma_start3A_80 = tpu.memref_slice %arg5[%multiple_of3A_79] : memref<1792xi32, #tpu.memory_space<vmem>> -> memref<26xi32, #tpu.memory_space<vmem>>
        %dma_start3A_81 = arith.constant 0 : i32
        %dma_start3A_82 = arith.constant 0 : i32
        %dma_start3A_83 = arith.constant 0 : i32
        %dma_start3A_84 = tpu.memref_slice %arg2[%dma_start3A_81, %dma_start3A_82, %dma_start3A_83] : memref<1000x8x128xf32, #tpu.memory_space<hbm>> -> memref<1000x8x128xf32, #tpu.memory_space<hbm>>
        tpu.enqueue_indirect_dma source(%dma_start3A_84 : memref<1000x8x128xf32, #tpu.memory_space<hbm>>) target(%arg7 : memref<26x8x128xf32, #tpu.memory_space<vmem>>) offsets(%dma_start3A_80 : memref<26xi32, #tpu.memory_space<vmem>>) semaphore(%arg10 : memref<!tpu.dma_semaphore, #tpu.memory_space<semaphore_mem>>)
      } else {
      }
      %add3A_64 = arith.addi %mul3A_2, %scan3A_29 : i32
      %dma_start3A_65 = arith.constant 0 : i32
      %dma_start3A_66 = arith.constant 0 : i32
      %dma_start3A_67 = tpu.memref_slice %arg4[%add3A_64, %dma_start3A_65, %dma_start3A_66] : memref<1024x50x1000xf32, #tpu.memory_space<hbm>> -> memref<1x50x1000xf32, #tpu.memory_space<hbm>>
      %dma_start3A_68 = tpu.memref_squeeze %dma_start3A_67 : memref<1x50x1000xf32, #tpu.memory_space<hbm>> -> memref<50x1000xf32, #tpu.memory_space<hbm>>
      %dma_start3A_69 = arith.constant 0 : i32
      %dma_start3A_70 = arith.constant 0 : i32
      %dma_start3A_71 = tpu.memref_slice %arg4[%add3A_64, %dma_start3A_69, %dma_start3A_70] : memref<1024x50x1000xf32, #tpu.memory_space<hbm>> -> memref<1x50x1000xf32, #tpu.memory_space<hbm>>
      %dma_start3A_72 = tpu.memref_squeeze %dma_start3A_71 : memref<1x50x1000xf32, #tpu.memory_space<hbm>> -> memref<50x1000xf32, #tpu.memory_space<hbm>>
      tpu.enqueue_dma source(%arg8 : memref<50x1000xf32, #tpu.memory_space<vmem>>) target(%dma_start3A_72 : memref<50x1000xf32, #tpu.memory_space<hbm>>) target_semaphore(%arg11 : memref<!tpu.dma_semaphore, #tpu.memory_space<semaphore_mem>>)
    }
    %scan3A_21 = arith.constant 32 : i32
    %dma_wait3A = arith.constant 0 : i32
    %dma_wait3A_22 = arith.constant 0 : i32
    %dma_wait3A_23 = tpu.memref_slice %arg4[%mul3A_2, %dma_wait3A, %dma_wait3A_22] : memref<1024x50x1000xf32, #tpu.memory_space<hbm>> -> memref<1x50x1000xf32, #tpu.memory_space<hbm>>
    %dma_wait3A_24 = tpu.memref_squeeze %dma_wait3A_23 : memref<1x50x1000xf32, #tpu.memory_space<hbm>> -> memref<50x1000xf32, #tpu.memory_space<hbm>>
    %dma_wait3A_25 = arith.constant 0 : i32
    %dma_wait3A_26 = arith.constant 0 : i32
    %dma_wait3A_27 = tpu.memref_slice %arg4[%mul3A_2, %dma_wait3A_25, %dma_wait3A_26] : memref<1024x50x1000xf32, #tpu.memory_space<hbm>> -> memref<1x50x1000xf32, #tpu.memory_space<hbm>>
    %dma_wait3A_28 = tpu.memref_squeeze %dma_wait3A_27 : memref<1x50x1000xf32, #tpu.memory_space<hbm>> -> memref<50x1000xf32, #tpu.memory_space<hbm>>
    tpu.wait_dma2 semaphore(%arg11 : memref<!tpu.dma_semaphore, #tpu.memory_space<semaphore_mem>>) src(%arg8 : memref<50x1000xf32, #tpu.memory_space<vmem>>) dst(%dma_wait3A_28 : memref<50x1000xf32, #tpu.memory_space<hbm>>)
    return
  }
}

module attributes {stable_mosaic.version = 14 : i64} {
  func.func @_table_body(%arg0: memref<1000x8xf32, #tpu.memory_space<vmem>>, %arg1: memref<1024x8xf32, #tpu.memory_space<vmem>>, %arg2: memref<1x1024xf32, #tpu.memory_space<vmem>>, %arg3: memref<1000x8x128xf32, #tpu.memory_space<vmem>>) attributes {dimension_semantics = [], scalar_prefetch = 0 : i64, scratch_operands = 0 : i64, tpu.core_type = #tpu.core_type<tc>} {
    %get3A = arith.constant 0 : index
    %get3A_0 = arith.constant 0 : index
    %get3A_1 = vector.load %arg0[%get3A, %get3A_0] : memref<1000x8xf32, #tpu.memory_space<vmem>>, vector<1000x8xf32>
    %get3A_2 = arith.constant 0 : index
    %get3A_3 = arith.constant 0 : index
    %get3A_4 = vector.load %arg1[%get3A_2, %get3A_3] : memref<1024x8xf32, #tpu.memory_space<vmem>>, vector<1024x8xf32>
    %dot_general3A = arith.constant dense<0.000000e+00> : vector<1000x1024xf32>
    %dot_general3A_5 = tpu.matmul %get3A_1, %get3A_4, %dot_general3A {dimension_numbers = #tpu.dot_dimension_numbers<[1], [1], [0], [0], [0, 0, 1, 0], [], []>, transpose_lhs_hint = false} : vector<1000x8xf32>, vector<1024x8xf32>, vector<1000x1024xf32> -> vector<1000x1024xf32>
    %get3A_6 = arith.constant 0 : index
    %get3A_7 = arith.constant 0 : index
    %get3A_8 = vector.load %arg2[%get3A_6, %get3A_7] : memref<1x1024xf32, #tpu.memory_space<vmem>>, vector<1x1024xf32>
    %add3A = vector.broadcast %get3A_8 : vector<1x1024xf32> to vector<1000x1024xf32>
    %add3A_9 = arith.addf %dot_general3A_5, %add3A : vector<1000x1024xf32>
    %reshape3A = vector.shape_cast %add3A_9 : vector<1000x1024xf32> to vector<1000x8x128xf32>
    %swap3A = arith.constant 0 : index
    %swap3A_10 = arith.constant 0 : index
    %swap3A_11 = arith.constant 0 : index
    %swap3A_12 = vector.load %arg3[%swap3A, %swap3A_10, %swap3A_11] : memref<1000x8x128xf32, #tpu.memory_space<vmem>>, vector<1000x8x128xf32>
    tpu.vector_store %arg3[%swap3A, %swap3A_10, %swap3A_11], %reshape3A {strides = array<i32>} : memref<1000x8x128xf32, #tpu.memory_space<vmem>>, vector<1000x8x128xf32>,
    return
  }
}

</mosaic_0001>

<sc_bundles>
// kernel: kernel.4.cloned.1.call-start
scs
__scs_entry_jumppad:
0x0: {  	(pc) =	sbr.rel $0x88, $3  }
0x1: {  	(tag) =	ssettag $0x0;
	lr =	simm.s32 $0x1  }
0x2: {  	[smem:$0x3F9D] =	sst lr;
	_ =	strace $0xD0000000  }
0x3: {  	_ = 	snop  }
0x4: {  	_ = 	snop  }
0x5: {  	_ = 	snop  }
0x6: {  	_ = 	snop  }
0x7: {  	_ = 	snop  }
__scs_overlays_trampoline_lowered:
0x8: {  	[smem:$0x3FAC] =	sst s0  }
0x9: {  	[smem:$0x3FAD] =	sst s1  }
0xa: {  	[smem:$0x3FAE] =	sst s2  }
0xb: {  	[smem:$0x3FAF] =	sst s3  }
0xc: {  	[smem:$0x3FB0] =	sst s4  }
0xd: {  	[smem:$0x3FB1] =	sst s5  }
0xe: {  	[smem:$0x3FB2] =	sst s6  }
0xf: {  	[smem:$0x3FB3] =	sst s7  }
0x10: {  	[smem:$0x3FB4] =	sst s8  }
0x11: {  	[smem:$0x3FB5] =	sst s9;
	s0 =	simm.s32 @!p0 $0x0  }
0x12: {  	s1 =	sld [smem:$0x3F9B];
	s0 =	simm.s32 @p0 $0x1  }
0x13: {  	[smem:$0x3FB6] =	sst s0;
	s0 =	simm.s32 @!p1 $0x0  }
0x14: {  	s2 =	sld [smem:$0x3F9A];
	s0 =	simm.s32 @p1 $0x1  }
0x15: {  	[smem:$0x3FB7] =	sst s0;
	s0 =	simm.s32 @!p2 $0x0  }
0x16: {  	s3 =	sld [smem:$0x3FDB];
	s0 =	simm.s32 @p2 $0x1  }
0x17: {  	s4 =	simm.s32 $0x1BF5;
	[smem:$0x3FB9] =	sst s0  }
0x18: {  	s0 =	sld [smem:$0x3F9C];
	_ =	swait.ge [sflag:s4], $0x0  }
0x19: {  	s7 =	sld [smem:$0x3F9D]  }
0x1a: {  	s8 =	sadd.s32 $0xFFFFE003, lr  }
0x1b: {  	s9 =	sadd.s32 $0xFFFFFEF7, lr;
	s5 =	simm.s32 $0xFFFFFFFF;
	p2 =	slt.u32 s8, $0xFFFFF086  }
0x1c: {  	p1 =	slt.u32 s9, $0xF7A;
	s5 =	simm.s32 @!p2 $0x0  }
0x1d: {  	s5 =	simm.s32 @p1 $0x1;
	p0 =	seq.s32 s7, s2  }
0x1e: {  	s7 =	smul.u32 @!p0 $0xF7A, s2;
	p2 =	seq.s32 @!p0 s5, $0x0  }
0x1f: {  	s9 =	smul.u32 $0xF7A, s1;
	s8 =	simm.s32 @!p0 $0x1BF5;
	p2 =	por !p2, p0  }
0x20: {  	[sflag:s8] =	ssyncset.s32 @!p0 $0xFFFFF086;
	s6 =	sadd.s32 @!p0 s3, s7;
	s7 =	simm.s32 @!p0 $0x108  }
0x21: {  	s3 =	sadd.s32 s3, s9;
	s6 =	sadd.s32 @!p0 $0x88, s6;
	s7 =	simm.s32 @p2 $0x1082  }
0x22: {  	[simem:s7], [sflag:s8] =	dma.local @!p0 [hbm:s6], $0xF7A  }
0x23: {  	s9 =	sor.u32 $0xD0000000, s2;
	s6 =	simm.s32 $0x108;
	_ =	swait.ge @!p0 [sflag:s8], $0x0  }
0x24: {  	s3 =	sadd.s32 $0x88, s3;
	s6 =	simm.s32 @!p1 $0x1082;
	[sflag:s4] =	ssyncset.s32 $0xFFFFF086  }
0x25: {  	[simem:s6], [sflag:s4] =	dma.local [hbm:s3], $0xF7A  }
0x26: {  	[smem:$0x3F9D] =	sst s1;
	(tag) =	ssettag s2;
	_ =	strace s9  }
0x27: {  	s1 =	sld [smem:$0x3FAD]  }
0x28: {  	s2 =	sld [smem:$0x3FAE]  }
0x29: {  	s4 =	sld [smem:$0x3FB0]  }
0x2a: {  	p0 =	seq.s32 s5, $0x0;
	s5 =	sld [smem:$0x3FB1]  }
0x2b: {  	s6 =	sld [smem:$0x3FB2]  }
0x2c: {  	s7 =	sld [smem:$0x3FB3]  }
0x2d: {  	s3 =	simm.s32 $0x108;
	s8 =	sld [smem:$0x3FB4]  }
0x2e: {  	s3 =	simm.s32 @!p0 $0x1082;
	s9 =	sld [smem:$0x3FB5]  }
0x2f: {  	lr =	sadd.s32 s0, s3;
	s0 =	sld [smem:$0x3FAC]  }
0x30: {  	s3 =	sld [smem:$0x3FAF]  }
0x31: {  	[smem:$0x3FB8] =	sst s10  }
0x32: {  	s10 =	sld [smem:$0x3FB6];
	_ =	sdelay $0x3  }
0x33: {  	p0 =	seq.s32 s10, $0x1;
	s10 =	sld [smem:$0x3FB8];
	_ =	sdelay $0x3  }
0x34: {  	[smem:$0x3FB8] =	sst s10  }
0x35: {  	s10 =	sld [smem:$0x3FB7];
	_ =	sdelay $0x3  }
0x36: {  	p1 =	seq.s32 s10, $0x1;
	s10 =	sld [smem:$0x3FB8];
	_ =	sdelay $0x3  }
0x37: {  	[smem:$0x3FB8] =	sst s10  }
0x38: {  	s10 =	sld [smem:$0x3FB9]  }
0x39: {  	_ = 	snop;
	(pc) =	sbr.ind lr, $3  }
0x3a: {  	_ = 	snop  }
0x3b: {  	_ = 	snop  }
0x3c: {  	p2 =	seq.s32 s10, $0x1;
	s10 =	sld [smem:$0x3FB8]  }
0x3d: {  	_ =	shalt  }
0x3e: {  	_ =	shalt  }
0x3f: {  	_ =	shalt  }
0x40: {  	_ =	shalt  }
0x41: {  	_ =	shalt  }
0x42: {  	_ =	shalt  }
0x43: {  	_ =	shalt  }
0x44: {  	_ =	shalt  }
0x45: {  	_ =	shalt  }
0x46: {  	_ =	shalt  }
0x47: {  	_ =	shalt  }
0x48: {  	_ =	shalt  }
0x49: {  	_ =	shalt  }
0x4a: {  	_ =	shalt  }
0x4b: {  	_ =	shalt  }
0x4c: {  	_ =	shalt  }
0x4d: {  	_ =	shalt  }
0x4e: {  	_ =	shalt  }
0x4f: {  	_ =	shalt  }
0x50: {  	_ =	shalt  }
0x51: {  	_ =	shalt  }
0x52: {  	_ =	shalt  }
0x53: {  	_ =	shalt  }
0x54: {  	_ =	shalt  }
0x55: {  	_ =	shalt  }
0x56: {  	_ =	shalt  }
0x57: {  	_ =	shalt  }
0x58: {  	_ =	shalt  }
0x59: {  	_ =	shalt  }
0x5a: {  	_ =	shalt  }
0x5b: {  	_ =	shalt  }
0x5c: {  	_ =	shalt  }
0x5d: {  	_ =	shalt  }
0x5e: {  	_ =	shalt  }
0x5f: {  	_ =	shalt  }
0x60: {  	_ =	shalt  }
0x61: {  	_ =	shalt  }
0x62: {  	_ =	shalt  }
0x63: {  	_ =	shalt  }
0x64: {  	_ =	shalt  }
0x65: {  	_ =	shalt  }
0x66: {  	_ =	shalt  }
0x67: {  	_ =	shalt  }
0x68: {  	_ =	shalt  }
0x69: {  	_ =	shalt  }
0x6a: {  	_ =	shalt  }
0x6b: {  	_ =	shalt  }
0x6c: {  	_ =	shalt  }
0x6d: {  	_ =	shalt  }
0x6e: {  	_ =	shalt  }
0x6f: {  	_ =	shalt  }
0x70: {  	_ =	shalt  }
0x71: {  	_ =	shalt  }
0x72: {  	_ =	shalt  }
0x73: {  	_ =	shalt  }
0x74: {  	_ =	shalt  }
0x75: {  	_ =	shalt  }
0x76: {  	_ =	shalt  }
0x77: {  	_ =	shalt  }
0x78: {  	_ =	shalt  }
0x79: {  	_ =	shalt  }
0x7a: {  	_ =	shalt  }
0x7b: {  	_ =	shalt  }
0x7c: {  	_ =	shalt  }
0x7d: {  	_ =	shalt  }
0x7e: {  	_ =	shalt  }
0x7f: {  	_ =	shalt  }
0x80: {  	_ =	shalt  }
0x81: {  	_ =	shalt  }
0x82: {  	_ =	shalt  }
0x83: {  	_ =	shalt  }
0x84: {  	_ =	shalt  }
0x85: {  	_ =	shalt  }
0x86: {  	_ =	shalt  }
0x87: {  	_ =	shalt  }
.Lfunc_end0:
.L_simem_size_0:
called_computation_lowered:
.L_overlay_start_0:
0x88: {  	s2 =	sld [smem:$0x3FD9]  }
0x89: {  	s3 =	sld [smem:$0x3FFE];
	_ =	sdelay $0x1  }
0x8a: {  	s1 =	srdreg.scid  }
0x8b: {  	s0 =	sand.u32 $0x1, s1  }
0x8c: {  	s17 =	sshll.u32 s0, $0xA;
	s2 =	sadd.s32 s3, s2  }
0x8d: {  	s2 =	sadd.s32 s2, s17  }
0x8e: {  	[smem:$0x3FC4] =	sst s2  }
0x8f: {  	_ = 	snop  }
0x90: {  	s2 =	sld [smem:$0x3FD0];
	(tm) =	ssettm $0x1  }
0x91: {  	s18 =	sld [smem:$0x3FFB];
	_ =	sdelay $0x3  }
0x92: {  	_ =	strace s18  }
0x93: {  	s3 =	sld [smem:$0x3FFC];
	_ =	sdelay $0x3  }
0x94: {  	_ =	strace s3  }
0x95: {  	s3 =	sld [smem:$0x3FFD];
	_ =	sdelay $0x3  }
0x96: {  	_ =	strace s3  }
0x97: {  	_ =	strace $0x8FFFFFFF  }
0x98: {  	s19 =	sld [smem:$0x3FDB];
	_ =	sdelay $0x1  }
0x99: {  	s4 =	simm.s32 $_scs_section_size  }
0x9a: {  	s5 =	simm.s32 $_size__tile_overlayer_lowered;
	s6 =	simm.s32 $_tile_overlayer_lowered  }
0x9b: {  	s22 =	simm.s32 $0x1BFF;
	s21 =	sshll.u32 s6, $0x1;
	s3 =	sadd.s32 s4, s19  }
0x9c: {  	s7 =	simm.s32 $0x0;
	s20 =	sshll.u32 s5, $0x1;
	s5 =	sadd.s32 s21, s3  }
0x9d: {  	[timem:s7], [sflag:s22] =	dma.local [hbm:s5], s20  }
0x9e: {  	_ =	swait.ge [sflag:s22], s20  }
0x9f: {  	s4 =	ssub.s32 $0x0, s20;
	[sflag:s22] =	ssyncset.done $0x0  }
0xa0: {  	[sflag:s22] =	ssyncadd.s32 s4;
	_ =	sdelay $0x1  }
0xa1: {  	s23 =	simm.s32 $0x1B8B  }
0xa2: {  	_ =	swait.ge [sflag:s23], $0x1  }
0xa3: {  	[sflag:s23] =	ssyncset.done $0x0  }
0xa4: {  	s25 =	simm.s32 $0x1B8E;
	s24 =	sld [smem:$0x3FFE];
	[sflag:s23] =	ssyncadd.s32 $0xFFFFFFFF  }
0xa5: {  	s26 =	simm.s32 $execute0_lowered;
	[smem:$0x3FD2] =	sst s25  }
0xa6: {  	s5 =	sshll.u32 s26, $0x1;
	_ =	strace $0x80000046;
	[dreg:$0x1] =	wrdreg $0xFFFFFFFF  }
0xa7: {  	s28 =	simm.s32 $_size_execute0_lowered;
	s3 =	sadd.s32 s3, s5;
	[dreg:$0x0] =	wrdreg $0x0  }
0xa8: {  	s5 =	sshll.u32 s28, $0x1;
	[dreg:$0x2] =	wrdreg s3  }
0xa9: {  	[dreg:$0x3] =	wrdreg s5  }
0xaa: {  	[dreg:$0x4] =	wrdreg $0xC0  }
0xab: {  	_ =	task [dreg:s7], $0x5FFFF  }
0xac: {  	[dreg:$0x1] =	wrdreg $0xFFFFFFFF  }
0xad: {  	[dreg:$0x0] =	wrdreg $0x60  }
0xae: {  	[dreg:$0x2] =	wrdreg s2  }
0xaf: {  	[dreg:$0x3] =	wrdreg s24  }
0xb0: {  	[dreg:$0x4] =	wrdreg $0x9  }
0xb1: {  	_ =	task.clear_ibuf [dreg:s7], $0x5FFFF;
	_ =	strace $0x90000046  }
0xb2: {  	s29 =	simm.s32 $0x9;
	_ =	strace $0x80000048  }
0xb3: {  	_ =	swait.ge [sflag:s29], $0x1  }
0xb4: {  	[sflag:s29] =	ssyncadd.s32 $0xFFFFFFFF  }
0xb5: {  	_ =	strace $0x90000048  }
0xb6: {  	_ =	sfence  }
0xb7: {  	s30 =	sld [smem:$0x0];
	_ =	sdelay $0x2  }
0xb8: {  	s31 =	sshll.u32 s1, $0xD;
	s1 =	sshrl.u32 s1, $0x2  }
0xb9: {  	s3 =	sand.u32 $0x4000, s31;
	s1 =	sadd.s32 s1, s30  }
0xba: {  	s0 =	sor.u32 s3, s0;
	s1 =	sshll.u32 s1, $0x11  }
0xbb: {  	s0 =	sor.u32 s1, s0  }
0xbc: {  	s0 =	sadd.s32 $0x8F2B, s0  }
0xbd: {  	[sflag:s0] =	ssyncadd.remote.s32 $0x1  }
0xbe: {  	_ =	sfence.sel $0xFFFF  }
0xbf: {  	[dreg:$0x0] =	wrdreg $0xFFFFFFFF;
	(pc) =	sbr.abs _section_cstart, $3  }
0xc0: {  	[dreg:$0x1] =	wrdreg $0xFFFFFFFF  }
0xc1: {  	_ =	task.clear_ibuf [dreg:s7], $0x2FFFF;
	_ =	strace $0x9FFFFFFF  }
0xc2: {  	(tm) =	ssettm $0x7FFFFFFF  }
0xc3: {  	_ =	shalt  }
tec
execute0_lowered:
.L_overlay_start_1:
0x0: {  	(tag) =	ssettag $0x1  }
0x1: {  	s1 =	srdreg.scid;
	s2 =	rddreg [dreg:$0x0]  }
0x2: {  	s0 =	stileid.u32;
	s4 =	rddreg [dreg:$0x1];
	s8 =	simm.s32 $0x4  }
0x3: {  	s9 =	simm.s32 $0x18;
	s10 =	simm.s32 $0x700;
	s11 =	simm.s32 $0x1A  }
0x4: {  	v0 =	vimm.s32 $0xFEDCBA98;
	s12 =	simm.s32 $0x6700;
	s13 =	simm.s32 $0x1;
	s14 =	simm.s32 $0x2  }
0x5: {  	v1 =	vimm.s32 $0x76543210;
	s15 =	simm.s32 $0xCF00;
	s1 =	sand.u32 $0x1, s1;
	s3 =	sshll.u32 s0, $0x1;
	v0 =	vunpack.c.l.s4.s8 v0  }
0x6: {  	s16 =	simm.s32 $0x3;
	s17 =	simm.s32 $0x0;
	v1 =	vunpack.c.l.s4.s8 v1;
	s5 =	sor.u32 s1, s3  }
0x7: {  	s3 =	simm.s32 $0x0;
	s1 =	ssub.s32 $0x2, s1;
	s6 =	smul.u32 $0xE0, s5;
	v0 =	vunpack.c.0.s8.s32 v0  }
0x8: {  	[smem:$0x7FF] =	sst s3;
	s7 =	sshrl.u32 s1, $0x1;
	s5 =	sshll.u32 s5, $0x5;
	v1 =	vunpack.c.0.s8.s32 v1  }
0x9: {  	_ =	strace $0x80000047;
	s1 =	ssub.s32 s1, s7;
	s6 =	sadd.s32 s6, s4;
	v0 =	vand.u32 $0xF, v0  }
0xa: {  	s4 =	sadd.s32 $0x2200, s4;
	s7 =	smax.u32 s1, $0x1;
	s6 =	sadd.s32 $0x600, s6;
	v0 =	vcombine.low v0, v1  }
.LBB2_1:
0xb: {  	[tilespmem:s3], [sflag:$0x4] =	stream.linear.gather [hbm4b:s6+s3], $0x700, $0x38;
	[tilespmem:$0x1AF00] =	vst v63  }
0xc: {  	_ =	swait.ge [sflag:s8], $0x700  }
0xd: {  	[sflag:s8] =	ssyncset.done $0x0  }
0xe: {  	[sflag:s8] =	ssyncadd.s32 $0xFFFFF900  }
0xf: {  	[tilespmem:s10], [sflag:$0x1] =	stream.indirect.gather [hbm4b:s2+s9], $0x400, s3, s9, $0xb8;
	[tilespmem:$0x1AF00] =	vst v63  }
0x10: {  	s18 =	simm.s32 $0x0  }
0x11: {  	[tilespmem:s12], [sflag:$0x2] =	stream.indirect.gather [hbm4b:s2+s11], $0x400, s9, s11, $0xb8;
	[tilespmem:$0x1AF00] =	vst v63  }
.LBB2_2:
0x12: {  	_ =	swait.ge [sflag:s13], $0x6000  }
0x13: {  	p0 =	seq.s32 s18, $0x0;
	[sflag:s13] =	ssyncset.done $0x0  }
0x14: {  	s1 =	simm.s32 @!p0 $0x3;
	[sflag:s13] =	ssyncadd.s32 $0xFFFFA000  }
0x15: {  	_ =	swait.ge @!p0 [sflag:s1], $0xE000  }
0x16: {  	[sflag:s1] =	ssyncset.done @!p0 $0x0  }
0x17: {  	s25 =	simm.s32 $0xB00;
	[sflag:s1] =	ssyncadd.s32 @!p0 $0xFFFF2000  }
0x18: {  	v1 =	vld [tilespmem:s25+$0xFFFFFC00]  }
0x19: {  	v2 =	vld [tilespmem:s25+$0xFFFFFC10]  }
0x1a: {  	v3 =	vld [tilespmem:s25+$0xFFFFFC20]  }
0x1b: {  	s19 =	simm.s32 $0x0;
	v4 =	vld [tilespmem:s25+$0xFFFFFC30]  }
0x1c: {  	s29 =	sand.u32 $0x6000, s19;
	v5 =	vld [tilespmem:s25+$0xFFFFFC40]  }
0x1d: {  	s20 =	sand.u32 $0x300, s19;
	s24 =	sadd.s32 $0xCF00, s29;
	v6 =	vld [tilespmem:s25+$0xFFFFFC50]  }
0x1e: {  	s1 =	sadd.s32 s20, s24;
	v7 =	vld [tilespmem:s25+$0xFFFFFC60]  }
0x1f: {  	v8 =	vld [tilespmem:s25+$0xFFFFFC70];
	[tilespmem:s1+$0x0] =	vst v1  }
0x20: {  	[tilespmem:s1+$0x10] =	vst v2  }
0x21: {  	[tilespmem:s1+$0x20] =	vst v3  }
0x22: {  	[tilespmem:s1+$0x30] =	vst v4  }
0x23: {  	[tilespmem:s1+$0x40] =	vst v5  }
0x24: {  	[tilespmem:s1+$0x50] =	vst v6  }
0x25: {  	[tilespmem:s1+$0x60] =	vst v7  }
0x26: {  	[tilespmem:s1+$0x70] =	vst v8  }
0x27: {  	v1 =	vld [tilespmem:s25+$0xFFFFFC80]  }
0x28: {  	v2 =	vld [tilespmem:s25+$0xFFFFFC90]  }
0x29: {  	v3 =	vld [tilespmem:s25+$0xFFFFFCA0]  }
0x2a: {  	v4 =	vld [tilespmem:s25+$0xFFFFFCB0]  }
0x2b: {  	v5 =	vld [tilespmem:s25+$0xFFFFFCC0]  }
0x2c: {  	v6 =	vld [tilespmem:s25+$0xFFFFFCD0]  }
0x2d: {  	v7 =	vld [tilespmem:s25+$0xFFFFFCE0]  }
0x2e: {  	v8 =	vld [tilespmem:s25+$0xFFFFFCF0];
	[tilespmem:s1+$0x400] =	vst v1  }
0x2f: {  	[tilespmem:s1+$0x410] =	vst v2  }
0x30: {  	[tilespmem:s1+$0x420] =	vst v3  }
0x31: {  	[tilespmem:s1+$0x430] =	vst v4  }
0x32: {  	[tilespmem:s1+$0x440] =	vst v5  }
0x33: {  	[tilespmem:s1+$0x450] =	vst v6  }
0x34: {  	[tilespmem:s1+$0x460] =	vst v7  }
0x35: {  	[tilespmem:s1+$0x470] =	vst v8  }
0x36: {  	v1 =	vld [tilespmem:s25+$0xFFFFFD00]  }
0x37: {  	v2 =	vld [tilespmem:s25+$0xFFFFFD10]  }
0x38: {  	v3 =	vld [tilespmem:s25+$0xFFFFFD20]  }
0x39: {  	v4 =	vld [tilespmem:s25+$0xFFFFFD30]  }
0x3a: {  	v5 =	vld [tilespmem:s25+$0xFFFFFD40]  }
0x3b: {  	v6 =	vld [tilespmem:s25+$0xFFFFFD50]  }
0x3c: {  	v7 =	vld [tilespmem:s25+$0xFFFFFD60]  }
0x3d: {  	v8 =	vld [tilespmem:s25+$0xFFFFFD70];
	[tilespmem:s1+$0x800] =	vst v1  }
0x3e: {  	[tilespmem:s1+$0x810] =	vst v2  }
0x3f: {  	[tilespmem:s1+$0x820] =	vst v3  }
0x40: {  	[tilespmem:s1+$0x830] =	vst v4  }
0x41: {  	[tilespmem:s1+$0x840] =	vst v5  }
0x42: {  	[tilespmem:s1+$0x850] =	vst v6  }
0x43: {  	[tilespmem:s1+$0x860] =	vst v7  }
0x44: {  	[tilespmem:s1+$0x870] =	vst v8  }
0x45: {  	v1 =	vld [tilespmem:s25+$0xFFFFFD80]  }
0x46: {  	v2 =	vld [tilespmem:s25+$0xFFFFFD90]  }
0x47: {  	v3 =	vld [tilespmem:s25+$0xFFFFFDA0]  }
0x48: {  	v4 =	vld [tilespmem:s25+$0xFFFFFDB0]  }
0x49: {  	v5 =	vld [tilespmem:s25+$0xFFFFFDC0]  }
0x4a: {  	v6 =	vld [tilespmem:s25+$0xFFFFFDD0]  }
0x4b: {  	v7 =	vld [tilespmem:s25+$0xFFFFFDE0]  }
0x4c: {  	v8 =	vld [tilespmem:s25+$0xFFFFFDF0];
	[tilespmem:s1+$0xC00] =	vst v1  }
0x4d: {  	[tilespmem:s1+$0xC10] =	vst v2  }
0x4e: {  	[tilespmem:s1+$0xC20] =	vst v3  }
0x4f: {  	[tilespmem:s1+$0xC30] =	vst v4  }
0x50: {  	[tilespmem:s1+$0xC40] =	vst v5  }
0x51: {  	[tilespmem:s1+$0xC50] =	vst v6  }
0x52: {  	[tilespmem:s1+$0xC60] =	vst v7  }
0x53: {  	[tilespmem:s1+$0xC70] =	vst v8  }
0x54: {  	v1 =	vld [tilespmem:s25+$0xFFFFFE00]  }
0x55: {  	v2 =	vld [tilespmem:s25+$0xFFFFFE10]  }
0x56: {  	v3 =	vld [tilespmem:s25+$0xFFFFFE20]  }
0x57: {  	v4 =	vld [tilespmem:s25+$0xFFFFFE30]  }
0x58: {  	v5 =	vld [tilespmem:s25+$0xFFFFFE40]  }
0x59: {  	v6 =	vld [tilespmem:s25+$0xFFFFFE50]  }
0x5a: {  	v7 =	vld [tilespmem:s25+$0xFFFFFE60]  }
0x5b: {  	v8 =	vld [tilespmem:s25+$0xFFFFFE70];
	[tilespmem:s1+$0x1000] =	vst v1  }
0x5c: {  	[tilespmem:s1+$0x1010] =	vst v2  }
0x5d: {  	[tilespmem:s1+$0x1020] =	vst v3  }
0x5e: {  	[tilespmem:s1+$0x1030] =	vst v4  }
0x5f: {  	[tilespmem:s1+$0x1040] =	vst v5  }
0x60: {  	[tilespmem:s1+$0x1050] =	vst v6  }
0x61: {  	[tilespmem:s1+$0x1060] =	vst v7  }
0x62: {  	[tilespmem:s1+$0x1070] =	vst v8  }
0x63: {  	v1 =	vld [tilespmem:s25+$0xFFFFFE80]  }
0x64: {  	v2 =	vld [tilespmem:s25+$0xFFFFFE90]  }
0x65: {  	v3 =	vld [tilespmem:s25+$0xFFFFFEA0]  }
0x66: {  	v4 =	vld [tilespmem:s25+$0xFFFFFEB0]  }
0x67: {  	v5 =	vld [tilespmem:s25+$0xFFFFFEC0]  }
0x68: {  	v6 =	vld [tilespmem:s25+$0xFFFFFED0]  }
0x69: {  	v7 =	vld [tilespmem:s25+$0xFFFFFEE0]  }
0x6a: {  	v8 =	vld [tilespmem:s25+$0xFFFFFEF0];
	[tilespmem:s1+$0x1400] =	vst v1  }
0x6b: {  	[tilespmem:s1+$0x1410] =	vst v2  }
0x6c: {  	[tilespmem:s1+$0x1420] =	vst v3  }
0x6d: {  	[tilespmem:s1+$0x1430] =	vst v4  }
0x6e: {  	[tilespmem:s1+$0x1440] =	vst v5  }
0x6f: {  	[tilespmem:s1+$0x1450] =	vst v6  }
0x70: {  	[tilespmem:s1+$0x1460] =	vst v7  }
0x71: {  	[tilespmem:s1+$0x1470] =	vst v8  }
0x72: {  	v1 =	vld [tilespmem:s25+$0xFFFFFF00]  }
0x73: {  	v2 =	vld [tilespmem:s25+$0xFFFFFF10]  }
0x74: {  	v3 =	vld [tilespmem:s25+$0xFFFFFF20]  }
0x75: {  	s31 =	sand.u32 $0x3, s19;
	v4 =	vld [tilespmem:s25+$0xFFFFFF30]  }
0x76: {  	s1 =	sshll.u32 s31, $0x8;
	v5 =	vld [tilespmem:s25+$0xFFFFFF40]  }
0x77: {  	v6 =	vld [tilespmem:s25+$0xFFFFFF50];
	s26 =	sadd.s32 $0x0, s1  }
0x78: {  	v7 =	vld [tilespmem:s25+$0xFFFFFF60];
	s1 =	sor.u32 $0x1800, s26  }
0x79: {  	v8 =	vld [tilespmem:s25+$0xFFFFFF70];
	s0 =	sor.u32 $0x1810, s26;
	[tilespmem:s1+$0xCF00] =	vst v1  }
0x7a: {  	s20 =	sor.u32 $0x1820, s26;
	[tilespmem:s0+$0xCF00] =	vst v2  }
0x7b: {  	[tilespmem:s20+$0xCF00] =	vst v3;
	s20 =	simm.s32 $0x1300  }
0x7c: {  	s21 =	sor.u32 $0x1830, s26;
	v2 =	vld [tilespmem:s20+$0xFFFFFC00]  }
0x7d: {  	s22 =	sor.u32 $0x1840, s26;
	[tilespmem:s21+$0xCF00] =	vst v4;
	v3 =	vld [tilespmem:s20+$0xFFFFFC10]  }
0x7e: {  	s23 =	sor.u32 $0x1850, s26;
	v4 =	vld [tilespmem:s20+$0xFFFFFC20];
	[tilespmem:s22+$0xCF00] =	vst v5  }
0x7f: {  	s29 =	sor.u32 $0x1860, s26;
	v13 =	vld [tilespmem:s20+$0xFFFFFC50];
	[tilespmem:s23+$0xCF00] =	vst v6  }
0x80: {  	s31 =	sor.u32 $0x1870, s26;
	v14 =	vld [tilespmem:s20+$0xFFFFFC60];
	[tilespmem:s29+$0xCF00] =	vst v7  }
0x81: {  	v5 =	vld [tilespmem:s20+$0xFFFFFC30];
	[tilespmem:s31+$0xCF00] =	vst v8  }
0x82: {  	v1 =	vld [tilespmem:s25+$0xFFFFFFD8]  }
0x83: {  	v6 =	vld [tilespmem:s20+$0xFFFFFC40]  }
0x84: {  	v12 =	vld [tilespmem:s25+$0xFFFFFF80]  }
0x85: {  	v11 =	vld [tilespmem:s25+$0xFFFFFF90]  }
0x86: {  	s21 =	simm.s32 $0x800;
	v10 =	vld [tilespmem:s25+$0xFFFFFFA0]  }
0x87: {  	s0 =	sand.u32 $0x6000, s21;
	s22 =	simm.s32 $0x100;
	v9 =	vld [tilespmem:s25+$0xFFFFFFB0];
	v1 =	vperm.xlane v1, v0  }
0x88: {  	s23 =	sor.u32 $0x1C60, s26;
	s28 =	sadd.s32 $0xCF00, s0;
	s29 =	sand.u32 $0x300, s22;
	v8 =	vld [tilespmem:s25+$0xFFFFFFC0]  }
0x89: {  	v7 =	vld [tilespmem:s25+$0xFFFFFFD0];
	[tilespmem:s23+$0xCF00] =	vst.msk $0xff, v1;
	s23 =	sadd.s32 s29, s28  }
0x8a: {  	v1 =	vld [tilespmem:s20+$0xFFFFFC70];
	[tilespmem:s23+$0x0] =	vst v2  }
0x8b: {  	v15 =	vld [tilespmem:s25+$0x0];
	[tilespmem:s23+$0x10] =	vst v3  }
0x8c: {  	v2 =	vld [tilespmem:s25+$0x10];
	[tilespmem:s23+$0x20] =	vst v4  }
0x8d: {  	v3 =	vld [tilespmem:s25+$0x20];
	[tilespmem:s23+$0x30] =	vst v5  }
0x8e: {  	v4 =	vld [tilespmem:s25+$0x30];
	[tilespmem:s23+$0x40] =	vst v6  }
0x8f: {  	s31 =	simm.s32 $0x80;
	v5 =	vld [tilespmem:s25+$0x40];
	[tilespmem:s23+$0x50] =	vst v13  }
0x90: {  	s1 =	sand.u32 $0x380, s31;
	v6 =	vld [tilespmem:s25+$0x50];
	[tilespmem:s23+$0x60] =	vst v14  }
0x91: {  	s0 =	sadd.s32 s1, s24;
	v21 =	vld [tilespmem:s25+$0x60];
	[tilespmem:s23+$0x70] =	vst v1  }
0x92: {  	v22 =	vld [tilespmem:s25+$0x70];
	[tilespmem:s0+$0x0] =	vst v15  }
0x93: {  	v1 =	vld [tilespmem:s20+$0xFFFFFC80];
	[tilespmem:s0+$0x10] =	vst v2  }
0x94: {  	v2 =	vld [tilespmem:s20+$0xFFFFFC90];
	[tilespmem:s0+$0x20] =	vst v3  }
0x95: {  	v3 =	vld [tilespmem:s20+$0xFFFFFCA0];
	[tilespmem:s0+$0x30] =	vst v4  }
0x96: {  	v4 =	vld [tilespmem:s20+$0xFFFFFCB0];
	[tilespmem:s0+$0x40] =	vst v5  }
0x97: {  	v5 =	vld [tilespmem:s20+$0xFFFFFCC0];
	[tilespmem:s0+$0x50] =	vst v6  }
0x98: {  	v6 =	vld [tilespmem:s20+$0xFFFFFCD0];
	[tilespmem:s0+$0x60] =	vst v21  }
0x99: {  	v23 =	vld [tilespmem:s20+$0xFFFFFCE0];
	[tilespmem:s0+$0x70] =	vst v22  }
0x9a: {  	v24 =	vld [tilespmem:s20+$0xFFFFFCF0];
	[tilespmem:s23+$0x400] =	vst v1  }
0x9b: {  	v15 =	vld [tilespmem:s25+$0x80];
	[tilespmem:s23+$0x410] =	vst v2  }
0x9c: {  	v25 =	vld [tilespmem:s25+$0xF0];
	[tilespmem:s23+$0x420] =	vst v3  }
0x9d: {  	v1 =	vld [tilespmem:s25+$0x90];
	[tilespmem:s23+$0x430] =	vst v4  }
0x9e: {  	v2 =	vld [tilespmem:s25+$0xA0];
	[tilespmem:s23+$0x440] =	vst v5  }
0x9f: {  	v3 =	vld [tilespmem:s25+$0xB0];
	[tilespmem:s23+$0x450] =	vst v6  }
0xa0: {  	v4 =	vld [tilespmem:s25+$0xC0];
	[tilespmem:s23+$0x460] =	vst v23  }
0xa1: {  	v5 =	vld [tilespmem:s25+$0xD0];
	[tilespmem:s23+$0x470] =	vst v24  }
0xa2: {  	v6 =	vld [tilespmem:s25+$0xE0];
	[tilespmem:s0+$0x400] =	vst v15  }
0xa3: {  	v14 =	vld [tilespmem:s20+$0xFFFFFD00];
	[tilespmem:s0+$0x470] =	vst v25  }
0xa4: {  	v26 =	vld [tilespmem:s20+$0xFFFFFD70];
	[tilespmem:s0+$0x410] =	vst v1  }
0xa5: {  	v1 =	vld [tilespmem:s20+$0xFFFFFD10];
	[tilespmem:s0+$0x420] =	vst v2  }
0xa6: {  	v2 =	vld [tilespmem:s20+$0xFFFFFD20];
	[tilespmem:s0+$0x430] =	vst v3  }
0xa7: {  	v3 =	vld [tilespmem:s20+$0xFFFFFD30];
	[tilespmem:s0+$0x440] =	vst v4  }
0xa8: {  	v4 =	vld [tilespmem:s20+$0xFFFFFD40];
	[tilespmem:s0+$0x450] =	vst v5  }
0xa9: {  	v5 =	vld [tilespmem:s20+$0xFFFFFD50];
	[tilespmem:s0+$0x460] =	vst v6  }
0xaa: {  	v6 =	vld [tilespmem:s20+$0xFFFFFD60];
	[tilespmem:s23+$0x800] =	vst v14  }
0xab: {  	v15 =	vld [tilespmem:s25+$0x100];
	[tilespmem:s23+$0x870] =	vst v26  }
0xac: {  	v27 =	vld [tilespmem:s25+$0x110];
	[tilespmem:s23+$0x810] =	vst v1  }
0xad: {  	v1 =	vld [tilespmem:s25+$0x120];
	[tilespmem:s23+$0x820] =	vst v2  }
0xae: {  	v2 =	vld [tilespmem:s25+$0x130];
	[tilespmem:s23+$0x830] =	vst v3  }
0xaf: {  	v3 =	vld [tilespmem:s25+$0x140];
	[tilespmem:s23+$0x840] =	vst v4  }
0xb0: {  	v4 =	vld [tilespmem:s25+$0x150];
	[tilespmem:s23+$0x850] =	vst v5  }
0xb1: {  	v5 =	vld [tilespmem:s25+$0x160];
	[tilespmem:s23+$0x860] =	vst v6  }
0xb2: {  	v6 =	vld [tilespmem:s25+$0x170];
	[tilespmem:s0+$0x800] =	vst v15  }
0xb3: {  	v13 =	vld [tilespmem:s20+$0xFFFFFD80];
	[tilespmem:s0+$0x810] =	vst v27  }
0xb4: {  	v28 =	vld [tilespmem:s20+$0xFFFFFD90];
	[tilespmem:s0+$0x820] =	vst v1  }
0xb5: {  	v1 =	vld [tilespmem:s20+$0xFFFFFDA0];
	[tilespmem:s0+$0x830] =	vst v2  }
0xb6: {  	v2 =	vld [tilespmem:s20+$0xFFFFFDB0];
	[tilespmem:s0+$0x840] =	vst v3  }
0xb7: {  	v3 =	vld [tilespmem:s20+$0xFFFFFDC0];
	[tilespmem:s0+$0x850] =	vst v4  }
0xb8: {  	v4 =	vld [tilespmem:s20+$0xFFFFFDD0];
	[tilespmem:s0+$0x860] =	vst v5  }
0xb9: {  	v5 =	vld [tilespmem:s20+$0xFFFFFDE0];
	[tilespmem:s0+$0x870] =	vst v6  }
0xba: {  	v6 =	vld [tilespmem:s20+$0xFFFFFDF0];
	[tilespmem:s23+$0xC00] =	vst v13  }
0xbb: {  	v15 =	vld [tilespmem:s25+$0x180];
	[tilespmem:s23+$0xC10] =	vst v28  }
0xbc: {  	v29 =	vld [tilespmem:s25+$0x190];
	[tilespmem:s23+$0xC20] =	vst v1  }
0xbd: {  	v30 =	vld [tilespmem:s25+$0x1A0];
	[tilespmem:s23+$0xC30] =	vst v2  }
0xbe: {  	v1 =	vld [tilespmem:s25+$0x1B0];
	[tilespmem:s23+$0xC40] =	vst v3  }
0xbf: {  	v2 =	vld [tilespmem:s25+$0x1C0];
	[tilespmem:s23+$0xC50] =	vst v4  }
0xc0: {  	v3 =	vld [tilespmem:s25+$0x1D0];
	[tilespmem:s23+$0xC60] =	vst v5  }
0xc1: {  	v4 =	vld [tilespmem:s25+$0x1E0];
	[tilespmem:s23+$0xC70] =	vst v6  }
0xc2: {  	v5 =	vld [tilespmem:s25+$0x1F0];
	[tilespmem:s0+$0xC00] =	vst v15  }
0xc3: {  	v6 =	vld [tilespmem:s20+$0xFFFFFE00];
	[tilespmem:s0+$0xC10] =	vst v29  }
0xc4: {  	v31 =	vld [tilespmem:s20+$0xFFFFFE10];
	[tilespmem:s0+$0xC20] =	vst v30  }
0xc5: {  	v32 =	vld [tilespmem:s20+$0xFFFFFE20];
	[tilespmem:s0+$0xC30] =	vst v1  }
0xc6: {  	v1 =	vld [tilespmem:s20+$0xFFFFFE30];
	[tilespmem:s0+$0xC40] =	vst v2  }
0xc7: {  	v2 =	vld [tilespmem:s20+$0xFFFFFE40];
	[tilespmem:s0+$0xC50] =	vst v3  }
0xc8: {  	v3 =	vld [tilespmem:s20+$0xFFFFFE50];
	[tilespmem:s0+$0xC60] =	vst v4  }
0xc9: {  	v4 =	vld [tilespmem:s20+$0xFFFFFE60];
	[tilespmem:s0+$0xC70] =	vst v5  }
0xca: {  	v5 =	vld [tilespmem:s20+$0xFFFFFE70];
	[tilespmem:s23+$0x1000] =	vst v6  }
0xcb: {  	v15 =	vld [tilespmem:s25+$0x200];
	[tilespmem:s23+$0x1010] =	vst v31  }
0xcc: {  	v6 =	vld [tilespmem:s25+$0x210];
	[tilespmem:s23+$0x1020] =	vst v32  }
0xcd: {  	v33 =	vld [tilespmem:s25+$0x220];
	[tilespmem:s23+$0x1030] =	vst v1  }
0xce: {  	v34 =	vld [tilespmem:s25+$0x230];
	[tilespmem:s23+$0x1040] =	vst v2  }
0xcf: {  	v1 =	vld [tilespmem:s25+$0x240];
	[tilespmem:s23+$0x1050] =	vst v3  }
0xd0: {  	v2 =	vld [tilespmem:s25+$0x250];
	[tilespmem:s23+$0x1060] =	vst v4  }
0xd1: {  	v3 =	vld [tilespmem:s25+$0x260];
	[tilespmem:s23+$0x1070] =	vst v5  }
0xd2: {  	v4 =	vld [tilespmem:s25+$0x270];
	[tilespmem:s0+$0x1000] =	vst v15  }
0xd3: {  	v5 =	vld [tilespmem:s20+$0xFFFFFE80];
	[tilespmem:s0+$0x1010] =	vst v6  }
0xd4: {  	v6 =	vld [tilespmem:s20+$0xFFFFFE90];
	[tilespmem:s0+$0x1020] =	vst v33  }
0xd5: {  	v35 =	vld [tilespmem:s20+$0xFFFFFEA0];
	[tilespmem:s0+$0x1030] =	vst v34  }
0xd6: {  	v36 =	vld [tilespmem:s20+$0xFFFFFEB0];
	[tilespmem:s0+$0x1040] =	vst v1  }
0xd7: {  	v1 =	vld [tilespmem:s20+$0xFFFFFEC0];
	[tilespmem:s0+$0x1050] =	vst v2  }
0xd8: {  	v2 =	vld [tilespmem:s20+$0xFFFFFED0];
	[tilespmem:s0+$0x1060] =	vst v3  }
0xd9: {  	v3 =	vld [tilespmem:s20+$0xFFFFFEE0];
	[tilespmem:s0+$0x1070] =	vst v4  }
0xda: {  	v4 =	vld [tilespmem:s20+$0xFFFFFEF0];
	[tilespmem:s23+$0x1400] =	vst v5  }
0xdb: {  	v15 =	vld [tilespmem:s25+$0x280];
	[tilespmem:s23+$0x1410] =	vst v6  }
0xdc: {  	v5 =	vld [tilespmem:s25+$0x290];
	[tilespmem:s23+$0x1420] =	vst v35  }
0xdd: {  	v6 =	vld [tilespmem:s25+$0x2A0];
	[tilespmem:s23+$0x1430] =	vst v36  }
0xde: {  	v37 =	vld [tilespmem:s25+$0x2B0];
	[tilespmem:s23+$0x1440] =	vst v1  }
0xdf: {  	v38 =	vld [tilespmem:s25+$0x2C0];
	[tilespmem:s23+$0x1450] =	vst v2  }
0xe0: {  	v1 =	vld [tilespmem:s25+$0x2D0];
	[tilespmem:s23+$0x1460] =	vst v3  }
0xe1: {  	v2 =	vld [tilespmem:s25+$0x2E0];
	[tilespmem:s23+$0x1470] =	vst v4  }
0xe2: {  	v3 =	vld [tilespmem:s25+$0x2F0];
	[tilespmem:s0+$0x1400] =	vst v15  }
0xe3: {  	v4 =	vld [tilespmem:s20+$0xFFFFFF00];
	[tilespmem:s0+$0x1410] =	vst v5  }
0xe4: {  	v5 =	vld [tilespmem:s20+$0xFFFFFF10];
	[tilespmem:s0+$0x1420] =	vst v6  }
0xe5: {  	s23 =	simm.s32 $0x1;
	v6 =	vld [tilespmem:s20+$0xFFFFFF20];
	[tilespmem:s0+$0x1430] =	vst v37  }
0xe6: {  	v39 =	vld [tilespmem:s20+$0xFFFFFF30];
	[tilespmem:s0+$0x1440] =	vst v38;
	s24 =	sand.u32 $0x3, s23  }
0xe7: {  	v40 =	vld [tilespmem:s20+$0xFFFFFF40];
	s1 =	sshll.u32 s24, $0x8;
	[tilespmem:s0+$0x1450] =	vst v1  }
0xe8: {  	s24 =	sadd.s32 $0x800, s1;
	v1 =	vld [tilespmem:s20+$0xFFFFFF50];
	[tilespmem:s0+$0x1460] =	vst v2  }
0xe9: {  	s1 =	sor.u32 $0x1800, s24;
	v2 =	vld [tilespmem:s20+$0xFFFFFF60];
	[tilespmem:s0+$0x1470] =	vst v3  }
0xea: {  	s29 =	sor.u32 $0x1810, s24;
	v3 =	vld [tilespmem:s20+$0xFFFFFF70];
	[tilespmem:s1+$0xCF00] =	vst v4  }
0xeb: {  	s31 =	sor.u32 $0x1820, s24;
	v15 =	vld [tilespmem:s25+$0x300];
	[tilespmem:s29+$0xCF00] =	vst v5  }
0xec: {  	s0 =	sor.u32 $0x1830, s24;
	v4 =	vld [tilespmem:s25+$0x310];
	[tilespmem:s31+$0xCF00] =	vst v6  }
0xed: {  	v16 =	vld [tilespmem:s25+$0x320];
	s29 =	sor.u32 $0x1840, s24;
	[tilespmem:s0+$0xCF00] =	vst v39  }
0xee: {  	v17 =	vld [tilespmem:s25+$0x330];
	s31 =	sor.u32 $0x1850, s24;
	s0 =	sand.u32 $0x7, s19;
	[tilespmem:s29+$0xCF00] =	vst v40  }
0xef: {  	v41 =	vld [tilespmem:s25+$0x340];
	s29 =	sshll.u32 s0, $0x7;
	[tilespmem:s31+$0xCF00] =	vst v1;
	s31 =	sor.u32 $0x1860, s24  }
0xf0: {  	v42 =	vld [tilespmem:s25+$0x350];
	s0 =	sor.u32 $0x1870, s24;
	s29 =	sadd.s32 $0x0, s29;
	[tilespmem:s31+$0xCF00] =	vst v2  }
0xf1: {  	v18 =	vld [tilespmem:s25+$0x360];
	s1 =	sadd.s32 $0x80, s29;
	[tilespmem:s0+$0xCF00] =	vst v3  }
0xf2: {  	s29 =	sor.u32 $0x1800, s1;
	v1 =	vld [tilespmem:s20+$0xFFFFFFD8]  }
0xf3: {  	v19 =	vld [tilespmem:s25+$0x370];
	s31 =	sor.u32 $0x1810, s1;
	[tilespmem:s29+$0xCF00] =	vst v15  }
0xf4: {  	s0 =	sor.u32 $0x1820, s1;
	v6 =	vld [tilespmem:s20+$0xFFFFFF80];
	[tilespmem:s31+$0xCF00] =	vst v4  }
0xf5: {  	v5 =	vld [tilespmem:s20+$0xFFFFFF90];
	s31 =	sor.u32 $0x1830, s1;
	[tilespmem:s0+$0xCF00] =	vst v16  }
0xf6: {  	v3 =	vld [tilespmem:s20+$0xFFFFFFB0];
	s0 =	sor.u32 $0x1840, s1;
	[tilespmem:s31+$0xCF00] =	vst v17  }
0xf7: {  	s30 =	sor.u32 $0x1850, s1;
	v2 =	vld [tilespmem:s20+$0xFFFFFFC0];
	[tilespmem:s0+$0xCF00] =	vst v41;
	v43 =	vperm.xlane v1, v0  }
0xf8: {  	v4 =	vld [tilespmem:s20+$0xFFFFFFA0];
	s31 =	sor.u32 $0x1C60, s24;
	[tilespmem:s30+$0xCF00] =	vst v42  }
0xf9: {  	s0 =	sor.u32 $0x1860, s1;
	v1 =	vld [tilespmem:s20+$0xFFFFFFD0];
	[tilespmem:s31+$0xCF00] =	vst.msk $0xff, v43  }
0xfa: {  	[tilespmem:s0+$0xCF00] =	vst v18;
	s0 =	sor.u32 $0x1C00, s26;
	v44 =	vld [tilespmem:s20+$0x0]  }
0xfb: {  	s31 =	sor.u32 $0x1870, s1;
	[tilespmem:s0+$0xCF00] =	vst v12;
	v45 =	vld [tilespmem:s20+$0x10]  }
0xfc: {  	[tilespmem:s31+$0xCF00] =	vst v19;
	v15 =	vld [tilespmem:s20+$0x20];
	s31 =	sor.u32 $0x1C10, s26  }
0xfd: {  	s0 =	sor.u32 $0x1C20, s26;
	v46 =	vld [tilespmem:s20+$0x30];
	[tilespmem:s31+$0xCF00] =	vst v11  }
0xfe: {  	s30 =	simm.s32 $0x180;
	v47 =	vld [tilespmem:s20+$0x40];
	s31 =	sor.u32 $0x1C30, s26;
	[tilespmem:s0+$0xCF00] =	vst v10  }
0xff: {  	s30 =	sand.u32 $0x380, s30;
	v48 =	vld [tilespmem:s20+$0x50];
	s0 =	sor.u32 $0x1C40, s26;
	[tilespmem:s31+$0xCF00] =	vst v9  }
0x100: {  	s30 =	sadd.s32 s30, s28;
	v49 =	vld [tilespmem:s20+$0x60];
	[tilespmem:s0+$0xCF00] =	vst v8  }
0x101: {  	v8 =	vld [tilespmem:s20+$0x70];
	[tilespmem:s30+$0x0] =	vst v44  }
0x102: {  	[tilespmem:s30+$0x10] =	vst v45  }
0x103: {  	v50 =	vld [tilespmem:s25+$0x3D8];
	[tilespmem:s30+$0x20] =	vst v15  }
0x104: {  	v51 =	vld [tilespmem:s25+$0x380];
	[tilespmem:s30+$0x30] =	vst v46  }
0x105: {  	v52 =	vld [tilespmem:s25+$0x390];
	[tilespmem:s30+$0x40] =	vst v47  }
0x106: {  	v53 =	vld [tilespmem:s25+$0x3A0];
	[tilespmem:s30+$0x50] =	vst v48  }
0x107: {  	v54 =	vld [tilespmem:s25+$0x3B0];
	s26 =	sor.u32 $0x1C50, s26;
	[tilespmem:s30+$0x60] =	vst v49  }
0x108: {  	v55 =	vld [tilespmem:s25+$0x3C0];
	[tilespmem:s26+$0xCF00] =	vst v7;
	v56 =	vperm.xlane v50, v0  }
0x109: {  	s29 =	sor.u32 $0x1C60, s1;
	v57 =	vld [tilespmem:s25+$0x3D0];
	[tilespmem:s30+$0x70] =	vst v8  }
0x10a: {  	s31 =	sor.u32 $0x1C00, s1;
	[tilespmem:s29+$0xCF00] =	vst.msk $0xff, v56;
	v8 =	vld [tilespmem:s20+$0x80]  }
0x10b: {  	s0 =	sor.u32 $0x1C10, s1;
	[tilespmem:s31+$0xCF00] =	vst v51;
	v58 =	vld [tilespmem:s20+$0x90]  }
0x10c: {  	s26 =	sor.u32 $0x1C20, s1;
	v59 =	vld [tilespmem:s20+$0xA0];
	[tilespmem:s0+$0xCF00] =	vst v52  }
0x10d: {  	s29 =	sor.u32 $0x1C30, s1;
	v60 =	vld [tilespmem:s20+$0xB0];
	[tilespmem:s26+$0xCF00] =	vst v53  }
0x10e: {  	s31 =	sor.u32 $0x1C40, s1;
	v61 =	vld [tilespmem:s20+$0xC0];
	[tilespmem:s29+$0xCF00] =	vst v54  }
0x10f: {  	s1 =	sor.u32 $0x1C50, s1;
	v62 =	vld [tilespmem:s20+$0xD0];
	[tilespmem:s31+$0xCF00] =	vst v55  }
0x110: {  	v63 =	vld [tilespmem:s20+$0xE0];
	[tilespmem:s1+$0xCF00] =	vst v57  }
0x111: {  	v7 =	vld [tilespmem:s20+$0xF0];
	[tilespmem:s30+$0x400] =	vst v8  }
0x112: {  	[tilespmem:s30+$0x410] =	vst v58  }
0x113: {  	[tilespmem:s30+$0x420] =	vst v59  }
0x114: {  	[tilespmem:s30+$0x430] =	vst v60  }
0x115: {  	[tilespmem:s30+$0x440] =	vst v61  }
0x116: {  	[tilespmem:s30+$0x450] =	vst v62  }
0x117: {  	s28 =	simm.s32 $0x1B00;
	s25 =	simm.s32 $0x800;
	s26 =	simm.s32 $0x2;
	[tilespmem:s30+$0x460] =	vst v63  }
.LBB2_3:
0x118: {  	v8 =	vld [tilespmem:s28+$0xFFFFFC00];
	[tilespmem:s30+$0x470] =	vst v7  }
0x119: {  	v7 =	vld [tilespmem:s20+$0x100]  }
0x11a: {  	v9 =	vld [tilespmem:s20+$0x110]  }
0x11b: {  	v10 =	vld [tilespmem:s20+$0x120]  }
0x11c: {  	v11 =	vld [tilespmem:s20+$0x130]  }
0x11d: {  	v12 =	vld [tilespmem:s20+$0x140]  }
0x11e: {  	v13 =	vld [tilespmem:s20+$0x150]  }
0x11f: {  	v14 =	vld [tilespmem:s20+$0x160]  }
0x120: {  	v15 =	vld [tilespmem:s20+$0x170];
	[tilespmem:s30+$0x800] =	vst v7  }
0x121: {  	v7 =	vld [tilespmem:s28+$0xFFFFFC10];
	[tilespmem:s30+$0x810] =	vst v9  }
0x122: {  	v9 =	vld [tilespmem:s28+$0xFFFFFC20];
	[tilespmem:s30+$0x820] =	vst v10  }
0x123: {  	v10 =	vld [tilespmem:s28+$0xFFFFFC30];
	[tilespmem:s30+$0x830] =	vst v11  }
0x124: {  	v11 =	vld [tilespmem:s28+$0xFFFFFC40];
	[tilespmem:s30+$0x840] =	vst v12  }
0x125: {  	v12 =	vld [tilespmem:s28+$0xFFFFFC50];
	[tilespmem:s30+$0x850] =	vst v13  }
0x126: {  	v13 =	vld [tilespmem:s28+$0xFFFFFC60];
	[tilespmem:s30+$0x860] =	vst v14  }
0x127: {  	v14 =	vld [tilespmem:s28+$0xFFFFFC70];
	[tilespmem:s30+$0x870] =	vst v15  }
0x128: {  	v15 =	vld [tilespmem:s20+$0x180]  }
0x129: {  	v16 =	vld [tilespmem:s20+$0x190]  }
0x12a: {  	s21 =	sadd.s32 $0x800, s21;
	v17 =	vld [tilespmem:s20+$0x1A0]  }
0x12b: {  	s22 =	sadd.s32 $0x100, s22;
	s1 =	sand.u32 $0x6000, s21;
	v18 =	vld [tilespmem:s20+$0x1B0]  }
0x12c: {  	s31 =	sand.u32 $0x300, s22;
	s29 =	sadd.s32 $0xCF00, s1;
	v19 =	vld [tilespmem:s20+$0x1C0]  }
0x12d: {  	s31 =	sadd.s32 s31, s29;
	v20 =	vld [tilespmem:s20+$0x1D0]  }
0x12e: {  	[tilespmem:s31+$0x0] =	vst v8;
	v8 =	vld [tilespmem:s20+$0x1E0]  }
0x12f: {  	v21 =	vld [tilespmem:s20+$0x1F0];
	[tilespmem:s30+$0xC00] =	vst v15  }
0x130: {  	[tilespmem:s30+$0xC10] =	vst v16  }
0x131: {  	[tilespmem:s30+$0xC20] =	vst v17  }
0x132: {  	[tilespmem:s30+$0xC30] =	vst v18  }
0x133: {  	[tilespmem:s30+$0xC40] =	vst v19  }
0x134: {  	[tilespmem:s30+$0xC50] =	vst v20  }
0x135: {  	[tilespmem:s30+$0xC60] =	vst v8  }
0x136: {  	[tilespmem:s30+$0xC70] =	vst v21  }
0x137: {  	[tilespmem:s31+$0x10] =	vst v7;
	v7 =	vld [tilespmem:s20+$0x200]  }
0x138: {  	[tilespmem:s31+$0x20] =	vst v9;
	v8 =	vld [tilespmem:s20+$0x210]  }
0x139: {  	[tilespmem:s31+$0x30] =	vst v10;
	v9 =	vld [tilespmem:s20+$0x220]  }
0x13a: {  	[tilespmem:s31+$0x40] =	vst v11;
	v10 =	vld [tilespmem:s20+$0x230]  }
0x13b: {  	[tilespmem:s31+$0x50] =	vst v12;
	v11 =	vld [tilespmem:s20+$0x240]  }
0x13c: {  	[tilespmem:s31+$0x60] =	vst v13;
	v12 =	vld [tilespmem:s20+$0x250]  }
0x13d: {  	[tilespmem:s31+$0x70] =	vst v14;
	v13 =	vld [tilespmem:s20+$0x260]  }
0x13e: {  	v14 =	vld [tilespmem:s20+$0x270];
	[tilespmem:s30+$0x1000] =	vst v7  }
0x13f: {  	[tilespmem:s30+$0x1010] =	vst v8  }
0x140: {  	[tilespmem:s30+$0x1020] =	vst v9  }
0x141: {  	[tilespmem:s30+$0x1030] =	vst v10  }
0x142: {  	[tilespmem:s30+$0x1040] =	vst v11  }
0x143: {  	[tilespmem:s30+$0x1050] =	vst v12  }
0x144: {  	[tilespmem:s30+$0x1060] =	vst v13  }
0x145: {  	v7 =	vld [tilespmem:s28+$0xFFFFFC80];
	[tilespmem:s30+$0x1070] =	vst v14  }
0x146: {  	v8 =	vld [tilespmem:s20+$0x280]  }
0x147: {  	v9 =	vld [tilespmem:s20+$0x290]  }
0x148: {  	v10 =	vld [tilespmem:s20+$0x2A0]  }
0x149: {  	v11 =	vld [tilespmem:s20+$0x2B0]  }
0x14a: {  	v12 =	vld [tilespmem:s20+$0x2C0]  }
0x14b: {  	v13 =	vld [tilespmem:s20+$0x2D0]  }
0x14c: {  	v14 =	vld [tilespmem:s20+$0x2E0]  }
0x14d: {  	v15 =	vld [tilespmem:s20+$0x2F0];
	[tilespmem:s30+$0x1400] =	vst v8  }
0x14e: {  	v8 =	vld [tilespmem:s28+$0xFFFFFC90];
	[tilespmem:s30+$0x1410] =	vst v9  }
0x14f: {  	v9 =	vld [tilespmem:s28+$0xFFFFFCA0];
	[tilespmem:s30+$0x1420] =	vst v10  }
0x150: {  	v10 =	vld [tilespmem:s28+$0xFFFFFCB0];
	[tilespmem:s30+$0x1430] =	vst v11  }
0x151: {  	v11 =	vld [tilespmem:s28+$0xFFFFFCC0];
	[tilespmem:s30+$0x1440] =	vst v12  }
0x152: {  	v12 =	vld [tilespmem:s28+$0xFFFFFCD0];
	[tilespmem:s30+$0x1450] =	vst v13  }
0x153: {  	v13 =	vld [tilespmem:s28+$0xFFFFFCE0];
	[tilespmem:s30+$0x1460] =	vst v14  }
0x154: {  	v14 =	vld [tilespmem:s28+$0xFFFFFCF0];
	[tilespmem:s30+$0x1470] =	vst v15  }
0x155: {  	[tilespmem:s31+$0x400] =	vst v7;
	v7 =	vld [tilespmem:s20+$0x300]  }
0x156: {  	s19 =	sadd.s32 $0x2, s19;
	[tilespmem:s31+$0x410] =	vst v8;
	v8 =	vld [tilespmem:s20+$0x310]  }
0x157: {  	s1 =	sand.u32 $0x7, s19;
	[tilespmem:s31+$0x420] =	vst v9;
	v9 =	vld [tilespmem:s20+$0x320]  }
0x158: {  	s1 =	sshll.u32 s1, $0x7;
	[tilespmem:s31+$0x430] =	vst v10;
	v10 =	vld [tilespmem:s20+$0x330]  }
0x159: {  	s1 =	sadd.s32 s25, s1;
	s25 =	smov.u32 s21;
	[tilespmem:s31+$0x440] =	vst v11;
	v11 =	vld [tilespmem:s20+$0x340]  }
0x15a: {  	s1 =	sadd.s32 $0x80, s1;
	[tilespmem:s31+$0x450] =	vst v12;
	v12 =	vld [tilespmem:s20+$0x350]  }
0x15b: {  	s30 =	sor.u32 $0x1800, s1;
	[tilespmem:s31+$0x460] =	vst v13;
	v13 =	vld [tilespmem:s20+$0x360]  }
0x15c: {  	v15 =	vld [tilespmem:s20+$0x370];
	[tilespmem:s30+$0xCF00] =	vst v7;
	s30 =	sor.u32 $0x1810, s1  }
0x15d: {  	[tilespmem:s30+$0xCF00] =	vst v8;
	s30 =	sor.u32 $0x1820, s1  }
0x15e: {  	[tilespmem:s30+$0xCF00] =	vst v9;
	s30 =	sor.u32 $0x1830, s1  }
0x15f: {  	[tilespmem:s30+$0xCF00] =	vst v10;
	s30 =	sor.u32 $0x1840, s1  }
0x160: {  	[tilespmem:s30+$0xCF00] =	vst v11;
	s30 =	sor.u32 $0x1850, s1  }
0x161: {  	[tilespmem:s30+$0xCF00] =	vst v12;
	s30 =	sor.u32 $0x1860, s1  }
0x162: {  	[tilespmem:s30+$0xCF00] =	vst v13;
	s30 =	sor.u32 $0x1870, s1  }
0x163: {  	[tilespmem:s30+$0xCF00] =	vst v15  }
0x164: {  	s30 =	sor.u32 $0x1C00, s24;
	[tilespmem:s31+$0x470] =	vst v14;
	v7 =	vld [tilespmem:s20+$0x3D8]  }
0x165: {  	v8 =	vld [tilespmem:s28+$0xFFFFFD00];
	[tilespmem:s30+$0xCF00] =	vst v6;
	s30 =	sor.u32 $0x1C10, s24  }
0x166: {  	[tilespmem:s30+$0xCF00] =	vst v5;
	s30 =	sor.u32 $0x1C20, s24;
	v5 =	vld [tilespmem:s20+$0x380]  }
0x167: {  	[tilespmem:s30+$0xCF00] =	vst v4;
	s30 =	sor.u32 $0x1C30, s24;
	v4 =	vld [tilespmem:s20+$0x390]  }
0x168: {  	[tilespmem:s30+$0xCF00] =	vst v3;
	s30 =	sor.u32 $0x1C40, s24;
	v3 =	vld [tilespmem:s20+$0x3A0]  }
0x169: {  	s24 =	sor.u32 $0x1C50, s24;
	[tilespmem:s30+$0xCF00] =	vst v2;
	v2 =	vld [tilespmem:s20+$0x3B0];
	v6 =	vperm.xlane v7, v0  }
0x16a: {  	[tilespmem:s24+$0xCF00] =	vst v1;
	v1 =	vld [tilespmem:s20+$0x3C0];
	s24 =	sor.u32 $0x1C60, s1  }
0x16b: {  	s30 =	sor.u32 $0x1C00, s1;
	v7 =	vld [tilespmem:s20+$0x3D0];
	[tilespmem:s24+$0xCF00] =	vst.msk $0xff, v6;
	s20 =	smov.u32 s28  }
0x16c: {  	s24 =	sor.u32 $0x1C10, s1;
	v6 =	vld [tilespmem:s28+$0xFFFFFD10];
	[tilespmem:s30+$0xCF00] =	vst v5  }
0x16d: {  	v5 =	vld [tilespmem:s28+$0xFFFFFD20];
	[tilespmem:s24+$0xCF00] =	vst v4;
	s24 =	sor.u32 $0x1C20, s1  }
0x16e: {  	v4 =	vld [tilespmem:s28+$0xFFFFFD30];
	[tilespmem:s24+$0xCF00] =	vst v3;
	s24 =	sor.u32 $0x1C30, s1  }
0x16f: {  	v3 =	vld [tilespmem:s28+$0xFFFFFD40];
	[tilespmem:s24+$0xCF00] =	vst v2;
	s24 =	sor.u32 $0x1C40, s1  }
0x170: {  	s1 =	sor.u32 $0x1C50, s1;
	v2 =	vld [tilespmem:s28+$0xFFFFFD50];
	[tilespmem:s24+$0xCF00] =	vst v1  }
0x171: {  	v1 =	vld [tilespmem:s28+$0xFFFFFD60];
	[tilespmem:s1+$0xCF00] =	vst v7  }
0x172: {  	v7 =	vld [tilespmem:s28+$0xFFFFFD70];
	[tilespmem:s31+$0x800] =	vst v8  }
0x173: {  	[tilespmem:s31+$0x810] =	vst v6  }
0x174: {  	[tilespmem:s31+$0x820] =	vst v5  }
0x175: {  	[tilespmem:s31+$0x830] =	vst v4  }
0x176: {  	[tilespmem:s31+$0x840] =	vst v3  }
0x177: {  	[tilespmem:s31+$0x850] =	vst v2  }
0x178: {  	[tilespmem:s31+$0x860] =	vst v1  }
0x179: {  	[tilespmem:s31+$0x870] =	vst v7  }
0x17a: {  	v1 =	vld [tilespmem:s28+$0xFFFFFD80]  }
0x17b: {  	v2 =	vld [tilespmem:s28+$0xFFFFFD90]  }
0x17c: {  	v3 =	vld [tilespmem:s28+$0xFFFFFDA0]  }
0x17d: {  	v4 =	vld [tilespmem:s28+$0xFFFFFDB0]  }
0x17e: {  	v5 =	vld [tilespmem:s28+$0xFFFFFDC0]  }
0x17f: {  	v6 =	vld [tilespmem:s28+$0xFFFFFDD0]  }
0x180: {  	v7 =	vld [tilespmem:s28+$0xFFFFFDE0]  }
0x181: {  	v8 =	vld [tilespmem:s28+$0xFFFFFDF0];
	[tilespmem:s31+$0xC00] =	vst v1  }
0x182: {  	[tilespmem:s31+$0xC10] =	vst v2  }
0x183: {  	[tilespmem:s31+$0xC20] =	vst v3  }
0x184: {  	[tilespmem:s31+$0xC30] =	vst v4  }
0x185: {  	[tilespmem:s31+$0xC40] =	vst v5  }
0x186: {  	[tilespmem:s31+$0xC50] =	vst v6  }
0x187: {  	[tilespmem:s31+$0xC60] =	vst v7  }
0x188: {  	[tilespmem:s31+$0xC70] =	vst v8  }
0x189: {  	v1 =	vld [tilespmem:s28+$0xFFFFFE00]  }
0x18a: {  	v2 =	vld [tilespmem:s28+$0xFFFFFE10]  }
0x18b: {  	v3 =	vld [tilespmem:s28+$0xFFFFFE20]  }
0x18c: {  	v4 =	vld [tilespmem:s28+$0xFFFFFE30]  }
0x18d: {  	v5 =	vld [tilespmem:s28+$0xFFFFFE40]  }
0x18e: {  	v6 =	vld [tilespmem:s28+$0xFFFFFE50]  }
0x18f: {  	v7 =	vld [tilespmem:s28+$0xFFFFFE60]  }
0x190: {  	v8 =	vld [tilespmem:s28+$0xFFFFFE70];
	[tilespmem:s31+$0x1000] =	vst v1  }
0x191: {  	[tilespmem:s31+$0x1010] =	vst v2  }
0x192: {  	[tilespmem:s31+$0x1020] =	vst v3  }
0x193: {  	[tilespmem:s31+$0x1030] =	vst v4  }
0x194: {  	[tilespmem:s31+$0x1040] =	vst v5  }
0x195: {  	[tilespmem:s31+$0x1050] =	vst v6  }
0x196: {  	[tilespmem:s31+$0x1060] =	vst v7  }
0x197: {  	[tilespmem:s31+$0x1070] =	vst v8  }
0x198: {  	v1 =	vld [tilespmem:s28+$0xFFFFFE80]  }
0x199: {  	v2 =	vld [tilespmem:s28+$0xFFFFFE90]  }
0x19a: {  	v3 =	vld [tilespmem:s28+$0xFFFFFEA0]  }
0x19b: {  	v4 =	vld [tilespmem:s28+$0xFFFFFEB0]  }
0x19c: {  	v5 =	vld [tilespmem:s28+$0xFFFFFEC0]  }
0x19d: {  	v6 =	vld [tilespmem:s28+$0xFFFFFED0]  }
0x19e: {  	v7 =	vld [tilespmem:s28+$0xFFFFFEE0]  }
0x19f: {  	v8 =	vld [tilespmem:s28+$0xFFFFFEF0];
	[tilespmem:s31+$0x1400] =	vst v1  }
0x1a0: {  	[tilespmem:s31+$0x1410] =	vst v2  }
0x1a1: {  	[tilespmem:s31+$0x1420] =	vst v3  }
0x1a2: {  	[tilespmem:s31+$0x1430] =	vst v4  }
0x1a3: {  	[tilespmem:s31+$0x1440] =	vst v5  }
0x1a4: {  	[tilespmem:s31+$0x1450] =	vst v6  }
0x1a5: {  	[tilespmem:s31+$0x1460] =	vst v7  }
0x1a6: {  	[tilespmem:s31+$0x1470] =	vst v8  }
0x1a7: {  	v1 =	vld [tilespmem:s28+$0xFFFFFF00]  }
0x1a8: {  	v2 =	vld [tilespmem:s28+$0xFFFFFF10]  }
0x1a9: {  	s23 =	sadd.s32 $0x1, s23;
	v3 =	vld [tilespmem:s28+$0xFFFFFF20]  }
0x1aa: {  	s1 =	sand.u32 $0x3, s23;
	v4 =	vld [tilespmem:s28+$0xFFFFFF30]  }
0x1ab: {  	s1 =	sshll.u32 s1, $0x8;
	v5 =	vld [tilespmem:s28+$0xFFFFFF40]  }
0x1ac: {  	s24 =	sadd.s32 s1, s21;
	v6 =	vld [tilespmem:s28+$0xFFFFFF50]  }
0x1ad: {  	s1 =	sor.u32 $0x1800, s24;
	v7 =	vld [tilespmem:s28+$0xFFFFFF60]  }
0x1ae: {  	v8 =	vld [tilespmem:s28+$0xFFFFFF70];
	[tilespmem:s1+$0xCF00] =	vst v1;
	s1 =	sor.u32 $0x1810, s24  }
0x1af: {  	[tilespmem:s1+$0xCF00] =	vst v2;
	s1 =	sor.u32 $0x1820, s24  }
0x1b0: {  	[tilespmem:s1+$0xCF00] =	vst v3;
	s1 =	sor.u32 $0x1830, s24  }
0x1b1: {  	[tilespmem:s1+$0xCF00] =	vst v4;
	s1 =	sor.u32 $0x1840, s24  }
0x1b2: {  	[tilespmem:s1+$0xCF00] =	vst v5;
	s1 =	sor.u32 $0x1850, s24  }
0x1b3: {  	[tilespmem:s1+$0xCF00] =	vst v6;
	s1 =	sor.u32 $0x1860, s24  }
0x1b4: {  	[tilespmem:s1+$0xCF00] =	vst v7;
	s1 =	sor.u32 $0x1870, s24  }
0x1b5: {  	[tilespmem:s1+$0xCF00] =	vst v8  }
0x1b6: {  	v1 =	vld [tilespmem:s28+$0xFFFFFFD8];
	_ =	sdelay $0x1  }
0x1b7: {  	v6 =	vld [tilespmem:s28+$0xFFFFFF80]  }
0x1b8: {  	v5 =	vld [tilespmem:s28+$0xFFFFFF90]  }
0x1b9: {  	v4 =	vld [tilespmem:s28+$0xFFFFFFA0]  }
0x1ba: {  	v3 =	vld [tilespmem:s28+$0xFFFFFFB0];
	v7 =	vperm.xlane v1, v0  }
0x1bb: {  	s1 =	sor.u32 $0x1C60, s24;
	v2 =	vld [tilespmem:s28+$0xFFFFFFC0]  }
0x1bc: {  	v1 =	vld [tilespmem:s28+$0xFFFFFFD0];
	[tilespmem:s1+$0xCF00] =	vst.msk $0xff, v7  }
0x1bd: {  	v7 =	vld [tilespmem:s28+$0x0]  }
0x1be: {  	v8 =	vld [tilespmem:s28+$0x10]  }
0x1bf: {  	v9 =	vld [tilespmem:s28+$0x20]  }
0x1c0: {  	v10 =	vld [tilespmem:s28+$0x30]  }
0x1c1: {  	s1 =	sadd.s32 $0x80, s22;
	v11 =	vld [tilespmem:s28+$0x40]  }
0x1c2: {  	s1 =	sand.u32 $0x380, s1;
	v12 =	vld [tilespmem:s28+$0x50]  }
0x1c3: {  	s30 =	sadd.s32 s1, s29;
	v13 =	vld [tilespmem:s28+$0x60]  }
0x1c4: {  	v14 =	vld [tilespmem:s28+$0x70];
	[tilespmem:s30+$0x0] =	vst v7  }
0x1c5: {  	[tilespmem:s30+$0x10] =	vst v8  }
0x1c6: {  	[tilespmem:s30+$0x20] =	vst v9  }
0x1c7: {  	[tilespmem:s30+$0x30] =	vst v10  }
0x1c8: {  	[tilespmem:s30+$0x40] =	vst v11  }
0x1c9: {  	[tilespmem:s30+$0x50] =	vst v12  }
0x1ca: {  	[tilespmem:s30+$0x60] =	vst v13  }
0x1cb: {  	[tilespmem:s30+$0x70] =	vst v14  }
0x1cc: {  	v8 =	vld [tilespmem:s28+$0x80]  }
0x1cd: {  	v9 =	vld [tilespmem:s28+$0x90]  }
0x1ce: {  	v10 =	vld [tilespmem:s28+$0xA0]  }
0x1cf: {  	v11 =	vld [tilespmem:s28+$0xB0]  }
0x1d0: {  	s26 =	sadd.s32 $0x2, s26;
	v12 =	vld [tilespmem:s28+$0xC0]  }
0x1d1: {  	p0 =	slt.u32 s26, $0x16;
	v13 =	vld [tilespmem:s28+$0xD0]  }
0x1d2: {  	v14 =	vld [tilespmem:s28+$0xE0]  }
0x1d3: {  	v7 =	vld [tilespmem:s28+$0xF0];
	[tilespmem:s30+$0x400] =	vst v8  }
0x1d4: {  	[tilespmem:s30+$0x410] =	vst v9  }
.Ltmp0:
0x1d5: {  	[tilespmem:s30+$0x420] =	vst v10;
	(pc) =	sbr.rel @p0 .LBB2_3-.Ltmp0, $4  }
0x1d6: {  	[tilespmem:s30+$0x430] =	vst v11  }
0x1d7: {  	[tilespmem:s30+$0x440] =	vst v12  }
0x1d8: {  	[tilespmem:s30+$0x450] =	vst v13  }
0x1d9: {  	s28 =	sadd.s32 $0x800, s28;
	[tilespmem:s30+$0x460] =	vst v14  }
0x1da: {  	[tilespmem:s30+$0x470] =	vst v7  }
0x1db: {  	v7 =	vld [tilespmem:s20+$0x100]  }
0x1dc: {  	v8 =	vld [tilespmem:s20+$0x110]  }
0x1dd: {  	v9 =	vld [tilespmem:s20+$0x120]  }
0x1de: {  	v10 =	vld [tilespmem:s20+$0x130]  }
0x1df: {  	v11 =	vld [tilespmem:s20+$0x140]  }
0x1e0: {  	v12 =	vld [tilespmem:s20+$0x150]  }
0x1e1: {  	v13 =	vld [tilespmem:s20+$0x160]  }
0x1e2: {  	v14 =	vld [tilespmem:s20+$0x170];
	[tilespmem:s30+$0x800] =	vst v7  }
0x1e3: {  	[tilespmem:s30+$0x810] =	vst v8  }
0x1e4: {  	[tilespmem:s30+$0x820] =	vst v9  }
0x1e5: {  	[tilespmem:s30+$0x830] =	vst v10  }
0x1e6: {  	[tilespmem:s30+$0x840] =	vst v11  }
0x1e7: {  	[tilespmem:s30+$0x850] =	vst v12  }
0x1e8: {  	[tilespmem:s30+$0x860] =	vst v13  }
0x1e9: {  	[tilespmem:s30+$0x870] =	vst v14  }
0x1ea: {  	v7 =	vld [tilespmem:s20+$0x180]  }
0x1eb: {  	v8 =	vld [tilespmem:s20+$0x190]  }
0x1ec: {  	v9 =	vld [tilespmem:s20+$0x1A0]  }
0x1ed: {  	v10 =	vld [tilespmem:s20+$0x1B0]  }
0x1ee: {  	v11 =	vld [tilespmem:s20+$0x1C0]  }
0x1ef: {  	v12 =	vld [tilespmem:s20+$0x1D0]  }
0x1f0: {  	v13 =	vld [tilespmem:s20+$0x1E0]  }
0x1f1: {  	v14 =	vld [tilespmem:s20+$0x1F0];
	[tilespmem:s30+$0xC00] =	vst v7  }
0x1f2: {  	[tilespmem:s30+$0xC10] =	vst v8  }
0x1f3: {  	[tilespmem:s30+$0xC20] =	vst v9  }
0x1f4: {  	[tilespmem:s30+$0xC30] =	vst v10  }
0x1f5: {  	[tilespmem:s30+$0xC40] =	vst v11  }
0x1f6: {  	[tilespmem:s30+$0xC50] =	vst v12  }
0x1f7: {  	[tilespmem:s30+$0xC60] =	vst v13  }
0x1f8: {  	[tilespmem:s30+$0xC70] =	vst v14  }
0x1f9: {  	v7 =	vld [tilespmem:s20+$0x200]  }
0x1fa: {  	v8 =	vld [tilespmem:s20+$0x210]  }
0x1fb: {  	v9 =	vld [tilespmem:s20+$0x220]  }
0x1fc: {  	v10 =	vld [tilespmem:s20+$0x230]  }
0x1fd: {  	v11 =	vld [tilespmem:s20+$0x240]  }
0x1fe: {  	v12 =	vld [tilespmem:s20+$0x250]  }
0x1ff: {  	v13 =	vld [tilespmem:s20+$0x260]  }
0x200: {  	v14 =	vld [tilespmem:s20+$0x270];
	[tilespmem:s30+$0x1000] =	vst v7  }
0x201: {  	[tilespmem:s30+$0x1010] =	vst v8  }
0x202: {  	[tilespmem:s30+$0x1020] =	vst v9  }
0x203: {  	[tilespmem:s30+$0x1030] =	vst v10  }
0x204: {  	[tilespmem:s30+$0x1040] =	vst v11  }
0x205: {  	[tilespmem:s30+$0x1050] =	vst v12  }
0x206: {  	[tilespmem:s30+$0x1060] =	vst v13  }
0x207: {  	[tilespmem:s30+$0x1070] =	vst v14  }
0x208: {  	v7 =	vld [tilespmem:s20+$0x280]  }
0x209: {  	v8 =	vld [tilespmem:s20+$0x290]  }
0x20a: {  	v9 =	vld [tilespmem:s20+$0x2A0]  }
0x20b: {  	v10 =	vld [tilespmem:s20+$0x2B0]  }
0x20c: {  	v11 =	vld [tilespmem:s20+$0x2C0]  }
0x20d: {  	v12 =	vld [tilespmem:s20+$0x2D0]  }
0x20e: {  	v13 =	vld [tilespmem:s20+$0x2E0]  }
0x20f: {  	v14 =	vld [tilespmem:s20+$0x2F0];
	[tilespmem:s30+$0x1400] =	vst v7  }
0x210: {  	[tilespmem:s30+$0x1410] =	vst v8  }
0x211: {  	[tilespmem:s30+$0x1420] =	vst v9  }
0x212: {  	[tilespmem:s30+$0x1430] =	vst v10  }
0x213: {  	[tilespmem:s30+$0x1440] =	vst v11  }
0x214: {  	[tilespmem:s30+$0x1450] =	vst v12  }
0x215: {  	[tilespmem:s30+$0x1460] =	vst v13  }
0x216: {  	[tilespmem:s30+$0x1470] =	vst v14  }
0x217: {  	v7 =	vld [tilespmem:s20+$0x300]  }
0x218: {  	s1 =	sadd.s32 $0x2, s19;
	v8 =	vld [tilespmem:s20+$0x310]  }
0x219: {  	s1 =	sand.u32 $0x7, s1;
	v9 =	vld [tilespmem:s20+$0x320]  }
0x21a: {  	s1 =	sshll.u32 s1, $0x7;
	v10 =	vld [tilespmem:s20+$0x330]  }
0x21b: {  	s1 =	sadd.s32 s25, s1;
	v11 =	vld [tilespmem:s20+$0x340]  }
0x21c: {  	s1 =	sadd.s32 $0x80, s1;
	v12 =	vld [tilespmem:s20+$0x350]  }
0x21d: {  	s26 =	sor.u32 $0x1800, s1;
	v13 =	vld [tilespmem:s20+$0x360]  }
0x21e: {  	s0 =	sor.u32 $0x1810, s1;
	v14 =	vld [tilespmem:s20+$0x370];
	[tilespmem:s26+$0xCF00] =	vst v7  }
0x21f: {  	s21 =	sor.u32 $0x1820, s1;
	[tilespmem:s0+$0xCF00] =	vst v8  }
0x220: {  	s22 =	sor.u32 $0x1830, s1;
	[tilespmem:s21+$0xCF00] =	vst v9  }
0x221: {  	s23 =	sor.u32 $0x1840, s1;
	[tilespmem:s22+$0xCF00] =	vst v10  }
0x222: {  	s25 =	sor.u32 $0x1850, s1;
	[tilespmem:s23+$0xCF00] =	vst v11  }
0x223: {  	s26 =	sor.u32 $0x1860, s1;
	[tilespmem:s25+$0xCF00] =	vst v12  }
0x224: {  	s0 =	sor.u32 $0x1870, s1;
	[tilespmem:s26+$0xCF00] =	vst v13  }
0x225: {  	[tilespmem:s0+$0xCF00] =	vst v14  }
0x226: {  	s21 =	sor.u32 $0x1C00, s24;
	v7 =	vld [tilespmem:s20+$0x3D8]  }
0x227: {  	[tilespmem:s21+$0xCF00] =	vst v6;
	s22 =	sor.u32 $0x1C10, s24  }
0x228: {  	[tilespmem:s22+$0xCF00] =	vst v5;
	s23 =	sor.u32 $0x1C20, s24;
	v6 =	vld [tilespmem:s20+$0x380]  }
0x229: {  	[tilespmem:s23+$0xCF00] =	vst v4;
	s25 =	sor.u32 $0x1C30, s24;
	v5 =	vld [tilespmem:s20+$0x390]  }
0x22a: {  	[tilespmem:s25+$0xCF00] =	vst v3;
	s26 =	sor.u32 $0x1C40, s24;
	v4 =	vld [tilespmem:s20+$0x3A0]  }
0x22b: {  	s21 =	sor.u32 $0x1C50, s24;
	[tilespmem:s26+$0xCF00] =	vst v2;
	v3 =	vld [tilespmem:s20+$0x3B0];
	v2 =	vperm.xlane v7, v0  }
0x22c: {  	s0 =	sor.u32 $0x1C60, s1;
	[tilespmem:s21+$0xCF00] =	vst v1;
	v1 =	vld [tilespmem:s20+$0x3D0]  }
0x22d: {  	s21 =	sor.u32 $0x1C00, s1;
	v7 =	vld [tilespmem:s20+$0x3C0];
	[tilespmem:s0+$0xCF00] =	vst.msk $0xff, v2  }
0x22e: {  	s22 =	sor.u32 $0x1C10, s1;
	[tilespmem:s21+$0xCF00] =	vst v6  }
0x22f: {  	s23 =	sor.u32 $0x1C20, s1;
	[tilespmem:s22+$0xCF00] =	vst v5  }
0x230: {  	s19 =	sadd.s32 $0x1, s18;
	p0 =	seq.s32 s18, $0x1F;
	s24 =	sor.u32 $0x1C30, s1;
	[tilespmem:s23+$0xCF00] =	vst v4  }
0x231: {  	s25 =	sor.u32 $0x1C40, s1;
	s21 =	smul.u32 @!p0 $0xE0, s19;
	[tilespmem:s24+$0xCF00] =	vst v3  }
0x232: {  	s1 =	sor.u32 $0x1C50, s1;
	[tilespmem:s25+$0xCF00] =	vst v7  }
0x233: {  	s20 =	sshra.s32 @!p0 s21, $0x2;
	s21 =	simm.s32 @!p0 $0x700;
	[tilespmem:s1+$0xCF00] =	vst v1;
	s1 =	simm.s32 @!p0 $0x18  }
0x234: {  	[tilespmem:s21], [sflag:$0x1] =	stream.indirect.gather @!p0 [hbm4b:s2+s1], $0x400, s20, s1, $0xb8;
	[tilespmem:$0x1AF00] =	vst v63  }
0x235: {  	_ =	swait.ge [sflag:s14], $0x6800  }
0x236: {  	[sflag:s14] =	ssyncset.done $0x0  }
0x237: {  	s24 =	simm.s32 $0x6B00;
	[sflag:s14] =	ssyncadd.s32 $0xFFFF9800  }
0x238: {  	v1 =	vld [tilespmem:s24+$0xFFFFFC00]  }
0x239: {  	v2 =	vld [tilespmem:s24+$0xFFFFFC10]  }
0x23a: {  	v3 =	vld [tilespmem:s24+$0xFFFFFC20]  }
0x23b: {  	v4 =	vld [tilespmem:s24+$0xFFFFFC30]  }
0x23c: {  	s26 =	simm.s32 $0x0;
	s0 =	simm.s32 $0x0;
	v5 =	vld [tilespmem:s24+$0xFFFFFC40]  }
0x23d: {  	s1 =	sand.u32 $0x6000, s26;
	s21 =	sand.u32 $0x300, s0;
	v6 =	vld [tilespmem:s24+$0xFFFFFC50]  }
0x23e: {  	s23 =	sor.u32 s21, s1;
	v7 =	vld [tilespmem:s24+$0xFFFFFC60]  }
0x23f: {  	s1 =	sadd.s32 $0x12F00, s23;
	v8 =	vld [tilespmem:s24+$0xFFFFFC70];
	[tilespmem:s23+$0x12F00] =	vst v1  }
0x240: {  	[tilespmem:s1+$0x10] =	vst v2  }
0x241: {  	[tilespmem:s1+$0x20] =	vst v3  }
0x242: {  	[tilespmem:s1+$0x30] =	vst v4  }
0x243: {  	[tilespmem:s1+$0x40] =	vst v5  }
0x244: {  	[tilespmem:s1+$0x50] =	vst v6  }
0x245: {  	[tilespmem:s1+$0x60] =	vst v7  }
0x246: {  	[tilespmem:s1+$0x70] =	vst v8  }
0x247: {  	v1 =	vld [tilespmem:s24+$0xFFFFFC80]  }
0x248: {  	v2 =	vld [tilespmem:s24+$0xFFFFFC90]  }
0x249: {  	v3 =	vld [tilespmem:s24+$0xFFFFFCA0]  }
0x24a: {  	v4 =	vld [tilespmem:s24+$0xFFFFFCB0]  }
0x24b: {  	v5 =	vld [tilespmem:s24+$0xFFFFFCC0]  }
0x24c: {  	v6 =	vld [tilespmem:s24+$0xFFFFFCD0]  }
0x24d: {  	v7 =	vld [tilespmem:s24+$0xFFFFFCE0]  }
0x24e: {  	s22 =	sadd.s32 $0x13300, s23;
	v8 =	vld [tilespmem:s24+$0xFFFFFCF0];
	[tilespmem:s23+$0x13300] =	vst v1  }
0x24f: {  	[tilespmem:s22+$0x10] =	vst v2  }
0x250: {  	[tilespmem:s22+$0x20] =	vst v3  }
0x251: {  	[tilespmem:s22+$0x30] =	vst v4  }
0x252: {  	[tilespmem:s22+$0x40] =	vst v5  }
0x253: {  	[tilespmem:s22+$0x50] =	vst v6  }
0x254: {  	[tilespmem:s22+$0x60] =	vst v7  }
0x255: {  	[tilespmem:s22+$0x70] =	vst v8  }
0x256: {  	v1 =	vld [tilespmem:s24+$0xFFFFFD00]  }
0x257: {  	v2 =	vld [tilespmem:s24+$0xFFFFFD10]  }
0x258: {  	v3 =	vld [tilespmem:s24+$0xFFFFFD20]  }
0x259: {  	v4 =	vld [tilespmem:s24+$0xFFFFFD30]  }
0x25a: {  	v5 =	vld [tilespmem:s24+$0xFFFFFD40]  }
0x25b: {  	v6 =	vld [tilespmem:s24+$0xFFFFFD50]  }
0x25c: {  	v7 =	vld [tilespmem:s24+$0xFFFFFD60]  }
0x25d: {  	s25 =	sadd.s32 $0x13700, s23;
	v8 =	vld [tilespmem:s24+$0xFFFFFD70];
	[tilespmem:s23+$0x13700] =	vst v1  }
0x25e: {  	[tilespmem:s25+$0x10] =	vst v2  }
0x25f: {  	[tilespmem:s25+$0x20] =	vst v3  }
0x260: {  	[tilespmem:s25+$0x30] =	vst v4  }
0x261: {  	[tilespmem:s25+$0x40] =	vst v5  }
0x262: {  	[tilespmem:s25+$0x50] =	vst v6  }
0x263: {  	[tilespmem:s25+$0x60] =	vst v7  }
0x264: {  	[tilespmem:s25+$0x70] =	vst v8  }
0x265: {  	v1 =	vld [tilespmem:s24+$0xFFFFFD80]  }
0x266: {  	v2 =	vld [tilespmem:s24+$0xFFFFFD90]  }
0x267: {  	v3 =	vld [tilespmem:s24+$0xFFFFFDA0]  }
0x268: {  	v4 =	vld [tilespmem:s24+$0xFFFFFDB0]  }
0x269: {  	v5 =	vld [tilespmem:s24+$0xFFFFFDC0]  }
0x26a: {  	v6 =	vld [tilespmem:s24+$0xFFFFFDD0]  }
0x26b: {  	v7 =	vld [tilespmem:s24+$0xFFFFFDE0]  }
0x26c: {  	s26 =	sadd.s32 $0x13B00, s23;
	v8 =	vld [tilespmem:s24+$0xFFFFFDF0];
	[tilespmem:s23+$0x13B00] =	vst v1  }
0x26d: {  	[tilespmem:s26+$0x10] =	vst v2  }
0x26e: {  	[tilespmem:s26+$0x20] =	vst v3  }
0x26f: {  	[tilespmem:s26+$0x30] =	vst v4  }
0x270: {  	[tilespmem:s26+$0x40] =	vst v5  }
0x271: {  	[tilespmem:s26+$0x50] =	vst v6  }
0x272: {  	[tilespmem:s26+$0x60] =	vst v7  }
0x273: {  	[tilespmem:s26+$0x70] =	vst v8  }
0x274: {  	v1 =	vld [tilespmem:s24+$0xFFFFFE00]  }
0x275: {  	v2 =	vld [tilespmem:s24+$0xFFFFFE10]  }
0x276: {  	v3 =	vld [tilespmem:s24+$0xFFFFFE20]  }
0x277: {  	v4 =	vld [tilespmem:s24+$0xFFFFFE30]  }
0x278: {  	v5 =	vld [tilespmem:s24+$0xFFFFFE40]  }
0x279: {  	v6 =	vld [tilespmem:s24+$0xFFFFFE50]  }
0x27a: {  	v7 =	vld [tilespmem:s24+$0xFFFFFE60]  }
0x27b: {  	s0 =	sadd.s32 $0x13F00, s23;
	v8 =	vld [tilespmem:s24+$0xFFFFFE70];
	[tilespmem:s23+$0x13F00] =	vst v1  }
0x27c: {  	[tilespmem:s0+$0x10] =	vst v2  }
0x27d: {  	[tilespmem:s0+$0x20] =	vst v3  }
0x27e: {  	[tilespmem:s0+$0x30] =	vst v4  }
0x27f: {  	[tilespmem:s0+$0x40] =	vst v5  }
0x280: {  	[tilespmem:s0+$0x50] =	vst v6  }
0x281: {  	[tilespmem:s0+$0x60] =	vst v7  }
0x282: {  	[tilespmem:s0+$0x70] =	vst v8  }
0x283: {  	v1 =	vld [tilespmem:s24+$0xFFFFFE80]  }
0x284: {  	v2 =	vld [tilespmem:s24+$0xFFFFFE90]  }
0x285: {  	v3 =	vld [tilespmem:s24+$0xFFFFFEA0]  }
0x286: {  	v4 =	vld [tilespmem:s24+$0xFFFFFEB0]  }
0x287: {  	v5 =	vld [tilespmem:s24+$0xFFFFFEC0]  }
0x288: {  	v6 =	vld [tilespmem:s24+$0xFFFFFED0]  }
0x289: {  	v7 =	vld [tilespmem:s24+$0xFFFFFEE0]  }
0x28a: {  	s21 =	sadd.s32 $0x14300, s23;
	v8 =	vld [tilespmem:s24+$0xFFFFFEF0];
	[tilespmem:s23+$0x14300] =	vst v1  }
0x28b: {  	[tilespmem:s21+$0x10] =	vst v2  }
0x28c: {  	[tilespmem:s21+$0x20] =	vst v3  }
0x28d: {  	[tilespmem:s21+$0x30] =	vst v4  }
0x28e: {  	[tilespmem:s21+$0x40] =	vst v5  }
0x28f: {  	[tilespmem:s21+$0x50] =	vst v6  }
0x290: {  	[tilespmem:s21+$0x60] =	vst v7  }
0x291: {  	[tilespmem:s21+$0x70] =	vst v8  }
0x292: {  	v1 =	vld [tilespmem:s24+$0xFFFFFF00]  }
0x293: {  	v2 =	vld [tilespmem:s24+$0xFFFFFF10]  }
0x294: {  	v3 =	vld [tilespmem:s24+$0xFFFFFF20]  }
0x295: {  	v4 =	vld [tilespmem:s24+$0xFFFFFF30]  }
0x296: {  	v5 =	vld [tilespmem:s24+$0xFFFFFF40]  }
0x297: {  	v6 =	vld [tilespmem:s24+$0xFFFFFF50]  }
0x298: {  	v7 =	vld [tilespmem:s24+$0xFFFFFF60]  }
0x299: {  	s22 =	sadd.s32 $0x14700, s23;
	v8 =	vld [tilespmem:s24+$0xFFFFFF70];
	[tilespmem:s23+$0x14700] =	vst v1  }
0x29a: {  	s21 =	simm.s32 $0x7300;
	[tilespmem:s22+$0x10] =	vst v2  }
0x29b: {  	v19 =	vld [tilespmem:s21+$0xFFFFFC50];
	[tilespmem:s22+$0x20] =	vst v3  }
0x29c: {  	v20 =	vld [tilespmem:s21+$0xFFFFFC60];
	[tilespmem:s22+$0x30] =	vst v4  }
0x29d: {  	[tilespmem:s22+$0x40] =	vst v5;
	v2 =	vld [tilespmem:s21+$0xFFFFFC00]  }
0x29e: {  	[tilespmem:s22+$0x50] =	vst v6;
	v3 =	vld [tilespmem:s21+$0xFFFFFC10]  }
0x29f: {  	[tilespmem:s22+$0x60] =	vst v7;
	v4 =	vld [tilespmem:s21+$0xFFFFFC20]  }
0x2a0: {  	[tilespmem:s22+$0x70] =	vst v8;
	v5 =	vld [tilespmem:s21+$0xFFFFFC30]  }
0x2a1: {  	v1 =	vld [tilespmem:s24+$0xFFFFFFD8]  }
0x2a2: {  	v6 =	vld [tilespmem:s21+$0xFFFFFC40]  }
0x2a3: {  	v60 =	vld [tilespmem:s24+$0xFFFFFF80]  }
0x2a4: {  	v61 =	vld [tilespmem:s24+$0xFFFFFF90]  }
0x2a5: {  	v62 =	vld [tilespmem:s24+$0xFFFFFFA0]  }
0x2a6: {  	s28 =	sadd.s32 $0x14B00, s23;
	s25 =	simm.s32 $0x800;
	s22 =	simm.s32 $0x100;
	v63 =	vld [tilespmem:s24+$0xFFFFFFB0];
	v1 =	vperm.xlane v1, v0  }
0x2a7: {  	s1 =	sand.u32 $0x6000, s25;
	s26 =	sor.u32 $0x60, s28;
	v8 =	vld [tilespmem:s24+$0xFFFFFFC0];
	s22 =	sand.u32 $0x300, s22  }
0x2a8: {  	v7 =	vld [tilespmem:s24+$0xFFFFFFD0];
	s22 =	sor.u32 s22, s1;
	[tilespmem:s26+$0x0] =	vst.msk $0xff, v1  }
0x2a9: {  	s1 =	sadd.s32 $0x12F00, s22;
	v1 =	vld [tilespmem:s21+$0xFFFFFC70];
	[tilespmem:s22+$0x12F00] =	vst v2  }
0x2aa: {  	v15 =	vld [tilespmem:s24+$0x0];
	[tilespmem:s1+$0x10] =	vst v3  }
0x2ab: {  	v2 =	vld [tilespmem:s24+$0x10];
	[tilespmem:s1+$0x20] =	vst v4  }
0x2ac: {  	v3 =	vld [tilespmem:s24+$0x20];
	[tilespmem:s1+$0x30] =	vst v5  }
0x2ad: {  	v4 =	vld [tilespmem:s24+$0x30];
	[tilespmem:s1+$0x40] =	vst v6  }
0x2ae: {  	s0 =	simm.s32 $0xC80;
	s26 =	simm.s32 $0x6400;
	v5 =	vld [tilespmem:s24+$0x40];
	[tilespmem:s1+$0x50] =	vst v19  }
0x2af: {  	s25 =	sand.u32 $0x380, s0;
	v6 =	vld [tilespmem:s24+$0x50];
	s26 =	sand.u32 $0xE000, s26;
	[tilespmem:s1+$0x60] =	vst v20  }
0x2b0: {  	v21 =	vld [tilespmem:s24+$0x60];
	s25 =	sor.u32 s25, s26;
	[tilespmem:s1+$0x70] =	vst v1  }
0x2b1: {  	v22 =	vld [tilespmem:s24+$0x70];
	[tilespmem:s25+$0xCF00] =	vst v15  }
0x2b2: {  	v1 =	vld [tilespmem:s21+$0xFFFFFC80];
	[tilespmem:s25+$0xCF10] =	vst v2  }
0x2b3: {  	v2 =	vld [tilespmem:s21+$0xFFFFFC90];
	[tilespmem:s25+$0xCF20] =	vst v3  }
0x2b4: {  	v3 =	vld [tilespmem:s21+$0xFFFFFCA0];
	[tilespmem:s25+$0xCF30] =	vst v4  }
0x2b5: {  	v4 =	vld [tilespmem:s21+$0xFFFFFCB0];
	[tilespmem:s25+$0xCF40] =	vst v5  }
0x2b6: {  	v5 =	vld [tilespmem:s21+$0xFFFFFCC0];
	[tilespmem:s25+$0xCF50] =	vst v6  }
0x2b7: {  	v6 =	vld [tilespmem:s21+$0xFFFFFCD0];
	[tilespmem:s25+$0xCF60] =	vst v21  }
0x2b8: {  	v23 =	vld [tilespmem:s21+$0xFFFFFCE0];
	[tilespmem:s25+$0xCF70] =	vst v22  }
0x2b9: {  	s0 =	sadd.s32 $0x13300, s22;
	v24 =	vld [tilespmem:s21+$0xFFFFFCF0];
	[tilespmem:s22+$0x13300] =	vst v1  }
0x2ba: {  	v15 =	vld [tilespmem:s24+$0x80];
	[tilespmem:s0+$0x10] =	vst v2  }
0x2bb: {  	v25 =	vld [tilespmem:s24+$0xF0];
	[tilespmem:s0+$0x20] =	vst v3  }
0x2bc: {  	v1 =	vld [tilespmem:s24+$0x90];
	[tilespmem:s0+$0x30] =	vst v4  }
0x2bd: {  	v2 =	vld [tilespmem:s24+$0xA0];
	[tilespmem:s0+$0x40] =	vst v5  }
0x2be: {  	v3 =	vld [tilespmem:s24+$0xB0];
	[tilespmem:s0+$0x50] =	vst v6  }
0x2bf: {  	v4 =	vld [tilespmem:s24+$0xC0];
	[tilespmem:s0+$0x60] =	vst v23  }
0x2c0: {  	v5 =	vld [tilespmem:s24+$0xD0];
	[tilespmem:s0+$0x70] =	vst v24  }
0x2c1: {  	v6 =	vld [tilespmem:s24+$0xE0];
	[tilespmem:s25+$0xD300] =	vst v15  }
0x2c2: {  	[tilespmem:s25+$0xD370] =	vst v25;
	v14 =	vld [tilespmem:s21+$0xFFFFFD00]  }
0x2c3: {  	v26 =	vld [tilespmem:s21+$0xFFFFFD70];
	[tilespmem:s25+$0xD310] =	vst v1  }
0x2c4: {  	v1 =	vld [tilespmem:s21+$0xFFFFFD10];
	[tilespmem:s25+$0xD320] =	vst v2  }
0x2c5: {  	v2 =	vld [tilespmem:s21+$0xFFFFFD20];
	[tilespmem:s25+$0xD330] =	vst v3  }
0x2c6: {  	v3 =	vld [tilespmem:s21+$0xFFFFFD30];
	[tilespmem:s25+$0xD340] =	vst v4  }
0x2c7: {  	v4 =	vld [tilespmem:s21+$0xFFFFFD40];
	[tilespmem:s25+$0xD350] =	vst v5  }
0x2c8: {  	v5 =	vld [tilespmem:s21+$0xFFFFFD50];
	[tilespmem:s25+$0xD360] =	vst v6  }
0x2c9: {  	s26 =	sadd.s32 $0x13700, s22;
	v6 =	vld [tilespmem:s21+$0xFFFFFD60];
	[tilespmem:s22+$0x13700] =	vst v14  }
0x2ca: {  	v15 =	vld [tilespmem:s24+$0x100];
	[tilespmem:s26+$0x70] =	vst v26  }
0x2cb: {  	v27 =	vld [tilespmem:s24+$0x110];
	[tilespmem:s26+$0x10] =	vst v1  }
0x2cc: {  	v1 =	vld [tilespmem:s24+$0x120];
	[tilespmem:s26+$0x20] =	vst v2  }
0x2cd: {  	v2 =	vld [tilespmem:s24+$0x130];
	[tilespmem:s26+$0x30] =	vst v3  }
0x2ce: {  	v3 =	vld [tilespmem:s24+$0x140];
	[tilespmem:s26+$0x40] =	vst v4  }
0x2cf: {  	v4 =	vld [tilespmem:s24+$0x150];
	[tilespmem:s26+$0x50] =	vst v5  }
0x2d0: {  	v5 =	vld [tilespmem:s24+$0x160];
	[tilespmem:s26+$0x60] =	vst v6  }
0x2d1: {  	v6 =	vld [tilespmem:s24+$0x170];
	[tilespmem:s25+$0xD700] =	vst v15  }
0x2d2: {  	v13 =	vld [tilespmem:s21+$0xFFFFFD80];
	[tilespmem:s25+$0xD710] =	vst v27  }
0x2d3: {  	v28 =	vld [tilespmem:s21+$0xFFFFFD90];
	[tilespmem:s25+$0xD720] =	vst v1  }
0x2d4: {  	v1 =	vld [tilespmem:s21+$0xFFFFFDA0];
	[tilespmem:s25+$0xD730] =	vst v2  }
0x2d5: {  	v2 =	vld [tilespmem:s21+$0xFFFFFDB0];
	[tilespmem:s25+$0xD740] =	vst v3  }
0x2d6: {  	v3 =	vld [tilespmem:s21+$0xFFFFFDC0];
	[tilespmem:s25+$0xD750] =	vst v4  }
0x2d7: {  	v4 =	vld [tilespmem:s21+$0xFFFFFDD0];
	[tilespmem:s25+$0xD760] =	vst v5  }
0x2d8: {  	v5 =	vld [tilespmem:s21+$0xFFFFFDE0];
	[tilespmem:s25+$0xD770] =	vst v6  }
0x2d9: {  	s0 =	sadd.s32 $0x13B00, s22;
	v6 =	vld [tilespmem:s21+$0xFFFFFDF0];
	[tilespmem:s22+$0x13B00] =	vst v13  }
0x2da: {  	v15 =	vld [tilespmem:s24+$0x180];
	[tilespmem:s0+$0x10] =	vst v28  }
0x2db: {  	v29 =	vld [tilespmem:s24+$0x190];
	[tilespmem:s0+$0x20] =	vst v1  }
0x2dc: {  	v30 =	vld [tilespmem:s24+$0x1A0];
	[tilespmem:s0+$0x30] =	vst v2  }
0x2dd: {  	v1 =	vld [tilespmem:s24+$0x1B0];
	[tilespmem:s0+$0x40] =	vst v3  }
0x2de: {  	v2 =	vld [tilespmem:s24+$0x1C0];
	[tilespmem:s0+$0x50] =	vst v4  }
0x2df: {  	v3 =	vld [tilespmem:s24+$0x1D0];
	[tilespmem:s0+$0x60] =	vst v5  }
0x2e0: {  	v4 =	vld [tilespmem:s24+$0x1E0];
	[tilespmem:s0+$0x70] =	vst v6  }
0x2e1: {  	v5 =	vld [tilespmem:s24+$0x1F0];
	[tilespmem:s25+$0xDB00] =	vst v15  }
0x2e2: {  	v6 =	vld [tilespmem:s21+$0xFFFFFE00];
	[tilespmem:s25+$0xDB10] =	vst v29  }
0x2e3: {  	v31 =	vld [tilespmem:s21+$0xFFFFFE10];
	[tilespmem:s25+$0xDB20] =	vst v30  }
0x2e4: {  	v32 =	vld [tilespmem:s21+$0xFFFFFE20];
	[tilespmem:s25+$0xDB30] =	vst v1  }
0x2e5: {  	v1 =	vld [tilespmem:s21+$0xFFFFFE30];
	[tilespmem:s25+$0xDB40] =	vst v2  }
0x2e6: {  	v2 =	vld [tilespmem:s21+$0xFFFFFE40];
	[tilespmem:s25+$0xDB50] =	vst v3  }
0x2e7: {  	v3 =	vld [tilespmem:s21+$0xFFFFFE50];
	[tilespmem:s25+$0xDB60] =	vst v4  }
0x2e8: {  	v4 =	vld [tilespmem:s21+$0xFFFFFE60];
	[tilespmem:s25+$0xDB70] =	vst v5  }
0x2e9: {  	s26 =	sadd.s32 $0x13F00, s22;
	v5 =	vld [tilespmem:s21+$0xFFFFFE70];
	[tilespmem:s22+$0x13F00] =	vst v6  }
0x2ea: {  	v15 =	vld [tilespmem:s24+$0x200];
	[tilespmem:s26+$0x10] =	vst v31  }
0x2eb: {  	v6 =	vld [tilespmem:s24+$0x210];
	[tilespmem:s26+$0x20] =	vst v32  }
0x2ec: {  	v33 =	vld [tilespmem:s24+$0x220];
	[tilespmem:s26+$0x30] =	vst v1  }
0x2ed: {  	v34 =	vld [tilespmem:s24+$0x230];
	[tilespmem:s26+$0x40] =	vst v2  }
0x2ee: {  	v1 =	vld [tilespmem:s24+$0x240];
	[tilespmem:s26+$0x50] =	vst v3  }
0x2ef: {  	v2 =	vld [tilespmem:s24+$0x250];
	[tilespmem:s26+$0x60] =	vst v4  }
0x2f0: {  	v3 =	vld [tilespmem:s24+$0x260];
	[tilespmem:s26+$0x70] =	vst v5  }
0x2f1: {  	v4 =	vld [tilespmem:s24+$0x270];
	[tilespmem:s25+$0xDF00] =	vst v15  }
0x2f2: {  	v5 =	vld [tilespmem:s21+$0xFFFFFE80];
	[tilespmem:s25+$0xDF10] =	vst v6  }
0x2f3: {  	v6 =	vld [tilespmem:s21+$0xFFFFFE90];
	[tilespmem:s25+$0xDF20] =	vst v33  }
0x2f4: {  	v35 =	vld [tilespmem:s21+$0xFFFFFEA0];
	[tilespmem:s25+$0xDF30] =	vst v34  }
0x2f5: {  	v36 =	vld [tilespmem:s21+$0xFFFFFEB0];
	[tilespmem:s25+$0xDF40] =	vst v1  }
0x2f6: {  	v1 =	vld [tilespmem:s21+$0xFFFFFEC0];
	[tilespmem:s25+$0xDF50] =	vst v2  }
0x2f7: {  	v2 =	vld [tilespmem:s21+$0xFFFFFED0];
	[tilespmem:s25+$0xDF60] =	vst v3  }
0x2f8: {  	v3 =	vld [tilespmem:s21+$0xFFFFFEE0];
	[tilespmem:s25+$0xDF70] =	vst v4  }
0x2f9: {  	s0 =	sadd.s32 $0x14300, s22;
	v4 =	vld [tilespmem:s21+$0xFFFFFEF0];
	[tilespmem:s22+$0x14300] =	vst v5  }
0x2fa: {  	v15 =	vld [tilespmem:s24+$0x280];
	[tilespmem:s0+$0x10] =	vst v6  }
0x2fb: {  	v5 =	vld [tilespmem:s24+$0x290];
	[tilespmem:s0+$0x20] =	vst v35  }
0x2fc: {  	v37 =	vld [tilespmem:s24+$0x2B0];
	[tilespmem:s0+$0x30] =	vst v36  }
0x2fd: {  	v38 =	vld [tilespmem:s24+$0x2C0];
	[tilespmem:s0+$0x40] =	vst v1  }
0x2fe: {  	v6 =	vld [tilespmem:s24+$0x2A0];
	[tilespmem:s0+$0x50] =	vst v2  }
0x2ff: {  	v1 =	vld [tilespmem:s24+$0x2D0];
	[tilespmem:s0+$0x60] =	vst v3  }
0x300: {  	v2 =	vld [tilespmem:s24+$0x2E0];
	[tilespmem:s0+$0x70] =	vst v4  }
0x301: {  	v3 =	vld [tilespmem:s24+$0x2F0];
	[tilespmem:s25+$0xE300] =	vst v15  }
0x302: {  	v4 =	vld [tilespmem:s21+$0xFFFFFF00];
	[tilespmem:s25+$0xE310] =	vst v5  }
0x303: {  	v5 =	vld [tilespmem:s21+$0xFFFFFF10];
	[tilespmem:s25+$0xE330] =	vst v37  }
0x304: {  	v39 =	vld [tilespmem:s21+$0xFFFFFF30];
	[tilespmem:s25+$0xE340] =	vst v38  }
0x305: {  	v40 =	vld [tilespmem:s21+$0xFFFFFF40];
	[tilespmem:s25+$0xE320] =	vst v6  }
0x306: {  	v6 =	vld [tilespmem:s21+$0xFFFFFF20];
	[tilespmem:s25+$0xE350] =	vst v1  }
0x307: {  	v1 =	vld [tilespmem:s21+$0xFFFFFF50];
	[tilespmem:s25+$0xE360] =	vst v2  }
0x308: {  	v2 =	vld [tilespmem:s21+$0xFFFFFF60];
	[tilespmem:s25+$0xE370] =	vst v3  }
0x309: {  	s26 =	sadd.s32 $0x14700, s22;
	v3 =	vld [tilespmem:s21+$0xFFFFFF70];
	[tilespmem:s22+$0x14700] =	vst v4  }
0x30a: {  	v15 =	vld [tilespmem:s24+$0x300];
	[tilespmem:s26+$0x10] =	vst v5  }
0x30b: {  	v4 =	vld [tilespmem:s24+$0x310];
	[tilespmem:s26+$0x20] =	vst v6  }
0x30c: {  	v16 =	vld [tilespmem:s24+$0x320];
	[tilespmem:s26+$0x30] =	vst v39  }
0x30d: {  	v17 =	vld [tilespmem:s24+$0x330];
	[tilespmem:s26+$0x40] =	vst v40  }
0x30e: {  	v41 =	vld [tilespmem:s24+$0x340];
	[tilespmem:s26+$0x50] =	vst v1  }
0x30f: {  	v42 =	vld [tilespmem:s24+$0x350];
	[tilespmem:s26+$0x60] =	vst v2  }
0x310: {  	v18 =	vld [tilespmem:s24+$0x360];
	[tilespmem:s26+$0x70] =	vst v3  }
0x311: {  	[tilespmem:s23+$0x14B00] =	vst v60;
	v1 =	vld [tilespmem:s21+$0xFFFFFFD8]  }
0x312: {  	[tilespmem:s28+$0x10] =	vst v61;
	v19 =	vld [tilespmem:s24+$0x370]  }
0x313: {  	[tilespmem:s28+$0x20] =	vst v62;
	v6 =	vld [tilespmem:s21+$0xFFFFFF80]  }
0x314: {  	[tilespmem:s28+$0x30] =	vst v63;
	v5 =	vld [tilespmem:s21+$0xFFFFFF90]  }
0x315: {  	[tilespmem:s25+$0xE710] =	vst v4;
	v4 =	vld [tilespmem:s21+$0xFFFFFFA0]  }
0x316: {  	s30 =	sadd.s32 $0x14B00, s22;
	[tilespmem:s25+$0xE700] =	vst v15;
	v3 =	vld [tilespmem:s21+$0xFFFFFFB0];
	v43 =	vperm.xlane v1, v0  }
0x317: {  	s0 =	sor.u32 $0x60, s30;
	[tilespmem:s25+$0xE720] =	vst v16;
	v2 =	vld [tilespmem:s21+$0xFFFFFFC0]  }
0x318: {  	v1 =	vld [tilespmem:s21+$0xFFFFFFD0];
	[tilespmem:s0+$0x0] =	vst.msk $0xff, v43  }
0x319: {  	[tilespmem:s25+$0xE730] =	vst v17;
	v44 =	vld [tilespmem:s21+$0x0]  }
0x31a: {  	[tilespmem:s25+$0xE740] =	vst v41;
	v45 =	vld [tilespmem:s21+$0x10]  }
0x31b: {  	[tilespmem:s25+$0xE750] =	vst v42;
	v15 =	vld [tilespmem:s21+$0x20]  }
0x31c: {  	[tilespmem:s25+$0xE760] =	vst v18;
	v46 =	vld [tilespmem:s21+$0x30]  }
0x31d: {  	s26 =	simm.s32 $0x6C00;
	[tilespmem:s25+$0xE770] =	vst v19;
	s25 =	simm.s32 $0xD80;
	v47 =	vld [tilespmem:s21+$0x40]  }
0x31e: {  	[tilespmem:s28+$0x40] =	vst v8;
	s23 =	sand.u32 $0xE000, s26;
	s0 =	sand.u32 $0x380, s25;
	v48 =	vld [tilespmem:s21+$0x50]  }
0x31f: {  	[tilespmem:s28+$0x50] =	vst v7;
	v49 =	vld [tilespmem:s21+$0x60];
	s31 =	sor.u32 s0, s23  }
0x320: {  	v8 =	vld [tilespmem:s21+$0x70];
	[tilespmem:s31+$0xCF00] =	vst v44  }
0x321: {  	v50 =	vld [tilespmem:s24+$0x3D8];
	[tilespmem:s31+$0xCF10] =	vst v45  }
0x322: {  	v51 =	vld [tilespmem:s24+$0x380];
	[tilespmem:s31+$0xCF20] =	vst v15  }
0x323: {  	v52 =	vld [tilespmem:s24+$0x390];
	s23 =	simm.s32 $0x0;
	[tilespmem:s31+$0xCF30] =	vst v46  }
0x324: {  	v53 =	vld [tilespmem:s24+$0x3A0];
	s0 =	sand.u32 $0x7, s23;
	[tilespmem:s31+$0xCF40] =	vst v47  }
0x325: {  	v54 =	vld [tilespmem:s24+$0x3B0];
	s1 =	sshll.u32 s0, $0x7;
	[tilespmem:s31+$0xCF50] =	vst v48  }
0x326: {  	v55 =	vld [tilespmem:s24+$0x3C0];
	v56 =	vperm.xlane v50, v0;
	s1 =	sadd.s32 $0x6480, s1;
	[tilespmem:s31+$0xCF60] =	vst v49  }
0x327: {  	v57 =	vld [tilespmem:s24+$0x3D0];
	s0 =	sor.u32 $0x1C60, s1;
	[tilespmem:s31+$0xCF70] =	vst v8  }
0x328: {  	s28 =	sor.u32 $0x1C00, s1;
	[tilespmem:s0+$0xCF00] =	vst.msk $0xff, v56;
	v8 =	vld [tilespmem:s21+$0x80]  }
0x329: {  	s0 =	sor.u32 $0x1C10, s1;
	v58 =	vld [tilespmem:s21+$0x90];
	[tilespmem:s28+$0xCF00] =	vst v51  }
0x32a: {  	v59 =	vld [tilespmem:s21+$0xA0];
	[tilespmem:s0+$0xCF00] =	vst v52;
	s0 =	sor.u32 $0x1C20, s1  }
0x32b: {  	v60 =	vld [tilespmem:s21+$0xB0];
	[tilespmem:s0+$0xCF00] =	vst v53;
	s0 =	sor.u32 $0x1C30, s1  }
0x32c: {  	v61 =	vld [tilespmem:s21+$0xC0];
	[tilespmem:s0+$0xCF00] =	vst v54;
	s0 =	sor.u32 $0x1C40, s1  }
0x32d: {  	v62 =	vld [tilespmem:s21+$0xD0];
	s1 =	sor.u32 $0x1C50, s1;
	[tilespmem:s0+$0xCF00] =	vst v55  }
0x32e: {  	v63 =	vld [tilespmem:s21+$0xE0];
	[tilespmem:s1+$0xCF00] =	vst v57  }
0x32f: {  	v7 =	vld [tilespmem:s21+$0xF0];
	[tilespmem:s31+$0xD300] =	vst v8  }
0x330: {  	[tilespmem:s31+$0xD310] =	vst v58  }
0x331: {  	[tilespmem:s31+$0xD320] =	vst v59  }
0x332: {  	[tilespmem:s31+$0xD330] =	vst v60  }
0x333: {  	[tilespmem:s31+$0xD340] =	vst v61  }
0x334: {  	[tilespmem:s31+$0xD350] =	vst v62  }
0x335: {  	s29 =	simm.s32 $0x7B00;
	s24 =	simm.s32 $0x6480;
	s28 =	simm.s32 $0x2;
	[tilespmem:s31+$0xD360] =	vst v63  }
.LBB2_5:
0x336: {  	v8 =	vld [tilespmem:s29+$0xFFFFFC00];
	[tilespmem:s31+$0xD370] =	vst v7  }
0x337: {  	v7 =	vld [tilespmem:s21+$0x100]  }
0x338: {  	v9 =	vld [tilespmem:s21+$0x110]  }
0x339: {  	v10 =	vld [tilespmem:s21+$0x120]  }
0x33a: {  	v11 =	vld [tilespmem:s21+$0x130]  }
0x33b: {  	v12 =	vld [tilespmem:s21+$0x140]  }
0x33c: {  	v13 =	vld [tilespmem:s21+$0x150]  }
0x33d: {  	v14 =	vld [tilespmem:s21+$0x160]  }
0x33e: {  	v15 =	vld [tilespmem:s21+$0x170];
	[tilespmem:s31+$0xD700] =	vst v7  }
0x33f: {  	v7 =	vld [tilespmem:s29+$0xFFFFFC10];
	[tilespmem:s31+$0xD710] =	vst v9  }
0x340: {  	v9 =	vld [tilespmem:s29+$0xFFFFFC20];
	[tilespmem:s31+$0xD720] =	vst v10  }
0x341: {  	v10 =	vld [tilespmem:s29+$0xFFFFFC30];
	[tilespmem:s31+$0xD730] =	vst v11  }
0x342: {  	v11 =	vld [tilespmem:s29+$0xFFFFFC40];
	[tilespmem:s31+$0xD740] =	vst v12  }
0x343: {  	v12 =	vld [tilespmem:s29+$0xFFFFFC50];
	[tilespmem:s31+$0xD750] =	vst v13  }
0x344: {  	v13 =	vld [tilespmem:s29+$0xFFFFFC60];
	[tilespmem:s31+$0xD760] =	vst v14  }
0x345: {  	v14 =	vld [tilespmem:s29+$0xFFFFFC70];
	[tilespmem:s31+$0xD770] =	vst v15  }
0x346: {  	v15 =	vld [tilespmem:s21+$0x180]  }
0x347: {  	v16 =	vld [tilespmem:s21+$0x190]  }
0x348: {  	s25 =	sadd.s32 $0x100, s25;
	s26 =	sadd.s32 $0x800, s26;
	v17 =	vld [tilespmem:s21+$0x1A0]  }
0x349: {  	s1 =	sadd.s32 $0xFFFF9C00, s26;
	s0 =	sadd.s32 $0xFFFFF380, s25;
	v18 =	vld [tilespmem:s21+$0x1B0]  }
0x34a: {  	s1 =	sand.u32 $0x6000, s1;
	s0 =	sand.u32 $0x300, s0;
	v19 =	vld [tilespmem:s21+$0x1C0]  }
0x34b: {  	s1 =	sor.u32 s0, s1;
	v20 =	vld [tilespmem:s21+$0x1D0]  }
0x34c: {  	[tilespmem:s1+$0x12F00] =	vst v8;
	v8 =	vld [tilespmem:s21+$0x1E0]  }
0x34d: {  	v21 =	vld [tilespmem:s21+$0x1F0];
	[tilespmem:s31+$0xDB00] =	vst v15  }
0x34e: {  	[tilespmem:s31+$0xDB10] =	vst v16  }
0x34f: {  	[tilespmem:s31+$0xDB20] =	vst v17  }
0x350: {  	[tilespmem:s31+$0xDB30] =	vst v18  }
0x351: {  	[tilespmem:s31+$0xDB40] =	vst v19  }
0x352: {  	[tilespmem:s31+$0xDB50] =	vst v20  }
0x353: {  	[tilespmem:s31+$0xDB60] =	vst v8  }
0x354: {  	s0 =	sadd.s32 $0x12F00, s1;
	[tilespmem:s31+$0xDB70] =	vst v21  }
0x355: {  	[tilespmem:s0+$0x10] =	vst v7;
	v7 =	vld [tilespmem:s21+$0x200]  }
0x356: {  	[tilespmem:s0+$0x20] =	vst v9;
	v8 =	vld [tilespmem:s21+$0x210]  }
0x357: {  	[tilespmem:s0+$0x30] =	vst v10;
	v9 =	vld [tilespmem:s21+$0x220]  }
0x358: {  	[tilespmem:s0+$0x40] =	vst v11;
	v10 =	vld [tilespmem:s21+$0x230]  }
0x359: {  	[tilespmem:s0+$0x50] =	vst v12;
	v11 =	vld [tilespmem:s21+$0x240]  }
0x35a: {  	[tilespmem:s0+$0x60] =	vst v13;
	v12 =	vld [tilespmem:s21+$0x250]  }
0x35b: {  	[tilespmem:s0+$0x70] =	vst v14;
	v13 =	vld [tilespmem:s21+$0x260]  }
0x35c: {  	v14 =	vld [tilespmem:s21+$0x270];
	[tilespmem:s31+$0xDF00] =	vst v7  }
0x35d: {  	[tilespmem:s31+$0xDF10] =	vst v8  }
0x35e: {  	[tilespmem:s31+$0xDF20] =	vst v9  }
0x35f: {  	[tilespmem:s31+$0xDF30] =	vst v10  }
0x360: {  	[tilespmem:s31+$0xDF40] =	vst v11  }
0x361: {  	[tilespmem:s31+$0xDF50] =	vst v12  }
0x362: {  	[tilespmem:s31+$0xDF60] =	vst v13  }
0x363: {  	v7 =	vld [tilespmem:s29+$0xFFFFFC80];
	[tilespmem:s31+$0xDF70] =	vst v14  }
0x364: {  	v8 =	vld [tilespmem:s21+$0x280]  }
0x365: {  	v9 =	vld [tilespmem:s21+$0x290]  }
0x366: {  	v10 =	vld [tilespmem:s21+$0x2A0]  }
0x367: {  	v11 =	vld [tilespmem:s21+$0x2B0]  }
0x368: {  	v12 =	vld [tilespmem:s21+$0x2C0]  }
0x369: {  	v13 =	vld [tilespmem:s21+$0x2D0]  }
0x36a: {  	v14 =	vld [tilespmem:s21+$0x2E0]  }
0x36b: {  	v15 =	vld [tilespmem:s21+$0x2F0];
	[tilespmem:s31+$0xE300] =	vst v8  }
0x36c: {  	v8 =	vld [tilespmem:s29+$0xFFFFFC90];
	[tilespmem:s31+$0xE310] =	vst v9  }
0x36d: {  	v9 =	vld [tilespmem:s29+$0xFFFFFCA0];
	[tilespmem:s31+$0xE320] =	vst v10  }
0x36e: {  	v10 =	vld [tilespmem:s29+$0xFFFFFCB0];
	[tilespmem:s31+$0xE330] =	vst v11  }
0x36f: {  	v11 =	vld [tilespmem:s29+$0xFFFFFCC0];
	[tilespmem:s31+$0xE340] =	vst v12  }
0x370: {  	v12 =	vld [tilespmem:s29+$0xFFFFFCD0];
	[tilespmem:s31+$0xE350] =	vst v13  }
0x371: {  	v13 =	vld [tilespmem:s29+$0xFFFFFCE0];
	[tilespmem:s31+$0xE360] =	vst v14  }
0x372: {  	v14 =	vld [tilespmem:s29+$0xFFFFFCF0];
	[tilespmem:s31+$0xE370] =	vst v15  }
0x373: {  	s0 =	sadd.s32 $0x13300, s1;
	[tilespmem:s1+$0x13300] =	vst v7;
	v7 =	vld [tilespmem:s21+$0x300]  }
0x374: {  	[tilespmem:s0+$0x10] =	vst v8;
	v8 =	vld [tilespmem:s21+$0x310]  }
0x375: {  	[tilespmem:s0+$0x20] =	vst v9;
	v9 =	vld [tilespmem:s21+$0x320]  }
0x376: {  	[tilespmem:s0+$0x30] =	vst v10;
	v10 =	vld [tilespmem:s21+$0x330]  }
0x377: {  	[tilespmem:s0+$0x40] =	vst v11;
	v11 =	vld [tilespmem:s21+$0x340]  }
0x378: {  	[tilespmem:s0+$0x50] =	vst v12;
	v12 =	vld [tilespmem:s21+$0x350]  }
0x379: {  	[tilespmem:s0+$0x60] =	vst v13;
	v13 =	vld [tilespmem:s21+$0x360]  }
0x37a: {  	v15 =	vld [tilespmem:s21+$0x370];
	[tilespmem:s31+$0xE700] =	vst v7  }
0x37b: {  	[tilespmem:s31+$0xE710] =	vst v8  }
0x37c: {  	[tilespmem:s31+$0xE720] =	vst v9  }
0x37d: {  	[tilespmem:s31+$0xE730] =	vst v10  }
0x37e: {  	[tilespmem:s31+$0xE740] =	vst v11  }
0x37f: {  	[tilespmem:s31+$0xE750] =	vst v12  }
0x380: {  	[tilespmem:s31+$0xE760] =	vst v13  }
0x381: {  	[tilespmem:s31+$0xE770] =	vst v15  }
0x382: {  	[tilespmem:s0+$0x70] =	vst v14;
	v7 =	vld [tilespmem:s21+$0x3D8]  }
0x383: {  	v8 =	vld [tilespmem:s29+$0xFFFFFD00];
	[tilespmem:s22+$0x14B00] =	vst v6;
	s22 =	smov.u32 s1  }
0x384: {  	s23 =	sadd.s32 $0x2, s23;
	[tilespmem:s30+$0x10] =	vst v5;
	v5 =	vld [tilespmem:s21+$0x380]  }
0x385: {  	s0 =	sand.u32 $0x7, s23;
	[tilespmem:s30+$0x20] =	vst v4;
	v4 =	vld [tilespmem:s21+$0x390]  }
0x386: {  	s24 =	sadd.s32 $0x800, s24;
	s0 =	sshll.u32 s0, $0x7;
	[tilespmem:s30+$0x30] =	vst v3;
	v3 =	vld [tilespmem:s21+$0x3A0]  }
0x387: {  	s0 =	sadd.s32 s0, s24;
	[tilespmem:s30+$0x40] =	vst v2;
	v2 =	vld [tilespmem:s21+$0x3B0];
	v6 =	vperm.xlane v7, v0  }
0x388: {  	s1 =	sor.u32 $0x1C60, s0;
	[tilespmem:s30+$0x50] =	vst v1;
	v1 =	vld [tilespmem:s21+$0x3C0]  }
0x389: {  	s30 =	sor.u32 $0x1C00, s0;
	v7 =	vld [tilespmem:s21+$0x3D0];
	[tilespmem:s1+$0xCF00] =	vst.msk $0xff, v6;
	s21 =	smov.u32 s29  }
0x38a: {  	s1 =	sor.u32 $0x1C10, s0;
	v6 =	vld [tilespmem:s29+$0xFFFFFD10];
	[tilespmem:s30+$0xCF00] =	vst v5  }
0x38b: {  	v5 =	vld [tilespmem:s29+$0xFFFFFD20];
	[tilespmem:s1+$0xCF00] =	vst v4;
	s1 =	sor.u32 $0x1C20, s0  }
0x38c: {  	v4 =	vld [tilespmem:s29+$0xFFFFFD30];
	[tilespmem:s1+$0xCF00] =	vst v3;
	s1 =	sor.u32 $0x1C30, s0  }
0x38d: {  	v3 =	vld [tilespmem:s29+$0xFFFFFD40];
	[tilespmem:s1+$0xCF00] =	vst v2;
	s1 =	sor.u32 $0x1C40, s0  }
0x38e: {  	s0 =	sor.u32 $0x1C50, s0;
	v2 =	vld [tilespmem:s29+$0xFFFFFD50];
	[tilespmem:s1+$0xCF00] =	vst v1  }
0x38f: {  	v1 =	vld [tilespmem:s29+$0xFFFFFD60];
	[tilespmem:s0+$0xCF00] =	vst v7  }
0x390: {  	s0 =	sadd.s32 $0x13700, s22;
	v7 =	vld [tilespmem:s29+$0xFFFFFD70];
	[tilespmem:s22+$0x13700] =	vst v8  }
0x391: {  	[tilespmem:s0+$0x10] =	vst v6  }
0x392: {  	[tilespmem:s0+$0x20] =	vst v5  }
0x393: {  	[tilespmem:s0+$0x30] =	vst v4  }
0x394: {  	[tilespmem:s0+$0x40] =	vst v3  }
0x395: {  	[tilespmem:s0+$0x50] =	vst v2  }
0x396: {  	[tilespmem:s0+$0x60] =	vst v1  }
0x397: {  	[tilespmem:s0+$0x70] =	vst v7  }
0x398: {  	v1 =	vld [tilespmem:s29+$0xFFFFFD80]  }
0x399: {  	v2 =	vld [tilespmem:s29+$0xFFFFFD90]  }
0x39a: {  	v3 =	vld [tilespmem:s29+$0xFFFFFDA0]  }
0x39b: {  	v4 =	vld [tilespmem:s29+$0xFFFFFDB0]  }
0x39c: {  	v5 =	vld [tilespmem:s29+$0xFFFFFDC0]  }
0x39d: {  	v6 =	vld [tilespmem:s29+$0xFFFFFDD0]  }
0x39e: {  	v7 =	vld [tilespmem:s29+$0xFFFFFDE0]  }
0x39f: {  	s0 =	sadd.s32 $0x13B00, s22;
	v8 =	vld [tilespmem:s29+$0xFFFFFDF0];
	[tilespmem:s22+$0x13B00] =	vst v1  }
0x3a0: {  	[tilespmem:s0+$0x10] =	vst v2  }
0x3a1: {  	[tilespmem:s0+$0x20] =	vst v3  }
0x3a2: {  	[tilespmem:s0+$0x30] =	vst v4  }
0x3a3: {  	[tilespmem:s0+$0x40] =	vst v5  }
0x3a4: {  	[tilespmem:s0+$0x50] =	vst v6  }
0x3a5: {  	[tilespmem:s0+$0x60] =	vst v7  }
0x3a6: {  	[tilespmem:s0+$0x70] =	vst v8  }
0x3a7: {  	v1 =	vld [tilespmem:s29+$0xFFFFFE00]  }
0x3a8: {  	v2 =	vld [tilespmem:s29+$0xFFFFFE10]  }
0x3a9: {  	v3 =	vld [tilespmem:s29+$0xFFFFFE20]  }
0x3aa: {  	v4 =	vld [tilespmem:s29+$0xFFFFFE30]  }
0x3ab: {  	v5 =	vld [tilespmem:s29+$0xFFFFFE40]  }
0x3ac: {  	v6 =	vld [tilespmem:s29+$0xFFFFFE50]  }
0x3ad: {  	v7 =	vld [tilespmem:s29+$0xFFFFFE60]  }
0x3ae: {  	s0 =	sadd.s32 $0x13F00, s22;
	v8 =	vld [tilespmem:s29+$0xFFFFFE70];
	[tilespmem:s22+$0x13F00] =	vst v1  }
0x3af: {  	[tilespmem:s0+$0x10] =	vst v2  }
0x3b0: {  	[tilespmem:s0+$0x20] =	vst v3  }
0x3b1: {  	[tilespmem:s0+$0x30] =	vst v4  }
0x3b2: {  	[tilespmem:s0+$0x40] =	vst v5  }
0x3b3: {  	[tilespmem:s0+$0x50] =	vst v6  }
0x3b4: {  	[tilespmem:s0+$0x60] =	vst v7  }
0x3b5: {  	[tilespmem:s0+$0x70] =	vst v8  }
0x3b6: {  	v1 =	vld [tilespmem:s29+$0xFFFFFE80]  }
0x3b7: {  	v2 =	vld [tilespmem:s29+$0xFFFFFE90]  }
0x3b8: {  	v3 =	vld [tilespmem:s29+$0xFFFFFEA0]  }
0x3b9: {  	v4 =	vld [tilespmem:s29+$0xFFFFFEB0]  }
0x3ba: {  	v5 =	vld [tilespmem:s29+$0xFFFFFEC0]  }
0x3bb: {  	v6 =	vld [tilespmem:s29+$0xFFFFFED0]  }
0x3bc: {  	v7 =	vld [tilespmem:s29+$0xFFFFFEE0]  }
0x3bd: {  	s0 =	sadd.s32 $0x14300, s22;
	v8 =	vld [tilespmem:s29+$0xFFFFFEF0];
	[tilespmem:s22+$0x14300] =	vst v1  }
0x3be: {  	[tilespmem:s0+$0x10] =	vst v2  }
0x3bf: {  	[tilespmem:s0+$0x20] =	vst v3  }
0x3c0: {  	[tilespmem:s0+$0x30] =	vst v4  }
0x3c1: {  	[tilespmem:s0+$0x40] =	vst v5  }
0x3c2: {  	[tilespmem:s0+$0x50] =	vst v6  }
0x3c3: {  	[tilespmem:s0+$0x60] =	vst v7  }
0x3c4: {  	[tilespmem:s0+$0x70] =	vst v8  }
0x3c5: {  	v1 =	vld [tilespmem:s29+$0xFFFFFF00]  }
0x3c6: {  	v2 =	vld [tilespmem:s29+$0xFFFFFF10]  }
0x3c7: {  	v3 =	vld [tilespmem:s29+$0xFFFFFF20]  }
0x3c8: {  	v4 =	vld [tilespmem:s29+$0xFFFFFF30]  }
0x3c9: {  	v5 =	vld [tilespmem:s29+$0xFFFFFF40]  }
0x3ca: {  	v6 =	vld [tilespmem:s29+$0xFFFFFF50]  }
0x3cb: {  	v7 =	vld [tilespmem:s29+$0xFFFFFF60]  }
0x3cc: {  	s0 =	sadd.s32 $0x14700, s22;
	v8 =	vld [tilespmem:s29+$0xFFFFFF70];
	[tilespmem:s22+$0x14700] =	vst v1  }
0x3cd: {  	[tilespmem:s0+$0x10] =	vst v2  }
0x3ce: {  	[tilespmem:s0+$0x20] =	vst v3  }
0x3cf: {  	[tilespmem:s0+$0x30] =	vst v4  }
0x3d0: {  	[tilespmem:s0+$0x40] =	vst v5  }
0x3d1: {  	[tilespmem:s0+$0x50] =	vst v6  }
0x3d2: {  	[tilespmem:s0+$0x60] =	vst v7  }
0x3d3: {  	[tilespmem:s0+$0x70] =	vst v8  }
0x3d4: {  	v1 =	vld [tilespmem:s29+$0xFFFFFFD8];
	_ =	sdelay $0x1  }
0x3d5: {  	v6 =	vld [tilespmem:s29+$0xFFFFFF80]  }
0x3d6: {  	v5 =	vld [tilespmem:s29+$0xFFFFFF90]  }
0x3d7: {  	v4 =	vld [tilespmem:s29+$0xFFFFFFA0]  }
0x3d8: {  	s30 =	sadd.s32 $0x14B00, s22;
	v3 =	vld [tilespmem:s29+$0xFFFFFFB0];
	v7 =	vperm.xlane v1, v0  }
0x3d9: {  	s0 =	sor.u32 $0x60, s30;
	v2 =	vld [tilespmem:s29+$0xFFFFFFC0]  }
0x3da: {  	v1 =	vld [tilespmem:s29+$0xFFFFFFD0];
	[tilespmem:s0+$0x0] =	vst.msk $0xff, v7  }
0x3db: {  	v7 =	vld [tilespmem:s29+$0x0]  }
0x3dc: {  	v8 =	vld [tilespmem:s29+$0x10]  }
0x3dd: {  	v9 =	vld [tilespmem:s29+$0x20]  }
0x3de: {  	v10 =	vld [tilespmem:s29+$0x30]  }
0x3df: {  	v11 =	vld [tilespmem:s29+$0x40]  }
0x3e0: {  	s1 =	sand.u32 $0x380, s25;
	s0 =	sand.u32 $0xE000, s26;
	v12 =	vld [tilespmem:s29+$0x50]  }
0x3e1: {  	s31 =	sor.u32 s1, s0;
	v13 =	vld [tilespmem:s29+$0x60]  }
0x3e2: {  	v14 =	vld [tilespmem:s29+$0x70];
	[tilespmem:s31+$0xCF00] =	vst v7  }
0x3e3: {  	[tilespmem:s31+$0xCF10] =	vst v8  }
0x3e4: {  	[tilespmem:s31+$0xCF20] =	vst v9  }
0x3e5: {  	[tilespmem:s31+$0xCF30] =	vst v10  }
0x3e6: {  	[tilespmem:s31+$0xCF40] =	vst v11  }
0x3e7: {  	[tilespmem:s31+$0xCF50] =	vst v12  }
0x3e8: {  	[tilespmem:s31+$0xCF60] =	vst v13  }
0x3e9: {  	[tilespmem:s31+$0xCF70] =	vst v14  }
0x3ea: {  	v8 =	vld [tilespmem:s29+$0x80]  }
0x3eb: {  	v9 =	vld [tilespmem:s29+$0x90]  }
0x3ec: {  	v10 =	vld [tilespmem:s29+$0xA0]  }
0x3ed: {  	v11 =	vld [tilespmem:s29+$0xB0]  }
0x3ee: {  	s28 =	sadd.s32 $0x2, s28;
	v12 =	vld [tilespmem:s29+$0xC0]  }
0x3ef: {  	p1 =	slt.u32 s28, $0x18;
	v13 =	vld [tilespmem:s29+$0xD0]  }
0x3f0: {  	v14 =	vld [tilespmem:s29+$0xE0]  }
0x3f1: {  	v7 =	vld [tilespmem:s29+$0xF0];
	[tilespmem:s31+$0xD300] =	vst v8  }
0x3f2: {  	[tilespmem:s31+$0xD310] =	vst v9  }
.Ltmp1:
0x3f3: {  	[tilespmem:s31+$0xD320] =	vst v10;
	(pc) =	sbr.rel @p1 .LBB2_5-.Ltmp1, $4  }
0x3f4: {  	[tilespmem:s31+$0xD330] =	vst v11  }
0x3f5: {  	[tilespmem:s31+$0xD340] =	vst v12  }
0x3f6: {  	[tilespmem:s31+$0xD350] =	vst v13  }
0x3f7: {  	s29 =	sadd.s32 $0x800, s29;
	[tilespmem:s31+$0xD360] =	vst v14  }
0x3f8: {  	[tilespmem:s31+$0xD370] =	vst v7  }
0x3f9: {  	v7 =	vld [tilespmem:s21+$0x100]  }
0x3fa: {  	v8 =	vld [tilespmem:s21+$0x110]  }
0x3fb: {  	v9 =	vld [tilespmem:s21+$0x120]  }
0x3fc: {  	v10 =	vld [tilespmem:s21+$0x130]  }
0x3fd: {  	v11 =	vld [tilespmem:s21+$0x140]  }
0x3fe: {  	v12 =	vld [tilespmem:s21+$0x150]  }
0x3ff: {  	v13 =	vld [tilespmem:s21+$0x160]  }
0x400: {  	v14 =	vld [tilespmem:s21+$0x170];
	[tilespmem:s31+$0xD700] =	vst v7  }
0x401: {  	[tilespmem:s31+$0xD710] =	vst v8  }
0x402: {  	[tilespmem:s31+$0xD720] =	vst v9  }
0x403: {  	[tilespmem:s31+$0xD730] =	vst v10  }
0x404: {  	[tilespmem:s31+$0xD740] =	vst v11  }
0x405: {  	[tilespmem:s31+$0xD750] =	vst v12  }
0x406: {  	[tilespmem:s31+$0xD760] =	vst v13  }
0x407: {  	[tilespmem:s31+$0xD770] =	vst v14  }
0x408: {  	v7 =	vld [tilespmem:s21+$0x180]  }
0x409: {  	v8 =	vld [tilespmem:s21+$0x190]  }
0x40a: {  	v9 =	vld [tilespmem:s21+$0x1A0]  }
0x40b: {  	v10 =	vld [tilespmem:s21+$0x1B0]  }
0x40c: {  	v11 =	vld [tilespmem:s21+$0x1C0]  }
0x40d: {  	v12 =	vld [tilespmem:s21+$0x1D0]  }
0x40e: {  	v13 =	vld [tilespmem:s21+$0x1E0]  }
0x40f: {  	v14 =	vld [tilespmem:s21+$0x1F0];
	[tilespmem:s31+$0xDB00] =	vst v7  }
0x410: {  	[tilespmem:s31+$0xDB10] =	vst v8  }
0x411: {  	[tilespmem:s31+$0xDB20] =	vst v9  }
0x412: {  	[tilespmem:s31+$0xDB30] =	vst v10  }
0x413: {  	[tilespmem:s31+$0xDB40] =	vst v11  }
0x414: {  	[tilespmem:s31+$0xDB50] =	vst v12  }
0x415: {  	[tilespmem:s31+$0xDB60] =	vst v13  }
0x416: {  	[tilespmem:s31+$0xDB70] =	vst v14  }
0x417: {  	v7 =	vld [tilespmem:s21+$0x200]  }
0x418: {  	v8 =	vld [tilespmem:s21+$0x210]  }
0x419: {  	v9 =	vld [tilespmem:s21+$0x220]  }
0x41a: {  	v10 =	vld [tilespmem:s21+$0x230]  }
0x41b: {  	v11 =	vld [tilespmem:s21+$0x240]  }
0x41c: {  	v12 =	vld [tilespmem:s21+$0x250]  }
0x41d: {  	v13 =	vld [tilespmem:s21+$0x260]  }
0x41e: {  	v14 =	vld [tilespmem:s21+$0x270];
	[tilespmem:s31+$0xDF00] =	vst v7  }
0x41f: {  	[tilespmem:s31+$0xDF10] =	vst v8  }
0x420: {  	[tilespmem:s31+$0xDF20] =	vst v9  }
0x421: {  	[tilespmem:s31+$0xDF30] =	vst v10  }
0x422: {  	[tilespmem:s31+$0xDF40] =	vst v11  }
0x423: {  	[tilespmem:s31+$0xDF50] =	vst v12  }
0x424: {  	[tilespmem:s31+$0xDF60] =	vst v13  }
0x425: {  	[tilespmem:s31+$0xDF70] =	vst v14  }
0x426: {  	v7 =	vld [tilespmem:s21+$0x280]  }
0x427: {  	v8 =	vld [tilespmem:s21+$0x290]  }
0x428: {  	v9 =	vld [tilespmem:s21+$0x2A0]  }
0x429: {  	v10 =	vld [tilespmem:s21+$0x2B0]  }
0x42a: {  	v11 =	vld [tilespmem:s21+$0x2C0]  }
0x42b: {  	v12 =	vld [tilespmem:s21+$0x2D0]  }
0x42c: {  	v13 =	vld [tilespmem:s21+$0x2E0]  }
0x42d: {  	v14 =	vld [tilespmem:s21+$0x2F0];
	[tilespmem:s31+$0xE300] =	vst v7  }
0x42e: {  	[tilespmem:s31+$0xE310] =	vst v8  }
0x42f: {  	[tilespmem:s31+$0xE320] =	vst v9  }
0x430: {  	[tilespmem:s31+$0xE330] =	vst v10  }
0x431: {  	[tilespmem:s31+$0xE340] =	vst v11  }
0x432: {  	[tilespmem:s31+$0xE350] =	vst v12  }
0x433: {  	[tilespmem:s31+$0xE360] =	vst v13  }
0x434: {  	[tilespmem:s31+$0xE370] =	vst v14  }
0x435: {  	v7 =	vld [tilespmem:s21+$0x300]  }
0x436: {  	v8 =	vld [tilespmem:s21+$0x310]  }
0x437: {  	v9 =	vld [tilespmem:s21+$0x320]  }
0x438: {  	v10 =	vld [tilespmem:s21+$0x330]  }
0x439: {  	v11 =	vld [tilespmem:s21+$0x340]  }
0x43a: {  	v12 =	vld [tilespmem:s21+$0x350]  }
0x43b: {  	v13 =	vld [tilespmem:s21+$0x360]  }
0x43c: {  	v14 =	vld [tilespmem:s21+$0x370];
	[tilespmem:s31+$0xE700] =	vst v7  }
0x43d: {  	[tilespmem:s31+$0xE710] =	vst v8  }
0x43e: {  	[tilespmem:s31+$0xE720] =	vst v9  }
0x43f: {  	[tilespmem:s31+$0xE730] =	vst v10  }
0x440: {  	[tilespmem:s31+$0xE740] =	vst v11  }
0x441: {  	[tilespmem:s31+$0xE750] =	vst v12  }
0x442: {  	[tilespmem:s31+$0xE760] =	vst v13  }
0x443: {  	[tilespmem:s31+$0xE770] =	vst v14  }
0x444: {  	v7 =	vld [tilespmem:s21+$0x3D8]  }
0x445: {  	[tilespmem:s22+$0x14B00] =	vst v6  }
0x446: {  	s0 =	sadd.s32 $0x2, s23;
	[tilespmem:s30+$0x10] =	vst v5;
	v60 =	vld [tilespmem:s21+$0x380]  }
0x447: {  	s0 =	sand.u32 $0x7, s0;
	[tilespmem:s30+$0x20] =	vst v4;
	v61 =	vld [tilespmem:s21+$0x390]  }
0x448: {  	s1 =	sadd.s32 $0x800, s24;
	[tilespmem:s30+$0x30] =	vst v3;
	s0 =	sshll.u32 s0, $0x7;
	v62 =	vld [tilespmem:s21+$0x3A0]  }
0x449: {  	[tilespmem:s30+$0x40] =	vst v2;
	s0 =	sadd.s32 s0, s1;
	v3 =	vld [tilespmem:s21+$0x3B0];
	v2 =	vperm.xlane v7, v0  }
0x44a: {  	[tilespmem:s30+$0x50] =	vst v1;
	s1 =	sor.u32 $0x1C60, s0;
	v63 =	vld [tilespmem:s21+$0x3C0]  }
0x44b: {  	s25 =	sor.u32 $0x1C00, s0;
	v1 =	vld [tilespmem:s21+$0x3D0];
	[tilespmem:s1+$0xCF00] =	vst.msk $0xff, v2  }
0x44c: {  	s26 =	sor.u32 $0x1C10, s0;
	[tilespmem:s25+$0xCF00] =	vst v60  }
0x44d: {  	s28 =	sor.u32 $0x1C20, s0;
	[tilespmem:s26+$0xCF00] =	vst v61  }
0x44e: {  	s29 =	sor.u32 $0x1C30, s0;
	[tilespmem:s28+$0xCF00] =	vst v62  }
0x44f: {  	s30 =	sor.u32 $0x1C40, s0;
	[tilespmem:s29+$0xCF00] =	vst v3  }
0x450: {  	s0 =	sor.u32 $0x1C50, s0;
	[tilespmem:s30+$0xCF00] =	vst v63  }
0x451: {  	s1 =	sadd.s32 @!p0 $0x18, s20;
	s20 =	simm.s32 @!p0 $0x6700;
	[tilespmem:s0+$0xCF00] =	vst v1;
	s0 =	simm.s32 @!p0 $0x1A  }
0x452: {  	[tilespmem:s20], [sflag:$0x2] =	stream.indirect.gather @!p0 [hbm4b:s2+s0], $0x400, s1, s0, $0xb8;
	[tilespmem:$0x1AF00] =	vst v63  }
0x453: {  	p0 =	sne.s32 s19, $0x20  }
.Ltmp2:
0x454: {  	s18 =	sadd.s32 s5, s18;
	(pc) =	sbr.rel @p0 .LBB2_2-.Ltmp2, $3  }
0x455: {  	s18 =	smul.u32 $0x1C00, s18;
	_ =	sdelay $0x1  }
0x456: {  	s31 =	sadd.s32 s4, s18;
	s18 =	smov.u32 s19  }
0x457: {  	[hbm4b:s31+s3] =	stream.linear.scatter [tilespmem:s15], [sflag:$0x3], $0xE000, $0x38;
	[tilespmem:$0x1AF00] =	vst v63  }
0x458: {  	s17 =	sadd.s32 $0x1, s17  }
0x459: {  	p0 =	sne.s32 s17, s7  }
.Ltmp3:
0x45a: {  	_ = 	snop;
	(pc) =	sbr.rel @p0 .LBB2_1-.Ltmp3, $4  }
0x45b: {  	_ = 	snop  }
0x45c: {  	_ =	swait.ge [sflag:s16], $0xE000  }
0x45d: {  	[sflag:s16] =	ssyncset.done $0x0  }
0x45e: {  	[sflag:s16] =	ssyncadd.s32 $0xFFFF2000  }
0x45f: {  	_ =	sfence.sel $0x180000  }
0x460: {  	[bflag:$0x0] =	sbarrier.arrive $0xFFFF  }
0x461: {  	_ =	strace $0x90000047  }
0x462: {  	s0 =	stileid.u32;
	[bflag:$0x2] =	sbarrier.arrive $0xFFFF  }
0x463: {  	p0 =	sne.s32 s0, $0x0;
	s0 =	rddreg [dreg:$0x2]  }
0x464: {  	s0 =	sadd.s32 @!p0 $0x100000, s0  }
0x465: {  	[sflag:s0] =	ssyncadd.tile.s32 @!p0 $0x1;
	_ =	shalt  }
.Lfunc_end2:
_tile_overlayer_lowered:
.L_overlay_start_2:
0x466: {  	(tag) =	ssettag $0x2  }
0x467: {  	s0 =	rddreg [dreg:$0x0];
	s2 =	stileid.u32  }
0x468: {  	s1 =	rddreg [dreg:$0x1];
	p0 =	sne.s32 s2, $0x0  }
0x469: {  	s3 =	rddreg [dreg:$0x2];
	[bflag:$0x3] =	sbarrier.arrive $0xFFFF;
	s2 =	simm.s32 @!p0 $0x1C04  }
0x46a: {  	[timem:s3], [sflag:s2] =	dma.local @!p0 [hbm:s0], s1  }
0x46b: {  	s0 =	simm.s32 @!p0 $0x4  }
0x46c: {  	_ =	swait.ge @!p0 [sflag:s0], s1  }
0x46d: {  	s1 =	ssub.s32 @!p0 $0x0, s1;
	[sflag:s0] =	ssyncset.done @!p0 $0x0  }
0x46e: {  	[sflag:s0] =	ssyncadd.s32 @!p0 s1  }
0x46f: {  	[bflag:$0x3] =	sbarrier.arrive $0xFFFF  }
0x470: {  	_ =	shalt  }

</sc_bundles>
